<compile_context>
chip_gen: v7x
topology: tpu7x:2x2x1
jax: 0.10.2.dev20260603
libtpu: 0.0.44.dev20260713+nightly
codegen_flags: <defaults>
</compile_context>

<pallas_src>
import functools

import jax
import jax.numpy as jnp
from jax import lax
from jax.experimental import pallas as pl
from jax.experimental.pallas import tpu as pltpu
from jax.experimental.pallas import tpu_sc as plsc

_IMIN = -2147483648


def _topk_body(K, TQ, base0, xt_ref, xq_ref, fidx_ref):
    b = pl.program_id(0)
    q = pl.program_id(1)
    xt = xt_ref[0]
    xq = xq_ref[0]
    n, c = xt.shape
    inner = lax.dot_general(xq, xt, (((1,), (1,)), ((), ())),
                            preferred_element_type=jnp.float32)
    sq = lax.dot_general(jnp.ones((1, c), jnp.float32), xt * xt,
                         (((1,), (1,)), ((), ())),
                         preferred_element_type=jnp.float32)
    score = 2.0 * inner - sq
    bits = lax.bitcast_convert_type(score, jnp.int32)
    key = jnp.where(bits >= 0, bits, bits ^ jnp.int32(0x7FFFFFFF))
    lane = lax.broadcasted_iota(jnp.int32, (TQ, n), 1)
    key = (key & jnp.int32(-2048)) | (jnp.int32(2047) - lane)
    self_lane = lax.broadcasted_iota(jnp.int32, (TQ, n), 0) + q * TQ
    key = jnp.where(lane == self_lane, jnp.int32(_IMIN), key)
    col = lax.broadcasted_iota(jnp.int32, (TQ, K), 1)
    ids = jnp.zeros((TQ, K), jnp.int32)
    base = b * n + base0
    for j in range(K):
        m = jnp.max(key, axis=1, keepdims=True)
        amj = jnp.int32(2047) - (m & jnp.int32(2047))
        ids = jnp.where(col == j, amj + base, ids)
        key = jnp.where(key == m, jnp.int32(_IMIN), key)
    fidx_ref[0] = ids


def _topk_call(xt, K, TQ, base=0):
    B, N, C = xt.shape
    return pl.pallas_call(
        functools.partial(_topk_body, K, TQ, base),
        grid=(B, N // TQ),
        in_specs=[
            pl.BlockSpec((1, N, C), lambda b, q: (b, 0, 0)),
            pl.BlockSpec((1, TQ, C), lambda b, q: (b, q, 0)),
        ],
        out_specs=pl.BlockSpec((1, TQ, K), lambda b, q: (b, q, 0)),
        out_shape=jax.ShapeDtypeStruct((B, N, K), jnp.int32),
    )(xt, xt)


def _sc_gather(table, idx):
    Rtot = idx.shape[0]
    Cw = table.shape[1]
    dt = table.dtype
    info = plsc.get_sparse_core_info()
    NW = info.num_cores * info.num_subcores
    per_w = Rtot // NW
    J = per_w // 128
    GB = min(J, 8)
    idx3 = idx.reshape(NW, J, 128)
    mesh = plsc.VectorSubcoreMesh(core_axis_name="c", subcore_axis_name="s")

    @functools.partial(
        pl.kernel, mesh=mesh,
        compiler_params=pltpu.CompilerParams(use_tc_tiling_on_sc=False),
        out_type=jax.ShapeDtypeStruct((Rtot // 128, 128, Cw), dt),
        scratch_types=[
            pltpu.VMEM((J, 128), jnp.int32),
            pltpu.VMEM((GB, 128, Cw), dt),
            pltpu.SemaphoreType.DMA,
        ],
    )
    def k(table_hbm, idx_hbm, out_hbm, idx_v, rows_v, sem):
        w = lax.axis_index("s") * info.num_cores + lax.axis_index("c")
        pltpu.sync_copy(idx_hbm.at[w], idx_v)
        def group(g, carry):
            def fire(t, c2):
                pltpu.async_copy(table_hbm.at[idx_v.at[g * GB + t]],
                                 rows_v.at[t], sem)
                return c2
            lax.fori_loop(0, GB, fire, 0)
            def drain(t, c2):
                pltpu.make_async_copy(table_hbm.at[idx_v.at[0]],
                                      rows_v.at[t], sem).wait()
                return c2
            lax.fori_loop(0, GB, drain, 0)
            pltpu.sync_copy(rows_v, out_hbm.at[pl.ds(w * J + g * GB, GB)])
            return carry
        lax.fori_loop(0, J // GB, group, 0)

    return k(table, idx3)


def _conv_body(K, TN, xt_ref, xg_ref, w1d_ref, w1b_ref, w2_ref, w3_ref,
               b1_ref, b2_ref, b3_ref, out_ref):
    R = TN * K
    xt = xt_ref[0]
    xg = xg_ref[0].reshape(R, xt.shape[1]).astype(jnp.bfloat16)
    u = jnp.dot(xt.astype(jnp.bfloat16), w1d_ref[...],
                preferred_element_type=jnp.float32) + b1_ref[...]
    vg = jnp.dot(xg, w1b_ref[...],
                 preferred_element_type=jnp.float32)
    e = u.shape[1]
    h1 = jnp.maximum(vg.reshape(TN, K, e) + u[:, None, :], 0.0).reshape(R, e)
    h2 = jnp.maximum(jnp.dot(h1.astype(jnp.bfloat16), w2_ref[...],
                             preferred_element_type=jnp.float32)
                     + b2_ref[...], 0.0)
    h3 = jnp.dot(h2.astype(jnp.bfloat16), w3_ref[...],
                 preferred_element_type=jnp.float32) + b3_ref[...]
    res = jnp.max(h3.reshape(TN, K, xt.shape[1]), axis=1) + xt
    out_ref[0] = res.T


def _conv_call(xt, xg, w1d, w1b, w2, w3, b1, b2, b3, K, TN):
    B, N, C = xt.shape
    E = w2.shape[0]
    return pl.pallas_call(
        functools.partial(_conv_body, K, TN),
        grid=(B, N // TN),
        in_specs=[
            pl.BlockSpec((1, TN, C), lambda b, q: (b, q, 0)),
            pl.BlockSpec((1, TN * K, C), lambda b, q: (b, q, 0)),
            pl.BlockSpec((C, E), lambda b, q: (0, 0)),
            pl.BlockSpec((C, E), lambda b, q: (0, 0)),
            pl.BlockSpec((E, E), lambda b, q: (0, 0)),
            pl.BlockSpec((E, C), lambda b, q: (0, 0)),
            pl.BlockSpec((1, E), lambda b, q: (0, 0)),
            pl.BlockSpec((1, E), lambda b, q: (0, 0)),
            pl.BlockSpec((1, C), lambda b, q: (0, 0)),
        ],
        out_specs=pl.BlockSpec((1, C, TN), lambda b, q: (b, 0, q)),
        out_shape=jax.ShapeDtypeStruct((B, C, N), jnp.float32),
    )(xt, xg.reshape(B, N * K, C),
      w1d.astype(jnp.bfloat16), w1b.astype(jnp.bfloat16),
      w2.astype(jnp.bfloat16), w3.astype(jnp.bfloat16),
      b1.reshape(1, E), b2.reshape(1, E), b3.reshape(1, C))


def kernel(input, W1, b1, W2, b2, W3, b3):
    x = input
    B, C, N = x.shape
    K = 16
    xt = jnp.transpose(x, (0, 2, 1))
    w1a, w1b = W1[:, :C], W1[:, C:]
    table = xt.reshape(B * N, C)
    fidxs = [_topk_call(xt[h:h + 1], K=K, TQ=512, base=h * N) for h in range(B)]
    xgs = [_sc_gather(table, fidxs[h].reshape(N * K)) for h in range(B)]
    outs = [_conv_call(xt[h:h + 1], xgs[h].reshape(1, N, K, C),
                       (w1a - w1b).T, w1b.T, W2.T, W3.T, b1, b2, b3,
                       K=K, TN=512) for h in range(B)]
    return jnp.concatenate(outs, axis=0)

# --- scband reference (transcript-rebuilt; emitter-appended) ---
"""Pipeline reference for scband-resconvori-13237089206322 (READ-ONLY COPY).

The authoritative reference and input builder live on the scoring server;
editing this copy changes nothing except your own understanding.
"""

import jax, jax.numpy as jnp
import numpy as np

B, C, N, K = 4, 64, 2048, 16
CIN = 2 * C
CEXP = CIN * 2


def setup_inputs(seed: int = 0) -> dict:
    key = jax.random.key(seed)
    ks = jax.random.split(key, 7)
    return {
        "input": jax.random.normal(ks[0], (B, C, N), dtype=jnp.float32),
        "W1": jax.random.normal(ks[1], (CEXP, CIN), dtype=jnp.float32) * 0.05,
        "b1": jnp.zeros((CEXP,), dtype=jnp.float32),
        "W2": jax.random.normal(ks[2], (CEXP, CEXP), dtype=jnp.float32) * 0.05,
        "b2": jnp.zeros((CEXP,), dtype=jnp.float32),
        "W3": jax.random.normal(ks[3], (C, CEXP), dtype=jnp.float32) * 0.05,
        "b3": jnp.zeros((C,), dtype=jnp.float32),
    }


def reference(input, W1, b1, W2, b2, W3, b3):
    x = input  # (B, C, N)
    # KNN: pairwise squared distances between all points (self included)
    inner = jnp.einsum('bcn,bcm->bnm', x, x)          # (B, N, N)
    sq = jnp.sum(x * x, axis=1)                        # (B, N)
    dist2 = sq[:, :, None] + sq[:, None, :] - 2.0 * inner  # (B, Nq, Nr)
    # k+1 nearest (smallest distance first -> largest of -dist2)
    _, idx = jax.lax.top_k(-dist2, K + 1)              # (B, N, K+1)
    idx = idx[:, :, 1:]                                # drop self -> (B, N, K)
    idx = jnp.transpose(idx, (0, 2, 1))                # (B, K, N)
    # grouping_operation: gather neighbor features
    xb = jnp.broadcast_to(x[:, :, None, :], (B, C, K, N))
    idxb = jnp.broadcast_to(idx[:, None, :, :], (B, C, K, N))
    neighbors = jnp.take_along_axis(xb, idxb, axis=3)  # (B, C, K, N)
    central = jnp.broadcast_to(x[:, :, None, :], (B, C, K, N))
    edge = jnp.concatenate([central, neighbors - central], axis=1)  # (B, 2C, K, N)
    # 1x1 convs = per-position channel matmuls
    h = jax.nn.relu(jnp.einsum('oi,bikn->bokn', W1, edge) + b1[None, :, None, None])
    h = jax.nn.relu(jnp.einsum('oi,bikn->bokn', W2, h) + b2[None, :, None, None])
    h = jnp.einsum('oi,bikn->bokn', W3, h) + b3[None, :, None, None]  # (B, C, K, N)
    res = jnp.max(h, axis=2)                           # (B, C, N)
    return res + x

if __name__ == "__main__":
    import jax
    _d = setup_inputs()
    print(jax.jit(kernel)(*tuple(_d.values())))

</pallas_src>

<mosaic_0001>
#map = affine_map<(d0, d1) -> (0, 0)>
#map1 = affine_map<(d0, d1) -> (0, 0, 0)>
module attributes {stable_mosaic.version = 14 : i64} {
  func.func @k(%arg0: i32, %arg1: i32, %arg2: memref<8192x64xf32, #tpu.memory_space<hbm>>, %arg3: memref<32x8x128xi32, #tpu.memory_space<hbm>>, %arg4: memref<256x128x64xf32, #tpu.memory_space<hbm>>, %arg5: memref<8x128xi32, #tpu.memory_space<vmem>>, %arg6: memref<8x128x64xf32, #tpu.memory_space<vmem>>, %arg7: memref<!tpu.dma_semaphore, #tpu.memory_space<semaphore_mem>>) attributes {dimension_semantics = [#tpu.dimension_semantics<core_parallel>, #tpu.dimension_semantics<subcore_parallel>], iteration_bounds = array<i64: 2, 16>, scalar_prefetch = 0 : i64, scratch_operands = 3 : i64, tpu.core_type = #tpu.core_type<sc_vector_subcore>, window_params = [{transform_indices = #map}, {transform_indices = #map1}, {transform_indices = #map1}]} {
    %mul3A = arith.constant 2 : i32
    %mul3A_0 = arith.muli %arg1, %mul3A : i32
    %add3A = arith.addi %mul3A_0, %arg0 : i32
    "tpu.region"() ({
      %run_scoped3A = tpu.sem_alloc : memref<!tpu.dma_semaphore, #tpu.memory_space<semaphore_mem>>
      %dma_start3A = arith.constant 0 : i32
      %dma_start3A_20 = arith.constant 0 : i32
      %dma_start3A_21 = tpu.memref_slice %arg3[%add3A, %dma_start3A, %dma_start3A_20] : memref<32x8x128xi32, #tpu.memory_space<hbm>> -> memref<1x8x128xi32, #tpu.memory_space<hbm>>
      %dma_start3A_22 = tpu.memref_squeeze %dma_start3A_21 : memref<1x8x128xi32, #tpu.memory_space<hbm>> -> memref<8x128xi32, #tpu.memory_space<hbm>>
      %dma_start3A_23 = arith.constant 0 : i32
      %dma_start3A_24 = arith.constant 0 : i32
      %dma_start3A_25 = tpu.memref_slice %arg3[%add3A, %dma_start3A_23, %dma_start3A_24] : memref<32x8x128xi32, #tpu.memory_space<hbm>> -> memref<1x8x128xi32, #tpu.memory_space<hbm>>
      %dma_start3A_26 = tpu.memref_squeeze %dma_start3A_25 : memref<1x8x128xi32, #tpu.memory_space<hbm>> -> memref<8x128xi32, #tpu.memory_space<hbm>>
      tpu.enqueue_dma source(%dma_start3A_26 : memref<8x128xi32, #tpu.memory_space<hbm>>) target(%arg5 : memref<8x128xi32, #tpu.memory_space<vmem>>) target_semaphore(%run_scoped3A : memref<!tpu.dma_semaphore, #tpu.memory_space<semaphore_mem>>)
      %dma_wait3A = arith.constant 0 : i32
      %dma_wait3A_27 = arith.constant 0 : i32
      %dma_wait3A_28 = tpu.memref_slice %arg3[%add3A, %dma_wait3A, %dma_wait3A_27] : memref<32x8x128xi32, #tpu.memory_space<hbm>> -> memref<1x8x128xi32, #tpu.memory_space<hbm>>
      %dma_wait3A_29 = tpu.memref_squeeze %dma_wait3A_28 : memref<1x8x128xi32, #tpu.memory_space<hbm>> -> memref<8x128xi32, #tpu.memory_space<hbm>>
      %dma_wait3A_30 = arith.constant 0 : i32
      %dma_wait3A_31 = arith.constant 0 : i32
      %dma_wait3A_32 = tpu.memref_slice %arg3[%add3A, %dma_wait3A_30, %dma_wait3A_31] : memref<32x8x128xi32, #tpu.memory_space<hbm>> -> memref<1x8x128xi32, #tpu.memory_space<hbm>>
      %dma_wait3A_33 = tpu.memref_squeeze %dma_wait3A_32 : memref<1x8x128xi32, #tpu.memory_space<hbm>> -> memref<8x128xi32, #tpu.memory_space<hbm>>
      tpu.wait_dma2 semaphore(%run_scoped3A : memref<!tpu.dma_semaphore, #tpu.memory_space<semaphore_mem>>) src(%dma_wait3A_33 : memref<8x128xi32, #tpu.memory_space<hbm>>) dst(%arg5 : memref<8x128xi32, #tpu.memory_space<vmem>>)
      tpu.yield
    }) : () -> ()
    %scan3A = arith.constant 0 : i32
    %scan3A_1 = arith.constant 0 : i32
    %scan3A_2 = arith.constant 0 : i32
    %scan3A_3 = arith.constant 0 : i32
    %scan3A_4 = arith.constant 8 : i32
    %scan3A_5 = arith.addi %scan3A_3, %scan3A_4 : i32
    %scan3A_6 = arith.constant 1 : i32
    scf.for %scan3A_20 = %scan3A_3 to %scan3A_5 step %scan3A_6  : i32 {
      %mul3A_21 = arith.constant 8 : i32
      %mul3A_22 = arith.muli %scan3A_1, %mul3A_21 : i32
      %add3A_23 = arith.addi %mul3A_22, %scan3A_20 : i32
      %dma_start3A = arith.constant 0 : i32
      %dma_start3A_24 = arith.constant 0 : i32
      %dma_start3A_25 = tpu.memref_slice %arg6[%scan3A_20, %dma_start3A, %dma_start3A_24] : memref<8x128x64xf32, #tpu.memory_space<vmem>> -> memref<1x128x64xf32, #tpu.memory_space<vmem>>
      %dma_start3A_26 = tpu.memref_squeeze %dma_start3A_25 : memref<1x128x64xf32, #tpu.memory_space<vmem>> -> memref<128x64xf32, #tpu.memory_space<vmem>>
      %dma_start3A_27 = arith.constant 0 : i32
      %dma_start3A_28 = tpu.memref_slice %arg5[%add3A_23, %dma_start3A_27] : memref<8x128xi32, #tpu.memory_space<vmem>> -> memref<1x128xi32, #tpu.memory_space<vmem>>
      %dma_start3A_29 = tpu.memref_squeeze %dma_start3A_28 : memref<1x128xi32, #tpu.memory_space<vmem>> -> memref<128xi32, #tpu.memory_space<vmem>>
      %dma_start3A_30 = arith.constant 0 : i32
      %dma_start3A_31 = arith.constant 0 : i32
      %dma_start3A_32 = tpu.memref_slice %arg2[%dma_start3A_30, %dma_start3A_31] : memref<8192x64xf32, #tpu.memory_space<hbm>> -> memref<8192x64xf32, #tpu.memory_space<hbm>>
      tpu.enqueue_indirect_dma source(%dma_start3A_32 : memref<8192x64xf32, #tpu.memory_space<hbm>>) target(%dma_start3A_26 : memref<128x64xf32, #tpu.memory_space<vmem>>) offsets(%dma_start3A_29 : memref<128xi32, #tpu.memory_space<vmem>>) semaphore(%arg7 : memref<!tpu.dma_semaphore, #tpu.memory_space<semaphore_mem>>)
    }
    %scan3A_7 = arith.constant 8 : i32
    %scan3A_8 = arith.constant 0 : i32
    %scan3A_9 = arith.constant 0 : i32
    %scan3A_10 = arith.constant 8 : i32
    %scan3A_11 = arith.addi %scan3A_9, %scan3A_10 : i32
    %scan3A_12 = arith.constant 1 : i32
    scf.for %scan3A_20 = %scan3A_9 to %scan3A_11 step %scan3A_12  : i32 {
      %dma_wait3A = arith.constant 0 : i32
      %dma_wait3A_21 = arith.constant 0 : i32
      %dma_wait3A_22 = arith.constant 0 : i32
      %dma_wait3A_23 = tpu.memref_slice %arg6[%scan3A_20, %dma_wait3A_21, %dma_wait3A_22] : memref<8x128x64xf32, #tpu.memory_space<vmem>> -> memref<1x128x64xf32, #tpu.memory_space<vmem>>
      %dma_wait3A_24 = tpu.memref_squeeze %dma_wait3A_23 : memref<1x128x64xf32, #tpu.memory_space<vmem>> -> memref<128x64xf32, #tpu.memory_space<vmem>>
      %dma_wait3A_25 = arith.constant 0 : i32
      %dma_wait3A_26 = tpu.memref_slice %arg5[%dma_wait3A, %dma_wait3A_25] : memref<8x128xi32, #tpu.memory_space<vmem>> -> memref<1x128xi32, #tpu.memory_space<vmem>>
      %dma_wait3A_27 = tpu.memref_squeeze %dma_wait3A_26 : memref<1x128xi32, #tpu.memory_space<vmem>> -> memref<128xi32, #tpu.memory_space<vmem>>
      %dma_wait3A_28 = arith.constant 0 : i32
      %dma_wait3A_29 = arith.constant 0 : i32
      %dma_wait3A_30 = tpu.memref_slice %arg2[%dma_wait3A_28, %dma_wait3A_29] : memref<8192x64xf32, #tpu.memory_space<hbm>> -> memref<8192x64xf32, #tpu.memory_space<hbm>>
      tpu.wait_indirect_dma semaphore(%arg7 : memref<!tpu.dma_semaphore, #tpu.memory_space<semaphore_mem>>) src(%dma_wait3A_30 : memref<8192x64xf32, #tpu.memory_space<hbm>>) dst(%dma_wait3A_24 : memref<128x64xf32, #tpu.memory_space<vmem>>)
    }
    %scan3A_13 = arith.constant 8 : i32
    %mul3A_14 = arith.constant 8 : i32
    %mul3A_15 = arith.muli %add3A, %mul3A_14 : i32
    %mul3A_16 = arith.constant 8 : i32
    %mul3A_17 = arith.muli %scan3A_1, %mul3A_16 : i32
    %add3A_18 = arith.addi %mul3A_15, %mul3A_17 : i32
    "tpu.region"() ({
      %run_scoped3A = tpu.sem_alloc : memref<!tpu.dma_semaphore, #tpu.memory_space<semaphore_mem>>
      %dma_start3A = arith.constant 0 : i32
      %dma_start3A_20 = arith.constant 0 : i32
      %dma_start3A_21 = tpu.memref_slice %arg4[%add3A_18, %dma_start3A, %dma_start3A_20] : memref<256x128x64xf32, #tpu.memory_space<hbm>> -> memref<8x128x64xf32, #tpu.memory_space<hbm>>
      %dma_start3A_22 = arith.constant 0 : i32
      %dma_start3A_23 = arith.constant 0 : i32
      %dma_start3A_24 = tpu.memref_slice %arg4[%add3A_18, %dma_start3A_22, %dma_start3A_23] : memref<256x128x64xf32, #tpu.memory_space<hbm>> -> memref<8x128x64xf32, #tpu.memory_space<hbm>>
      tpu.enqueue_dma source(%arg6 : memref<8x128x64xf32, #tpu.memory_space<vmem>>) target(%dma_start3A_24 : memref<8x128x64xf32, #tpu.memory_space<hbm>>) target_semaphore(%run_scoped3A : memref<!tpu.dma_semaphore, #tpu.memory_space<semaphore_mem>>)
      %dma_wait3A = arith.constant 0 : i32
      %dma_wait3A_25 = arith.constant 0 : i32
      %dma_wait3A_26 = tpu.memref_slice %arg4[%add3A_18, %dma_wait3A, %dma_wait3A_25] : memref<256x128x64xf32, #tpu.memory_space<hbm>> -> memref<8x128x64xf32, #tpu.memory_space<hbm>>
      %dma_wait3A_27 = arith.constant 0 : i32
      %dma_wait3A_28 = arith.constant 0 : i32
      %dma_wait3A_29 = tpu.memref_slice %arg4[%add3A_18, %dma_wait3A_27, %dma_wait3A_28] : memref<256x128x64xf32, #tpu.memory_space<hbm>> -> memref<8x128x64xf32, #tpu.memory_space<hbm>>
      tpu.wait_dma2 semaphore(%run_scoped3A : memref<!tpu.dma_semaphore, #tpu.memory_space<semaphore_mem>>) src(%arg6 : memref<8x128x64xf32, #tpu.memory_space<vmem>>) dst(%dma_wait3A_29 : memref<8x128x64xf32, #tpu.memory_space<hbm>>)
      tpu.yield
    }) : () -> ()
    %scan3A_19 = arith.constant 1 : i32
    return
  }
}

#map = affine_map<(d0, d1) -> (0, 0)>
#map1 = affine_map<(d0, d1) -> (0, 0, 0)>
module attributes {stable_mosaic.version = 14 : i64} {
  func.func @k(%arg0: i32, %arg1: i32, %arg2: memref<8192x64xf32, #tpu.memory_space<hbm>>, %arg3: memref<32x8x128xi32, #tpu.memory_space<hbm>>, %arg4: memref<256x128x64xf32, #tpu.memory_space<hbm>>, %arg5: memref<8x128xi32, #tpu.memory_space<vmem>>, %arg6: memref<8x128x64xf32, #tpu.memory_space<vmem>>, %arg7: memref<!tpu.dma_semaphore, #tpu.memory_space<semaphore_mem>>) attributes {dimension_semantics = [#tpu.dimension_semantics<core_parallel>, #tpu.dimension_semantics<subcore_parallel>], iteration_bounds = array<i64: 2, 16>, scalar_prefetch = 0 : i64, scratch_operands = 3 : i64, tpu.core_type = #tpu.core_type<sc_vector_subcore>, window_params = [{transform_indices = #map}, {transform_indices = #map1}, {transform_indices = #map1}]} {
    %mul3A = arith.constant 2 : i32
    %mul3A_0 = arith.muli %arg1, %mul3A : i32
    %add3A = arith.addi %mul3A_0, %arg0 : i32
    "tpu.region"() ({
      %run_scoped3A = tpu.sem_alloc : memref<!tpu.dma_semaphore, #tpu.memory_space<semaphore_mem>>
      %dma_start3A = arith.constant 0 : i32
      %dma_start3A_20 = arith.constant 0 : i32
      %dma_start3A_21 = tpu.memref_slice %arg3[%add3A, %dma_start3A, %dma_start3A_20] : memref<32x8x128xi32, #tpu.memory_space<hbm>> -> memref<1x8x128xi32, #tpu.memory_space<hbm>>
      %dma_start3A_22 = tpu.memref_squeeze %dma_start3A_21 : memref<1x8x128xi32, #tpu.memory_space<hbm>> -> memref<8x128xi32, #tpu.memory_space<hbm>>
      %dma_start3A_23 = arith.constant 0 : i32
      %dma_start3A_24 = arith.constant 0 : i32
      %dma_start3A_25 = tpu.memref_slice %arg3[%add3A, %dma_start3A_23, %dma_start3A_24] : memref<32x8x128xi32, #tpu.memory_space<hbm>> -> memref<1x8x128xi32, #tpu.memory_space<hbm>>
      %dma_start3A_26 = tpu.memref_squeeze %dma_start3A_25 : memref<1x8x128xi32, #tpu.memory_space<hbm>> -> memref<8x128xi32, #tpu.memory_space<hbm>>
      tpu.enqueue_dma source(%dma_start3A_26 : memref<8x128xi32, #tpu.memory_space<hbm>>) target(%arg5 : memref<8x128xi32, #tpu.memory_space<vmem>>) target_semaphore(%run_scoped3A : memref<!tpu.dma_semaphore, #tpu.memory_space<semaphore_mem>>)
      %dma_wait3A = arith.constant 0 : i32
      %dma_wait3A_27 = arith.constant 0 : i32
      %dma_wait3A_28 = tpu.memref_slice %arg3[%add3A, %dma_wait3A, %dma_wait3A_27] : memref<32x8x128xi32, #tpu.memory_space<hbm>> -> memref<1x8x128xi32, #tpu.memory_space<hbm>>
      %dma_wait3A_29 = tpu.memref_squeeze %dma_wait3A_28 : memref<1x8x128xi32, #tpu.memory_space<hbm>> -> memref<8x128xi32, #tpu.memory_space<hbm>>
      %dma_wait3A_30 = arith.constant 0 : i32
      %dma_wait3A_31 = arith.constant 0 : i32
      %dma_wait3A_32 = tpu.memref_slice %arg3[%add3A, %dma_wait3A_30, %dma_wait3A_31] : memref<32x8x128xi32, #tpu.memory_space<hbm>> -> memref<1x8x128xi32, #tpu.memory_space<hbm>>
      %dma_wait3A_33 = tpu.memref_squeeze %dma_wait3A_32 : memref<1x8x128xi32, #tpu.memory_space<hbm>> -> memref<8x128xi32, #tpu.memory_space<hbm>>
      tpu.wait_dma2 semaphore(%run_scoped3A : memref<!tpu.dma_semaphore, #tpu.memory_space<semaphore_mem>>) src(%dma_wait3A_33 : memref<8x128xi32, #tpu.memory_space<hbm>>) dst(%arg5 : memref<8x128xi32, #tpu.memory_space<vmem>>)
      tpu.yield
    }) : () -> ()
    %scan3A = arith.constant 0 : i32
    %scan3A_1 = arith.constant 0 : i32
    %scan3A_2 = arith.constant 0 : i32
    %scan3A_3 = arith.constant 0 : i32
    %scan3A_4 = arith.constant 8 : i32
    %scan3A_5 = arith.addi %scan3A_3, %scan3A_4 : i32
    %scan3A_6 = arith.constant 1 : i32
    scf.for %scan3A_20 = %scan3A_3 to %scan3A_5 step %scan3A_6  : i32 {
      %mul3A_21 = arith.constant 8 : i32
      %mul3A_22 = arith.muli %scan3A_1, %mul3A_21 : i32
      %add3A_23 = arith.addi %mul3A_22, %scan3A_20 : i32
      %dma_start3A = arith.constant 0 : i32
      %dma_start3A_24 = arith.constant 0 : i32
      %dma_start3A_25 = tpu.memref_slice %arg6[%scan3A_20, %dma_start3A, %dma_start3A_24] : memref<8x128x64xf32, #tpu.memory_space<vmem>> -> memref<1x128x64xf32, #tpu.memory_space<vmem>>
      %dma_start3A_26 = tpu.memref_squeeze %dma_start3A_25 : memref<1x128x64xf32, #tpu.memory_space<vmem>> -> memref<128x64xf32, #tpu.memory_space<vmem>>
      %dma_start3A_27 = arith.constant 0 : i32
      %dma_start3A_28 = tpu.memref_slice %arg5[%add3A_23, %dma_start3A_27] : memref<8x128xi32, #tpu.memory_space<vmem>> -> memref<1x128xi32, #tpu.memory_space<vmem>>
      %dma_start3A_29 = tpu.memref_squeeze %dma_start3A_28 : memref<1x128xi32, #tpu.memory_space<vmem>> -> memref<128xi32, #tpu.memory_space<vmem>>
      %dma_start3A_30 = arith.constant 0 : i32
      %dma_start3A_31 = arith.constant 0 : i32
      %dma_start3A_32 = tpu.memref_slice %arg2[%dma_start3A_30, %dma_start3A_31] : memref<8192x64xf32, #tpu.memory_space<hbm>> -> memref<8192x64xf32, #tpu.memory_space<hbm>>
      tpu.enqueue_indirect_dma source(%dma_start3A_32 : memref<8192x64xf32, #tpu.memory_space<hbm>>) target(%dma_start3A_26 : memref<128x64xf32, #tpu.memory_space<vmem>>) offsets(%dma_start3A_29 : memref<128xi32, #tpu.memory_space<vmem>>) semaphore(%arg7 : memref<!tpu.dma_semaphore, #tpu.memory_space<semaphore_mem>>)
    }
    %scan3A_7 = arith.constant 8 : i32
    %scan3A_8 = arith.constant 0 : i32
    %scan3A_9 = arith.constant 0 : i32
    %scan3A_10 = arith.constant 8 : i32
    %scan3A_11 = arith.addi %scan3A_9, %scan3A_10 : i32
    %scan3A_12 = arith.constant 1 : i32
    scf.for %scan3A_20 = %scan3A_9 to %scan3A_11 step %scan3A_12  : i32 {
      %dma_wait3A = arith.constant 0 : i32
      %dma_wait3A_21 = arith.constant 0 : i32
      %dma_wait3A_22 = arith.constant 0 : i32
      %dma_wait3A_23 = tpu.memref_slice %arg6[%scan3A_20, %dma_wait3A_21, %dma_wait3A_22] : memref<8x128x64xf32, #tpu.memory_space<vmem>> -> memref<1x128x64xf32, #tpu.memory_space<vmem>>
      %dma_wait3A_24 = tpu.memref_squeeze %dma_wait3A_23 : memref<1x128x64xf32, #tpu.memory_space<vmem>> -> memref<128x64xf32, #tpu.memory_space<vmem>>
      %dma_wait3A_25 = arith.constant 0 : i32
      %dma_wait3A_26 = tpu.memref_slice %arg5[%dma_wait3A, %dma_wait3A_25] : memref<8x128xi32, #tpu.memory_space<vmem>> -> memref<1x128xi32, #tpu.memory_space<vmem>>
      %dma_wait3A_27 = tpu.memref_squeeze %dma_wait3A_26 : memref<1x128xi32, #tpu.memory_space<vmem>> -> memref<128xi32, #tpu.memory_space<vmem>>
      %dma_wait3A_28 = arith.constant 0 : i32
      %dma_wait3A_29 = arith.constant 0 : i32
      %dma_wait3A_30 = tpu.memref_slice %arg2[%dma_wait3A_28, %dma_wait3A_29] : memref<8192x64xf32, #tpu.memory_space<hbm>> -> memref<8192x64xf32, #tpu.memory_space<hbm>>
      tpu.wait_indirect_dma semaphore(%arg7 : memref<!tpu.dma_semaphore, #tpu.memory_space<semaphore_mem>>) src(%dma_wait3A_30 : memref<8192x64xf32, #tpu.memory_space<hbm>>) dst(%dma_wait3A_24 : memref<128x64xf32, #tpu.memory_space<vmem>>)
    }
    %scan3A_13 = arith.constant 8 : i32
    %mul3A_14 = arith.constant 8 : i32
    %mul3A_15 = arith.muli %add3A, %mul3A_14 : i32
    %mul3A_16 = arith.constant 8 : i32
    %mul3A_17 = arith.muli %scan3A_1, %mul3A_16 : i32
    %add3A_18 = arith.addi %mul3A_15, %mul3A_17 : i32
    "tpu.region"() ({
      %run_scoped3A = tpu.sem_alloc : memref<!tpu.dma_semaphore, #tpu.memory_space<semaphore_mem>>
      %dma_start3A = arith.constant 0 : i32
      %dma_start3A_20 = arith.constant 0 : i32
      %dma_start3A_21 = tpu.memref_slice %arg4[%add3A_18, %dma_start3A, %dma_start3A_20] : memref<256x128x64xf32, #tpu.memory_space<hbm>> -> memref<8x128x64xf32, #tpu.memory_space<hbm>>
      %dma_start3A_22 = arith.constant 0 : i32
      %dma_start3A_23 = arith.constant 0 : i32
      %dma_start3A_24 = tpu.memref_slice %arg4[%add3A_18, %dma_start3A_22, %dma_start3A_23] : memref<256x128x64xf32, #tpu.memory_space<hbm>> -> memref<8x128x64xf32, #tpu.memory_space<hbm>>
      tpu.enqueue_dma source(%arg6 : memref<8x128x64xf32, #tpu.memory_space<vmem>>) target(%dma_start3A_24 : memref<8x128x64xf32, #tpu.memory_space<hbm>>) target_semaphore(%run_scoped3A : memref<!tpu.dma_semaphore, #tpu.memory_space<semaphore_mem>>)
      %dma_wait3A = arith.constant 0 : i32
      %dma_wait3A_25 = arith.constant 0 : i32
      %dma_wait3A_26 = tpu.memref_slice %arg4[%add3A_18, %dma_wait3A, %dma_wait3A_25] : memref<256x128x64xf32, #tpu.memory_space<hbm>> -> memref<8x128x64xf32, #tpu.memory_space<hbm>>
      %dma_wait3A_27 = arith.constant 0 : i32
      %dma_wait3A_28 = arith.constant 0 : i32
      %dma_wait3A_29 = tpu.memref_slice %arg4[%add3A_18, %dma_wait3A_27, %dma_wait3A_28] : memref<256x128x64xf32, #tpu.memory_space<hbm>> -> memref<8x128x64xf32, #tpu.memory_space<hbm>>
      tpu.wait_dma2 semaphore(%run_scoped3A : memref<!tpu.dma_semaphore, #tpu.memory_space<semaphore_mem>>) src(%arg6 : memref<8x128x64xf32, #tpu.memory_space<vmem>>) dst(%dma_wait3A_29 : memref<8x128x64xf32, #tpu.memory_space<hbm>>)
      tpu.yield
    }) : () -> ()
    %scan3A_19 = arith.constant 1 : i32
    return
  }
}

#map = affine_map<(d0, d1) -> (0, 0)>
#map1 = affine_map<(d0, d1) -> (0, 0, 0)>
module attributes {stable_mosaic.version = 14 : i64} {
  func.func @k(%arg0: i32, %arg1: i32, %arg2: memref<8192x64xf32, #tpu.memory_space<hbm>>, %arg3: memref<32x8x128xi32, #tpu.memory_space<hbm>>, %arg4: memref<256x128x64xf32, #tpu.memory_space<hbm>>, %arg5: memref<8x128xi32, #tpu.memory_space<vmem>>, %arg6: memref<8x128x64xf32, #tpu.memory_space<vmem>>, %arg7: memref<!tpu.dma_semaphore, #tpu.memory_space<semaphore_mem>>) attributes {dimension_semantics = [#tpu.dimension_semantics<core_parallel>, #tpu.dimension_semantics<subcore_parallel>], iteration_bounds = array<i64: 2, 16>, scalar_prefetch = 0 : i64, scratch_operands = 3 : i64, tpu.core_type = #tpu.core_type<sc_vector_subcore>, window_params = [{transform_indices = #map}, {transform_indices = #map1}, {transform_indices = #map1}]} {
    %mul3A = arith.constant 2 : i32
    %mul3A_0 = arith.muli %arg1, %mul3A : i32
    %add3A = arith.addi %mul3A_0, %arg0 : i32
    "tpu.region"() ({
      %run_scoped3A = tpu.sem_alloc : memref<!tpu.dma_semaphore, #tpu.memory_space<semaphore_mem>>
      %dma_start3A = arith.constant 0 : i32
      %dma_start3A_20 = arith.constant 0 : i32
      %dma_start3A_21 = tpu.memref_slice %arg3[%add3A, %dma_start3A, %dma_start3A_20] : memref<32x8x128xi32, #tpu.memory_space<hbm>> -> memref<1x8x128xi32, #tpu.memory_space<hbm>>
      %dma_start3A_22 = tpu.memref_squeeze %dma_start3A_21 : memref<1x8x128xi32, #tpu.memory_space<hbm>> -> memref<8x128xi32, #tpu.memory_space<hbm>>
      %dma_start3A_23 = arith.constant 0 : i32
      %dma_start3A_24 = arith.constant 0 : i32
      %dma_start3A_25 = tpu.memref_slice %arg3[%add3A, %dma_start3A_23, %dma_start3A_24] : memref<32x8x128xi32, #tpu.memory_space<hbm>> -> memref<1x8x128xi32, #tpu.memory_space<hbm>>
      %dma_start3A_26 = tpu.memref_squeeze %dma_start3A_25 : memref<1x8x128xi32, #tpu.memory_space<hbm>> -> memref<8x128xi32, #tpu.memory_space<hbm>>
      tpu.enqueue_dma source(%dma_start3A_26 : memref<8x128xi32, #tpu.memory_space<hbm>>) target(%arg5 : memref<8x128xi32, #tpu.memory_space<vmem>>) target_semaphore(%run_scoped3A : memref<!tpu.dma_semaphore, #tpu.memory_space<semaphore_mem>>)
      %dma_wait3A = arith.constant 0 : i32
      %dma_wait3A_27 = arith.constant 0 : i32
      %dma_wait3A_28 = tpu.memref_slice %arg3[%add3A, %dma_wait3A, %dma_wait3A_27] : memref<32x8x128xi32, #tpu.memory_space<hbm>> -> memref<1x8x128xi32, #tpu.memory_space<hbm>>
      %dma_wait3A_29 = tpu.memref_squeeze %dma_wait3A_28 : memref<1x8x128xi32, #tpu.memory_space<hbm>> -> memref<8x128xi32, #tpu.memory_space<hbm>>
      %dma_wait3A_30 = arith.constant 0 : i32
      %dma_wait3A_31 = arith.constant 0 : i32
      %dma_wait3A_32 = tpu.memref_slice %arg3[%add3A, %dma_wait3A_30, %dma_wait3A_31] : memref<32x8x128xi32, #tpu.memory_space<hbm>> -> memref<1x8x128xi32, #tpu.memory_space<hbm>>
      %dma_wait3A_33 = tpu.memref_squeeze %dma_wait3A_32 : memref<1x8x128xi32, #tpu.memory_space<hbm>> -> memref<8x128xi32, #tpu.memory_space<hbm>>
      tpu.wait_dma2 semaphore(%run_scoped3A : memref<!tpu.dma_semaphore, #tpu.memory_space<semaphore_mem>>) src(%dma_wait3A_33 : memref<8x128xi32, #tpu.memory_space<hbm>>) dst(%arg5 : memref<8x128xi32, #tpu.memory_space<vmem>>)
      tpu.yield
    }) : () -> ()
    %scan3A = arith.constant 0 : i32
    %scan3A_1 = arith.constant 0 : i32
    %scan3A_2 = arith.constant 0 : i32
    %scan3A_3 = arith.constant 0 : i32
    %scan3A_4 = arith.constant 8 : i32
    %scan3A_5 = arith.addi %scan3A_3, %scan3A_4 : i32
    %scan3A_6 = arith.constant 1 : i32
    scf.for %scan3A_20 = %scan3A_3 to %scan3A_5 step %scan3A_6  : i32 {
      %mul3A_21 = arith.constant 8 : i32
      %mul3A_22 = arith.muli %scan3A_1, %mul3A_21 : i32
      %add3A_23 = arith.addi %mul3A_22, %scan3A_20 : i32
      %dma_start3A = arith.constant 0 : i32
      %dma_start3A_24 = arith.constant 0 : i32
      %dma_start3A_25 = tpu.memref_slice %arg6[%scan3A_20, %dma_start3A, %dma_start3A_24] : memref<8x128x64xf32, #tpu.memory_space<vmem>> -> memref<1x128x64xf32, #tpu.memory_space<vmem>>
      %dma_start3A_26 = tpu.memref_squeeze %dma_start3A_25 : memref<1x128x64xf32, #tpu.memory_space<vmem>> -> memref<128x64xf32, #tpu.memory_space<vmem>>
      %dma_start3A_27 = arith.constant 0 : i32
      %dma_start3A_28 = tpu.memref_slice %arg5[%add3A_23, %dma_start3A_27] : memref<8x128xi32, #tpu.memory_space<vmem>> -> memref<1x128xi32, #tpu.memory_space<vmem>>
      %dma_start3A_29 = tpu.memref_squeeze %dma_start3A_28 : memref<1x128xi32, #tpu.memory_space<vmem>> -> memref<128xi32, #tpu.memory_space<vmem>>
      %dma_start3A_30 = arith.constant 0 : i32
      %dma_start3A_31 = arith.constant 0 : i32
      %dma_start3A_32 = tpu.memref_slice %arg2[%dma_start3A_30, %dma_start3A_31] : memref<8192x64xf32, #tpu.memory_space<hbm>> -> memref<8192x64xf32, #tpu.memory_space<hbm>>
      tpu.enqueue_indirect_dma source(%dma_start3A_32 : memref<8192x64xf32, #tpu.memory_space<hbm>>) target(%dma_start3A_26 : memref<128x64xf32, #tpu.memory_space<vmem>>) offsets(%dma_start3A_29 : memref<128xi32, #tpu.memory_space<vmem>>) semaphore(%arg7 : memref<!tpu.dma_semaphore, #tpu.memory_space<semaphore_mem>>)
    }
    %scan3A_7 = arith.constant 8 : i32
    %scan3A_8 = arith.constant 0 : i32
    %scan3A_9 = arith.constant 0 : i32
    %scan3A_10 = arith.constant 8 : i32
    %scan3A_11 = arith.addi %scan3A_9, %scan3A_10 : i32
    %scan3A_12 = arith.constant 1 : i32
    scf.for %scan3A_20 = %scan3A_9 to %scan3A_11 step %scan3A_12  : i32 {
      %dma_wait3A = arith.constant 0 : i32
      %dma_wait3A_21 = arith.constant 0 : i32
      %dma_wait3A_22 = arith.constant 0 : i32
      %dma_wait3A_23 = tpu.memref_slice %arg6[%scan3A_20, %dma_wait3A_21, %dma_wait3A_22] : memref<8x128x64xf32, #tpu.memory_space<vmem>> -> memref<1x128x64xf32, #tpu.memory_space<vmem>>
      %dma_wait3A_24 = tpu.memref_squeeze %dma_wait3A_23 : memref<1x128x64xf32, #tpu.memory_space<vmem>> -> memref<128x64xf32, #tpu.memory_space<vmem>>
      %dma_wait3A_25 = arith.constant 0 : i32
      %dma_wait3A_26 = tpu.memref_slice %arg5[%dma_wait3A, %dma_wait3A_25] : memref<8x128xi32, #tpu.memory_space<vmem>> -> memref<1x128xi32, #tpu.memory_space<vmem>>
      %dma_wait3A_27 = tpu.memref_squeeze %dma_wait3A_26 : memref<1x128xi32, #tpu.memory_space<vmem>> -> memref<128xi32, #tpu.memory_space<vmem>>
      %dma_wait3A_28 = arith.constant 0 : i32
      %dma_wait3A_29 = arith.constant 0 : i32
      %dma_wait3A_30 = tpu.memref_slice %arg2[%dma_wait3A_28, %dma_wait3A_29] : memref<8192x64xf32, #tpu.memory_space<hbm>> -> memref<8192x64xf32, #tpu.memory_space<hbm>>
      tpu.wait_indirect_dma semaphore(%arg7 : memref<!tpu.dma_semaphore, #tpu.memory_space<semaphore_mem>>) src(%dma_wait3A_30 : memref<8192x64xf32, #tpu.memory_space<hbm>>) dst(%dma_wait3A_24 : memref<128x64xf32, #tpu.memory_space<vmem>>)
    }
    %scan3A_13 = arith.constant 8 : i32
    %mul3A_14 = arith.constant 8 : i32
    %mul3A_15 = arith.muli %add3A, %mul3A_14 : i32
    %mul3A_16 = arith.constant 8 : i32
    %mul3A_17 = arith.muli %scan3A_1, %mul3A_16 : i32
    %add3A_18 = arith.addi %mul3A_15, %mul3A_17 : i32
    "tpu.region"() ({
      %run_scoped3A = tpu.sem_alloc : memref<!tpu.dma_semaphore, #tpu.memory_space<semaphore_mem>>
      %dma_start3A = arith.constant 0 : i32
      %dma_start3A_20 = arith.constant 0 : i32
      %dma_start3A_21 = tpu.memref_slice %arg4[%add3A_18, %dma_start3A, %dma_start3A_20] : memref<256x128x64xf32, #tpu.memory_space<hbm>> -> memref<8x128x64xf32, #tpu.memory_space<hbm>>
      %dma_start3A_22 = arith.constant 0 : i32
      %dma_start3A_23 = arith.constant 0 : i32
      %dma_start3A_24 = tpu.memref_slice %arg4[%add3A_18, %dma_start3A_22, %dma_start3A_23] : memref<256x128x64xf32, #tpu.memory_space<hbm>> -> memref<8x128x64xf32, #tpu.memory_space<hbm>>
      tpu.enqueue_dma source(%arg6 : memref<8x128x64xf32, #tpu.memory_space<vmem>>) target(%dma_start3A_24 : memref<8x128x64xf32, #tpu.memory_space<hbm>>) target_semaphore(%run_scoped3A : memref<!tpu.dma_semaphore, #tpu.memory_space<semaphore_mem>>)
      %dma_wait3A = arith.constant 0 : i32
      %dma_wait3A_25 = arith.constant 0 : i32
      %dma_wait3A_26 = tpu.memref_slice %arg4[%add3A_18, %dma_wait3A, %dma_wait3A_25] : memref<256x128x64xf32, #tpu.memory_space<hbm>> -> memref<8x128x64xf32, #tpu.memory_space<hbm>>
      %dma_wait3A_27 = arith.constant 0 : i32
      %dma_wait3A_28 = arith.constant 0 : i32
      %dma_wait3A_29 = tpu.memref_slice %arg4[%add3A_18, %dma_wait3A_27, %dma_wait3A_28] : memref<256x128x64xf32, #tpu.memory_space<hbm>> -> memref<8x128x64xf32, #tpu.memory_space<hbm>>
      tpu.wait_dma2 semaphore(%run_scoped3A : memref<!tpu.dma_semaphore, #tpu.memory_space<semaphore_mem>>) src(%arg6 : memref<8x128x64xf32, #tpu.memory_space<vmem>>) dst(%dma_wait3A_29 : memref<8x128x64xf32, #tpu.memory_space<hbm>>)
      tpu.yield
    }) : () -> ()
    %scan3A_19 = arith.constant 1 : i32
    return
  }
}

#map = affine_map<(d0, d1) -> (0, 0)>
#map1 = affine_map<(d0, d1) -> (0, 0, 0)>
module attributes {stable_mosaic.version = 14 : i64} {
  func.func @k(%arg0: i32, %arg1: i32, %arg2: memref<8192x64xf32, #tpu.memory_space<hbm>>, %arg3: memref<32x8x128xi32, #tpu.memory_space<hbm>>, %arg4: memref<256x128x64xf32, #tpu.memory_space<hbm>>, %arg5: memref<8x128xi32, #tpu.memory_space<vmem>>, %arg6: memref<8x128x64xf32, #tpu.memory_space<vmem>>, %arg7: memref<!tpu.dma_semaphore, #tpu.memory_space<semaphore_mem>>) attributes {dimension_semantics = [#tpu.dimension_semantics<core_parallel>, #tpu.dimension_semantics<subcore_parallel>], iteration_bounds = array<i64: 2, 16>, scalar_prefetch = 0 : i64, scratch_operands = 3 : i64, tpu.core_type = #tpu.core_type<sc_vector_subcore>, window_params = [{transform_indices = #map}, {transform_indices = #map1}, {transform_indices = #map1}]} {
    %mul3A = arith.constant 2 : i32
    %mul3A_0 = arith.muli %arg1, %mul3A : i32
    %add3A = arith.addi %mul3A_0, %arg0 : i32
    "tpu.region"() ({
      %run_scoped3A = tpu.sem_alloc : memref<!tpu.dma_semaphore, #tpu.memory_space<semaphore_mem>>
      %dma_start3A = arith.constant 0 : i32
      %dma_start3A_20 = arith.constant 0 : i32
      %dma_start3A_21 = tpu.memref_slice %arg3[%add3A, %dma_start3A, %dma_start3A_20] : memref<32x8x128xi32, #tpu.memory_space<hbm>> -> memref<1x8x128xi32, #tpu.memory_space<hbm>>
      %dma_start3A_22 = tpu.memref_squeeze %dma_start3A_21 : memref<1x8x128xi32, #tpu.memory_space<hbm>> -> memref<8x128xi32, #tpu.memory_space<hbm>>
      %dma_start3A_23 = arith.constant 0 : i32
      %dma_start3A_24 = arith.constant 0 : i32
      %dma_start3A_25 = tpu.memref_slice %arg3[%add3A, %dma_start3A_23, %dma_start3A_24] : memref<32x8x128xi32, #tpu.memory_space<hbm>> -> memref<1x8x128xi32, #tpu.memory_space<hbm>>
      %dma_start3A_26 = tpu.memref_squeeze %dma_start3A_25 : memref<1x8x128xi32, #tpu.memory_space<hbm>> -> memref<8x128xi32, #tpu.memory_space<hbm>>
      tpu.enqueue_dma source(%dma_start3A_26 : memref<8x128xi32, #tpu.memory_space<hbm>>) target(%arg5 : memref<8x128xi32, #tpu.memory_space<vmem>>) target_semaphore(%run_scoped3A : memref<!tpu.dma_semaphore, #tpu.memory_space<semaphore_mem>>)
      %dma_wait3A = arith.constant 0 : i32
      %dma_wait3A_27 = arith.constant 0 : i32
      %dma_wait3A_28 = tpu.memref_slice %arg3[%add3A, %dma_wait3A, %dma_wait3A_27] : memref<32x8x128xi32, #tpu.memory_space<hbm>> -> memref<1x8x128xi32, #tpu.memory_space<hbm>>
      %dma_wait3A_29 = tpu.memref_squeeze %dma_wait3A_28 : memref<1x8x128xi32, #tpu.memory_space<hbm>> -> memref<8x128xi32, #tpu.memory_space<hbm>>
      %dma_wait3A_30 = arith.constant 0 : i32
      %dma_wait3A_31 = arith.constant 0 : i32
      %dma_wait3A_32 = tpu.memref_slice %arg3[%add3A, %dma_wait3A_30, %dma_wait3A_31] : memref<32x8x128xi32, #tpu.memory_space<hbm>> -> memref<1x8x128xi32, #tpu.memory_space<hbm>>
      %dma_wait3A_33 = tpu.memref_squeeze %dma_wait3A_32 : memref<1x8x128xi32, #tpu.memory_space<hbm>> -> memref<8x128xi32, #tpu.memory_space<hbm>>
      tpu.wait_dma2 semaphore(%run_scoped3A : memref<!tpu.dma_semaphore, #tpu.memory_space<semaphore_mem>>) src(%dma_wait3A_33 : memref<8x128xi32, #tpu.memory_space<hbm>>) dst(%arg5 : memref<8x128xi32, #tpu.memory_space<vmem>>)
      tpu.yield
    }) : () -> ()
    %scan3A = arith.constant 0 : i32
    %scan3A_1 = arith.constant 0 : i32
    %scan3A_2 = arith.constant 0 : i32
    %scan3A_3 = arith.constant 0 : i32
    %scan3A_4 = arith.constant 8 : i32
    %scan3A_5 = arith.addi %scan3A_3, %scan3A_4 : i32
    %scan3A_6 = arith.constant 1 : i32
    scf.for %scan3A_20 = %scan3A_3 to %scan3A_5 step %scan3A_6  : i32 {
      %mul3A_21 = arith.constant 8 : i32
      %mul3A_22 = arith.muli %scan3A_1, %mul3A_21 : i32
      %add3A_23 = arith.addi %mul3A_22, %scan3A_20 : i32
      %dma_start3A = arith.constant 0 : i32
      %dma_start3A_24 = arith.constant 0 : i32
      %dma_start3A_25 = tpu.memref_slice %arg6[%scan3A_20, %dma_start3A, %dma_start3A_24] : memref<8x128x64xf32, #tpu.memory_space<vmem>> -> memref<1x128x64xf32, #tpu.memory_space<vmem>>
      %dma_start3A_26 = tpu.memref_squeeze %dma_start3A_25 : memref<1x128x64xf32, #tpu.memory_space<vmem>> -> memref<128x64xf32, #tpu.memory_space<vmem>>
      %dma_start3A_27 = arith.constant 0 : i32
      %dma_start3A_28 = tpu.memref_slice %arg5[%add3A_23, %dma_start3A_27] : memref<8x128xi32, #tpu.memory_space<vmem>> -> memref<1x128xi32, #tpu.memory_space<vmem>>
      %dma_start3A_29 = tpu.memref_squeeze %dma_start3A_28 : memref<1x128xi32, #tpu.memory_space<vmem>> -> memref<128xi32, #tpu.memory_space<vmem>>
      %dma_start3A_30 = arith.constant 0 : i32
      %dma_start3A_31 = arith.constant 0 : i32
      %dma_start3A_32 = tpu.memref_slice %arg2[%dma_start3A_30, %dma_start3A_31] : memref<8192x64xf32, #tpu.memory_space<hbm>> -> memref<8192x64xf32, #tpu.memory_space<hbm>>
      tpu.enqueue_indirect_dma source(%dma_start3A_32 : memref<8192x64xf32, #tpu.memory_space<hbm>>) target(%dma_start3A_26 : memref<128x64xf32, #tpu.memory_space<vmem>>) offsets(%dma_start3A_29 : memref<128xi32, #tpu.memory_space<vmem>>) semaphore(%arg7 : memref<!tpu.dma_semaphore, #tpu.memory_space<semaphore_mem>>)
    }
    %scan3A_7 = arith.constant 8 : i32
    %scan3A_8 = arith.constant 0 : i32
    %scan3A_9 = arith.constant 0 : i32
    %scan3A_10 = arith.constant 8 : i32
    %scan3A_11 = arith.addi %scan3A_9, %scan3A_10 : i32
    %scan3A_12 = arith.constant 1 : i32
    scf.for %scan3A_20 = %scan3A_9 to %scan3A_11 step %scan3A_12  : i32 {
      %dma_wait3A = arith.constant 0 : i32
      %dma_wait3A_21 = arith.constant 0 : i32
      %dma_wait3A_22 = arith.constant 0 : i32
      %dma_wait3A_23 = tpu.memref_slice %arg6[%scan3A_20, %dma_wait3A_21, %dma_wait3A_22] : memref<8x128x64xf32, #tpu.memory_space<vmem>> -> memref<1x128x64xf32, #tpu.memory_space<vmem>>
      %dma_wait3A_24 = tpu.memref_squeeze %dma_wait3A_23 : memref<1x128x64xf32, #tpu.memory_space<vmem>> -> memref<128x64xf32, #tpu.memory_space<vmem>>
      %dma_wait3A_25 = arith.constant 0 : i32
      %dma_wait3A_26 = tpu.memref_slice %arg5[%dma_wait3A, %dma_wait3A_25] : memref<8x128xi32, #tpu.memory_space<vmem>> -> memref<1x128xi32, #tpu.memory_space<vmem>>
      %dma_wait3A_27 = tpu.memref_squeeze %dma_wait3A_26 : memref<1x128xi32, #tpu.memory_space<vmem>> -> memref<128xi32, #tpu.memory_space<vmem>>
      %dma_wait3A_28 = arith.constant 0 : i32
      %dma_wait3A_29 = arith.constant 0 : i32
      %dma_wait3A_30 = tpu.memref_slice %arg2[%dma_wait3A_28, %dma_wait3A_29] : memref<8192x64xf32, #tpu.memory_space<hbm>> -> memref<8192x64xf32, #tpu.memory_space<hbm>>
      tpu.wait_indirect_dma semaphore(%arg7 : memref<!tpu.dma_semaphore, #tpu.memory_space<semaphore_mem>>) src(%dma_wait3A_30 : memref<8192x64xf32, #tpu.memory_space<hbm>>) dst(%dma_wait3A_24 : memref<128x64xf32, #tpu.memory_space<vmem>>)
    }
    %scan3A_13 = arith.constant 8 : i32
    %mul3A_14 = arith.constant 8 : i32
    %mul3A_15 = arith.muli %add3A, %mul3A_14 : i32
    %mul3A_16 = arith.constant 8 : i32
    %mul3A_17 = arith.muli %scan3A_1, %mul3A_16 : i32
    %add3A_18 = arith.addi %mul3A_15, %mul3A_17 : i32
    "tpu.region"() ({
      %run_scoped3A = tpu.sem_alloc : memref<!tpu.dma_semaphore, #tpu.memory_space<semaphore_mem>>
      %dma_start3A = arith.constant 0 : i32
      %dma_start3A_20 = arith.constant 0 : i32
      %dma_start3A_21 = tpu.memref_slice %arg4[%add3A_18, %dma_start3A, %dma_start3A_20] : memref<256x128x64xf32, #tpu.memory_space<hbm>> -> memref<8x128x64xf32, #tpu.memory_space<hbm>>
      %dma_start3A_22 = arith.constant 0 : i32
      %dma_start3A_23 = arith.constant 0 : i32
      %dma_start3A_24 = tpu.memref_slice %arg4[%add3A_18, %dma_start3A_22, %dma_start3A_23] : memref<256x128x64xf32, #tpu.memory_space<hbm>> -> memref<8x128x64xf32, #tpu.memory_space<hbm>>
      tpu.enqueue_dma source(%arg6 : memref<8x128x64xf32, #tpu.memory_space<vmem>>) target(%dma_start3A_24 : memref<8x128x64xf32, #tpu.memory_space<hbm>>) target_semaphore(%run_scoped3A : memref<!tpu.dma_semaphore, #tpu.memory_space<semaphore_mem>>)
      %dma_wait3A = arith.constant 0 : i32
      %dma_wait3A_25 = arith.constant 0 : i32
      %dma_wait3A_26 = tpu.memref_slice %arg4[%add3A_18, %dma_wait3A, %dma_wait3A_25] : memref<256x128x64xf32, #tpu.memory_space<hbm>> -> memref<8x128x64xf32, #tpu.memory_space<hbm>>
      %dma_wait3A_27 = arith.constant 0 : i32
      %dma_wait3A_28 = arith.constant 0 : i32
      %dma_wait3A_29 = tpu.memref_slice %arg4[%add3A_18, %dma_wait3A_27, %dma_wait3A_28] : memref<256x128x64xf32, #tpu.memory_space<hbm>> -> memref<8x128x64xf32, #tpu.memory_space<hbm>>
      tpu.wait_dma2 semaphore(%run_scoped3A : memref<!tpu.dma_semaphore, #tpu.memory_space<semaphore_mem>>) src(%arg6 : memref<8x128x64xf32, #tpu.memory_space<vmem>>) dst(%dma_wait3A_29 : memref<8x128x64xf32, #tpu.memory_space<hbm>>)
      tpu.yield
    }) : () -> ()
    %scan3A_19 = arith.constant 1 : i32
    return
  }
}

module attributes {stable_mosaic.version = 14 : i64} {
  func.func @_topk_body(%arg0: i32, %arg1: i32, %arg2: memref<1x2048x64xf32, #tpu.memory_space<vmem>>, %arg3: memref<1x512x64xf32, #tpu.memory_space<vmem>>, %arg4: memref<1x512x16xi32, #tpu.memory_space<vmem>>) attributes {dimension_semantics = [#tpu.dimension_semantics<arbitrary>, #tpu.dimension_semantics<arbitrary>], iteration_bounds = array<i64: 1, 4>, scalar_prefetch = 0 : i64, scratch_operands = 0 : i64, tpu.core_type = #tpu.core_type<tc>, window_params = [{transform_indices = @transform_0, window_bounds = array<i64: 1, 2048, 64>}, {transform_indices = @transform_1, window_bounds = array<i64: 1, 512, 64>}, {transform_indices = @transform_2, window_bounds = array<i64: 1, 512, 16>}]} {
    %get3A = arith.constant 0 : index
    %get3A_0 = arith.constant 0 : index
    %get3A_1 = arith.constant 0 : index
    %get3A_2 = vector.load %arg2[%get3A, %get3A_0, %get3A_1] : memref<1x2048x64xf32, #tpu.memory_space<vmem>>, vector<1x2048x64xf32>
    %get3A_3 = vector.shape_cast %get3A_2 : vector<1x2048x64xf32> to vector<2048x64xf32>
    %get3A_4 = arith.constant 0 : index
    %get3A_5 = arith.constant 0 : index
    %get3A_6 = arith.constant 0 : index
    %get3A_7 = vector.load %arg3[%get3A_4, %get3A_5, %get3A_6] : memref<1x512x64xf32, #tpu.memory_space<vmem>>, vector<1x512x64xf32>
    %get3A_8 = vector.shape_cast %get3A_7 : vector<1x512x64xf32> to vector<512x64xf32>
    %dot_general3A = arith.constant dense<0.000000e+00> : vector<512x2048xf32>
    %dot_general3A_9 = tpu.matmul %get3A_8, %get3A_3, %dot_general3A {dimension_numbers = #tpu.dot_dimension_numbers<[1], [1], [0], [0], [0, 0, 1, 0], [], []>, transpose_lhs_hint = false} : vector<512x64xf32>, vector<2048x64xf32>, vector<512x2048xf32> -> vector<512x2048xf32>
    %broadcast_in_dim3A = arith.constant 1.000000e+00 : f32
    %broadcast_in_dim3A_10 = vector.broadcast %broadcast_in_dim3A : f32 to vector<1x64xf32>
    %mul3A = arith.mulf %get3A_3, %get3A_3 : vector<2048x64xf32>
    %dot_general3A_11 = arith.constant dense<0.000000e+00> : vector<1x2048xf32>
    %dot_general3A_12 = tpu.matmul %broadcast_in_dim3A_10, %mul3A, %dot_general3A_11 {dimension_numbers = #tpu.dot_dimension_numbers<[1], [1], [0], [0], [0, 0, 1, 0], [], []>, transpose_lhs_hint = false} : vector<1x64xf32>, vector<2048x64xf32>, vector<1x2048xf32> -> vector<1x2048xf32>
    %mul3A_13 = arith.constant 2.000000e+00 : f32
    %mul3A_14 = vector.broadcast %mul3A_13 : f32 to vector<512x2048xf32>
    %mul3A_15 = arith.mulf %mul3A_14, %dot_general3A_9 : vector<512x2048xf32>
    %sub3A = vector.broadcast %dot_general3A_12 : vector<1x2048xf32> to vector<512x2048xf32>
    %sub3A_16 = arith.subf %mul3A_15, %sub3A : vector<512x2048xf32>
    %bitcast_convert_type3A = tpu.bitcast %sub3A_16 : vector<512x2048xf32> -> vector<512x2048xi32>
    %ge3A = arith.constant 0 : i32
    %ge3A_17 = vector.broadcast %ge3A : i32 to vector<512x2048xi32>
    %ge3A_18 = arith.cmpi sge, %bitcast_convert_type3A, %ge3A_17 : vector<512x2048xi32>
    %xor3A = arith.constant 2147483647 : i32
    %xor3A_19 = vector.broadcast %xor3A : i32 to vector<512x2048xi32>
    %xor3A_20 = arith.xori %bitcast_convert_type3A, %xor3A_19 : vector<512x2048xi32>
    %select_n3A = arith.select %ge3A_18, %bitcast_convert_type3A, %xor3A_20 : vector<512x2048xi1>, vector<512x2048xi32>
    %iota3A = tpu.iota {dimensions = array<i32: 1>} : vector<512x2048xi32>
    %and3A = arith.constant -2048 : i32
    %and3A_21 = vector.broadcast %and3A : i32 to vector<512x2048xi32>
    %and3A_22 = arith.andi %select_n3A, %and3A_21 : vector<512x2048xi32>
    %sub3A_23 = arith.constant 2047 : i32
    %sub3A_24 = vector.broadcast %sub3A_23 : i32 to vector<512x2048xi32>
    %sub3A_25 = arith.subi %sub3A_24, %iota3A : vector<512x2048xi32>
    %or3A = arith.ori %and3A_22, %sub3A_25 : vector<512x2048xi32>
    %iota3A_26 = tpu.iota {dimensions = array<i32: 0>} : vector<512x2048xi32>
    %mul3A_27 = arith.constant 512 : i32
    %mul3A_28 = arith.muli %arg1, %mul3A_27 : i32
    %add3A = vector.broadcast %mul3A_28 : i32 to vector<512x2048xi32>
    %add3A_29 = arith.addi %iota3A_26, %add3A : vector<512x2048xi32>
    %eq3A = arith.cmpi eq, %iota3A, %add3A_29 : vector<512x2048xi32>
    %jit3A = arith.constant -2147483648 : i32
    %broadcast_in_dim3A_30 = vector.broadcast %jit3A : i32 to vector<512x2048xi32>
    %select_n3A_31 = arith.select %eq3A, %broadcast_in_dim3A_30, %or3A : vector<512x2048xi1>, vector<512x2048xi32>
    %iota3A_32 = tpu.iota {dimensions = array<i32: 1>} : vector<512x16xi32>
    %broadcast_in_dim3A_33 = arith.constant 0 : i32
    %broadcast_in_dim3A_34 = vector.broadcast %broadcast_in_dim3A_33 : i32 to vector<512x16xi32>
    %mul3A_35 = arith.constant 2048 : i32
    %mul3A_36 = arith.muli %arg0, %mul3A_35 : i32
    %add3A_37 = arith.constant 4096 : i32
    %add3A_38 = arith.addi %mul3A_36, %add3A_37 : i32
    %reduce_max3A = arith.constant dense<-2147483648> : vector<512xi32>
    %reduce_max3A_39 = vector.multi_reduction <maxsi>, %select_n3A_31, %reduce_max3A [1] : vector<512x2048xi32> to vector<512xi32>
    %broadcast_in_dim3A_40 = vector.shape_cast %reduce_max3A_39 : vector<512xi32> to vector<512x1xi32>
    %and3A_41 = arith.constant 2047 : i32
    %and3A_42 = vector.broadcast %and3A_41 : i32 to vector<512x1xi32>
    %and3A_43 = arith.andi %broadcast_in_dim3A_40, %and3A_42 : vector<512x1xi32>
    %sub3A_44 = arith.constant 2047 : i32
    %sub3A_45 = vector.broadcast %sub3A_44 : i32 to vector<512x1xi32>
    %sub3A_46 = arith.subi %sub3A_45, %and3A_43 : vector<512x1xi32>
    %eq3A_47 = arith.constant 0 : i32
    %eq3A_48 = vector.broadcast %eq3A_47 : i32 to vector<512x16xi32>
    %eq3A_49 = arith.cmpi eq, %iota3A_32, %eq3A_48 : vector<512x16xi32>
    %add3A_50 = vector.broadcast %add3A_38 : i32 to vector<512x1xi32>
    %add3A_51 = arith.addi %sub3A_46, %add3A_50 : vector<512x1xi32>
    %broadcast_in_dim3A_52 = vector.shape_cast %add3A_51 : vector<512x1xi32> to vector<512x1xi32>
    %broadcast_in_dim3A_53 = vector.broadcast %broadcast_in_dim3A_52 : vector<512x1xi32> to vector<512x16xi32>
    %select_n3A_54 = arith.select %eq3A_49, %broadcast_in_dim3A_53, %broadcast_in_dim3A_34 : vector<512x16xi1>, vector<512x16xi32>
    %eq3A_55 = vector.broadcast %broadcast_in_dim3A_40 : vector<512x1xi32> to vector<512x2048xi32>
    %eq3A_56 = arith.cmpi eq, %select_n3A_31, %eq3A_55 : vector<512x2048xi32>
    %jit3A_57 = arith.constant -2147483648 : i32
    %broadcast_in_dim3A_58 = vector.broadcast %jit3A_57 : i32 to vector<512x2048xi32>
    %select_n3A_59 = arith.select %eq3A_56, %broadcast_in_dim3A_58, %select_n3A_31 : vector<512x2048xi1>, vector<512x2048xi32>
    %reduce_max3A_60 = arith.constant dense<-2147483648> : vector<512xi32>
    %reduce_max3A_61 = vector.multi_reduction <maxsi>, %select_n3A_59, %reduce_max3A_60 [1] : vector<512x2048xi32> to vector<512xi32>
    %broadcast_in_dim3A_62 = vector.shape_cast %reduce_max3A_61 : vector<512xi32> to vector<512x1xi32>
    %and3A_63 = arith.constant 2047 : i32
    %and3A_64 = vector.broadcast %and3A_63 : i32 to vector<512x1xi32>
    %and3A_65 = arith.andi %broadcast_in_dim3A_62, %and3A_64 : vector<512x1xi32>
    %sub3A_66 = arith.constant 2047 : i32
    %sub3A_67 = vector.broadcast %sub3A_66 : i32 to vector<512x1xi32>
    %sub3A_68 = arith.subi %sub3A_67, %and3A_65 : vector<512x1xi32>
    %eq3A_69 = arith.constant 1 : i32
    %eq3A_70 = vector.broadcast %eq3A_69 : i32 to vector<512x16xi32>
    %eq3A_71 = arith.cmpi eq, %iota3A_32, %eq3A_70 : vector<512x16xi32>
    %add3A_72 = vector.broadcast %add3A_38 : i32 to vector<512x1xi32>
    %add3A_73 = arith.addi %sub3A_68, %add3A_72 : vector<512x1xi32>
    %broadcast_in_dim3A_74 = vector.shape_cast %add3A_73 : vector<512x1xi32> to vector<512x1xi32>
    %broadcast_in_dim3A_75 = vector.broadcast %broadcast_in_dim3A_74 : vector<512x1xi32> to vector<512x16xi32>
    %select_n3A_76 = arith.select %eq3A_71, %broadcast_in_dim3A_75, %select_n3A_54 : vector<512x16xi1>, vector<512x16xi32>
    %eq3A_77 = vector.broadcast %broadcast_in_dim3A_62 : vector<512x1xi32> to vector<512x2048xi32>
    %eq3A_78 = arith.cmpi eq, %select_n3A_59, %eq3A_77 : vector<512x2048xi32>
    %jit3A_79 = arith.constant -2147483648 : i32
    %broadcast_in_dim3A_80 = vector.broadcast %jit3A_79 : i32 to vector<512x2048xi32>
    %select_n3A_81 = arith.select %eq3A_78, %broadcast_in_dim3A_80, %select_n3A_59 : vector<512x2048xi1>, vector<512x2048xi32>
    %reduce_max3A_82 = arith.constant dense<-2147483648> : vector<512xi32>
    %reduce_max3A_83 = vector.multi_reduction <maxsi>, %select_n3A_81, %reduce_max3A_82 [1] : vector<512x2048xi32> to vector<512xi32>
    %broadcast_in_dim3A_84 = vector.shape_cast %reduce_max3A_83 : vector<512xi32> to vector<512x1xi32>
    %and3A_85 = arith.constant 2047 : i32
    %and3A_86 = vector.broadcast %and3A_85 : i32 to vector<512x1xi32>
    %and3A_87 = arith.andi %broadcast_in_dim3A_84, %and3A_86 : vector<512x1xi32>
    %sub3A_88 = arith.constant 2047 : i32
    %sub3A_89 = vector.broadcast %sub3A_88 : i32 to vector<512x1xi32>
    %sub3A_90 = arith.subi %sub3A_89, %and3A_87 : vector<512x1xi32>
    %eq3A_91 = arith.constant 2 : i32
    %eq3A_92 = vector.broadcast %eq3A_91 : i32 to vector<512x16xi32>
    %eq3A_93 = arith.cmpi eq, %iota3A_32, %eq3A_92 : vector<512x16xi32>
    %add3A_94 = vector.broadcast %add3A_38 : i32 to vector<512x1xi32>
    %add3A_95 = arith.addi %sub3A_90, %add3A_94 : vector<512x1xi32>
    %broadcast_in_dim3A_96 = vector.shape_cast %add3A_95 : vector<512x1xi32> to vector<512x1xi32>
    %broadcast_in_dim3A_97 = vector.broadcast %broadcast_in_dim3A_96 : vector<512x1xi32> to vector<512x16xi32>
    %select_n3A_98 = arith.select %eq3A_93, %broadcast_in_dim3A_97, %select_n3A_76 : vector<512x16xi1>, vector<512x16xi32>
    %eq3A_99 = vector.broadcast %broadcast_in_dim3A_84 : vector<512x1xi32> to vector<512x2048xi32>
    %eq3A_100 = arith.cmpi eq, %select_n3A_81, %eq3A_99 : vector<512x2048xi32>
    %jit3A_101 = arith.constant -2147483648 : i32
    %broadcast_in_dim3A_102 = vector.broadcast %jit3A_101 : i32 to vector<512x2048xi32>
    %select_n3A_103 = arith.select %eq3A_100, %broadcast_in_dim3A_102, %select_n3A_81 : vector<512x2048xi1>, vector<512x2048xi32>
    %reduce_max3A_104 = arith.constant dense<-2147483648> : vector<512xi32>
    %reduce_max3A_105 = vector.multi_reduction <maxsi>, %select_n3A_103, %reduce_max3A_104 [1] : vector<512x2048xi32> to vector<512xi32>
    %broadcast_in_dim3A_106 = vector.shape_cast %reduce_max3A_105 : vector<512xi32> to vector<512x1xi32>
    %and3A_107 = arith.constant 2047 : i32
    %and3A_108 = vector.broadcast %and3A_107 : i32 to vector<512x1xi32>
    %and3A_109 = arith.andi %broadcast_in_dim3A_106, %and3A_108 : vector<512x1xi32>
    %sub3A_110 = arith.constant 2047 : i32
    %sub3A_111 = vector.broadcast %sub3A_110 : i32 to vector<512x1xi32>
    %sub3A_112 = arith.subi %sub3A_111, %and3A_109 : vector<512x1xi32>
    %eq3A_113 = arith.constant 3 : i32
    %eq3A_114 = vector.broadcast %eq3A_113 : i32 to vector<512x16xi32>
    %eq3A_115 = arith.cmpi eq, %iota3A_32, %eq3A_114 : vector<512x16xi32>
    %add3A_116 = vector.broadcast %add3A_38 : i32 to vector<512x1xi32>
    %add3A_117 = arith.addi %sub3A_112, %add3A_116 : vector<512x1xi32>
    %broadcast_in_dim3A_118 = vector.shape_cast %add3A_117 : vector<512x1xi32> to vector<512x1xi32>
    %broadcast_in_dim3A_119 = vector.broadcast %broadcast_in_dim3A_118 : vector<512x1xi32> to vector<512x16xi32>
    %select_n3A_120 = arith.select %eq3A_115, %broadcast_in_dim3A_119, %select_n3A_98 : vector<512x16xi1>, vector<512x16xi32>
    %eq3A_121 = vector.broadcast %broadcast_in_dim3A_106 : vector<512x1xi32> to vector<512x2048xi32>
    %eq3A_122 = arith.cmpi eq, %select_n3A_103, %eq3A_121 : vector<512x2048xi32>
    %jit3A_123 = arith.constant -2147483648 : i32
    %broadcast_in_dim3A_124 = vector.broadcast %jit3A_123 : i32 to vector<512x2048xi32>
    %select_n3A_125 = arith.select %eq3A_122, %broadcast_in_dim3A_124, %select_n3A_103 : vector<512x2048xi1>, vector<512x2048xi32>
    %reduce_max3A_126 = arith.constant dense<-2147483648> : vector<512xi32>
    %reduce_max3A_127 = vector.multi_reduction <maxsi>, %select_n3A_125, %reduce_max3A_126 [1] : vector<512x2048xi32> to vector<512xi32>
    %broadcast_in_dim3A_128 = vector.shape_cast %reduce_max3A_127 : vector<512xi32> to vector<512x1xi32>
    %and3A_129 = arith.constant 2047 : i32
    %and3A_130 = vector.broadcast %and3A_129 : i32 to vector<512x1xi32>
    %and3A_131 = arith.andi %broadcast_in_dim3A_128, %and3A_130 : vector<512x1xi32>
    %sub3A_132 = arith.constant 2047 : i32
    %sub3A_133 = vector.broadcast %sub3A_132 : i32 to vector<512x1xi32>
    %sub3A_134 = arith.subi %sub3A_133, %and3A_131 : vector<512x1xi32>
    %eq3A_135 = arith.constant 4 : i32
    %eq3A_136 = vector.broadcast %eq3A_135 : i32 to vector<512x16xi32>
    %eq3A_137 = arith.cmpi eq, %iota3A_32, %eq3A_136 : vector<512x16xi32>
    %add3A_138 = vector.broadcast %add3A_38 : i32 to vector<512x1xi32>
    %add3A_139 = arith.addi %sub3A_134, %add3A_138 : vector<512x1xi32>
    %broadcast_in_dim3A_140 = vector.shape_cast %add3A_139 : vector<512x1xi32> to vector<512x1xi32>
    %broadcast_in_dim3A_141 = vector.broadcast %broadcast_in_dim3A_140 : vector<512x1xi32> to vector<512x16xi32>
    %select_n3A_142 = arith.select %eq3A_137, %broadcast_in_dim3A_141, %select_n3A_120 : vector<512x16xi1>, vector<512x16xi32>
    %eq3A_143 = vector.broadcast %broadcast_in_dim3A_128 : vector<512x1xi32> to vector<512x2048xi32>
    %eq3A_144 = arith.cmpi eq, %select_n3A_125, %eq3A_143 : vector<512x2048xi32>
    %jit3A_145 = arith.constant -2147483648 : i32
    %broadcast_in_dim3A_146 = vector.broadcast %jit3A_145 : i32 to vector<512x2048xi32>
    %select_n3A_147 = arith.select %eq3A_144, %broadcast_in_dim3A_146, %select_n3A_125 : vector<512x2048xi1>, vector<512x2048xi32>
    %reduce_max3A_148 = arith.constant dense<-2147483648> : vector<512xi32>
    %reduce_max3A_149 = vector.multi_reduction <maxsi>, %select_n3A_147, %reduce_max3A_148 [1] : vector<512x2048xi32> to vector<512xi32>
    %broadcast_in_dim3A_150 = vector.shape_cast %reduce_max3A_149 : vector<512xi32> to vector<512x1xi32>
    %and3A_151 = arith.constant 2047 : i32
    %and3A_152 = vector.broadcast %and3A_151 : i32 to vector<512x1xi32>
    %and3A_153 = arith.andi %broadcast_in_dim3A_150, %and3A_152 : vector<512x1xi32>
    %sub3A_154 = arith.constant 2047 : i32
    %sub3A_155 = vector.broadcast %sub3A_154 : i32 to vector<512x1xi32>
    %sub3A_156 = arith.subi %sub3A_155, %and3A_153 : vector<512x1xi32>
    %eq3A_157 = arith.constant 5 : i32
    %eq3A_158 = vector.broadcast %eq3A_157 : i32 to vector<512x16xi32>
    %eq3A_159 = arith.cmpi eq, %iota3A_32, %eq3A_158 : vector<512x16xi32>
    %add3A_160 = vector.broadcast %add3A_38 : i32 to vector<512x1xi32>
    %add3A_161 = arith.addi %sub3A_156, %add3A_160 : vector<512x1xi32>
    %broadcast_in_dim3A_162 = vector.shape_cast %add3A_161 : vector<512x1xi32> to vector<512x1xi32>
    %broadcast_in_dim3A_163 = vector.broadcast %broadcast_in_dim3A_162 : vector<512x1xi32> to vector<512x16xi32>
    %select_n3A_164 = arith.select %eq3A_159, %broadcast_in_dim3A_163, %select_n3A_142 : vector<512x16xi1>, vector<512x16xi32>
    %eq3A_165 = vector.broadcast %broadcast_in_dim3A_150 : vector<512x1xi32> to vector<512x2048xi32>
    %eq3A_166 = arith.cmpi eq, %select_n3A_147, %eq3A_165 : vector<512x2048xi32>
    %jit3A_167 = arith.constant -2147483648 : i32
    %broadcast_in_dim3A_168 = vector.broadcast %jit3A_167 : i32 to vector<512x2048xi32>
    %select_n3A_169 = arith.select %eq3A_166, %broadcast_in_dim3A_168, %select_n3A_147 : vector<512x2048xi1>, vector<512x2048xi32>
    %reduce_max3A_170 = arith.constant dense<-2147483648> : vector<512xi32>
    %reduce_max3A_171 = vector.multi_reduction <maxsi>, %select_n3A_169, %reduce_max3A_170 [1] : vector<512x2048xi32> to vector<512xi32>
    %broadcast_in_dim3A_172 = vector.shape_cast %reduce_max3A_171 : vector<512xi32> to vector<512x1xi32>
    %and3A_173 = arith.constant 2047 : i32
    %and3A_174 = vector.broadcast %and3A_173 : i32 to vector<512x1xi32>
    %and3A_175 = arith.andi %broadcast_in_dim3A_172, %and3A_174 : vector<512x1xi32>
    %sub3A_176 = arith.constant 2047 : i32
    %sub3A_177 = vector.broadcast %sub3A_176 : i32 to vector<512x1xi32>
    %sub3A_178 = arith.subi %sub3A_177, %and3A_175 : vector<512x1xi32>
    %eq3A_179 = arith.constant 6 : i32
    %eq3A_180 = vector.broadcast %eq3A_179 : i32 to vector<512x16xi32>
    %eq3A_181 = arith.cmpi eq, %iota3A_32, %eq3A_180 : vector<512x16xi32>
    %add3A_182 = vector.broadcast %add3A_38 : i32 to vector<512x1xi32>
    %add3A_183 = arith.addi %sub3A_178, %add3A_182 : vector<512x1xi32>
    %broadcast_in_dim3A_184 = vector.shape_cast %add3A_183 : vector<512x1xi32> to vector<512x1xi32>
    %broadcast_in_dim3A_185 = vector.broadcast %broadcast_in_dim3A_184 : vector<512x1xi32> to vector<512x16xi32>
    %select_n3A_186 = arith.select %eq3A_181, %broadcast_in_dim3A_185, %select_n3A_164 : vector<512x16xi1>, vector<512x16xi32>
    %eq3A_187 = vector.broadcast %broadcast_in_dim3A_172 : vector<512x1xi32> to vector<512x2048xi32>
    %eq3A_188 = arith.cmpi eq, %select_n3A_169, %eq3A_187 : vector<512x2048xi32>
    %jit3A_189 = arith.constant -2147483648 : i32
    %broadcast_in_dim3A_190 = vector.broadcast %jit3A_189 : i32 to vector<512x2048xi32>
    %select_n3A_191 = arith.select %eq3A_188, %broadcast_in_dim3A_190, %select_n3A_169 : vector<512x2048xi1>, vector<512x2048xi32>
    %reduce_max3A_192 = arith.constant dense<-2147483648> : vector<512xi32>
    %reduce_max3A_193 = vector.multi_reduction <maxsi>, %select_n3A_191, %reduce_max3A_192 [1] : vector<512x2048xi32> to vector<512xi32>
    %broadcast_in_dim3A_194 = vector.shape_cast %reduce_max3A_193 : vector<512xi32> to vector<512x1xi32>
    %and3A_195 = arith.constant 2047 : i32
    %and3A_196 = vector.broadcast %and3A_195 : i32 to vector<512x1xi32>
    %and3A_197 = arith.andi %broadcast_in_dim3A_194, %and3A_196 : vector<512x1xi32>
    %sub3A_198 = arith.constant 2047 : i32
    %sub3A_199 = vector.broadcast %sub3A_198 : i32 to vector<512x1xi32>
    %sub3A_200 = arith.subi %sub3A_199, %and3A_197 : vector<512x1xi32>
    %eq3A_201 = arith.constant 7 : i32
    %eq3A_202 = vector.broadcast %eq3A_201 : i32 to vector<512x16xi32>
    %eq3A_203 = arith.cmpi eq, %iota3A_32, %eq3A_202 : vector<512x16xi32>
    %add3A_204 = vector.broadcast %add3A_38 : i32 to vector<512x1xi32>
    %add3A_205 = arith.addi %sub3A_200, %add3A_204 : vector<512x1xi32>
    %broadcast_in_dim3A_206 = vector.shape_cast %add3A_205 : vector<512x1xi32> to vector<512x1xi32>
    %broadcast_in_dim3A_207 = vector.broadcast %broadcast_in_dim3A_206 : vector<512x1xi32> to vector<512x16xi32>
    %select_n3A_208 = arith.select %eq3A_203, %broadcast_in_dim3A_207, %select_n3A_186 : vector<512x16xi1>, vector<512x16xi32>
    %eq3A_209 = vector.broadcast %broadcast_in_dim3A_194 : vector<512x1xi32> to vector<512x2048xi32>
    %eq3A_210 = arith.cmpi eq, %select_n3A_191, %eq3A_209 : vector<512x2048xi32>
    %jit3A_211 = arith.constant -2147483648 : i32
    %broadcast_in_dim3A_212 = vector.broadcast %jit3A_211 : i32 to vector<512x2048xi32>
    %select_n3A_213 = arith.select %eq3A_210, %broadcast_in_dim3A_212, %select_n3A_191 : vector<512x2048xi1>, vector<512x2048xi32>
    %reduce_max3A_214 = arith.constant dense<-2147483648> : vector<512xi32>
    %reduce_max3A_215 = vector.multi_reduction <maxsi>, %select_n3A_213, %reduce_max3A_214 [1] : vector<512x2048xi32> to vector<512xi32>
    %broadcast_in_dim3A_216 = vector.shape_cast %reduce_max3A_215 : vector<512xi32> to vector<512x1xi32>
    %and3A_217 = arith.constant 2047 : i32
    %and3A_218 = vector.broadcast %and3A_217 : i32 to vector<512x1xi32>
    %and3A_219 = arith.andi %broadcast_in_dim3A_216, %and3A_218 : vector<512x1xi32>
    %sub3A_220 = arith.constant 2047 : i32
    %sub3A_221 = vector.broadcast %sub3A_220 : i32 to vector<512x1xi32>
    %sub3A_222 = arith.subi %sub3A_221, %and3A_219 : vector<512x1xi32>
    %eq3A_223 = arith.constant 8 : i32
    %eq3A_224 = vector.broadcast %eq3A_223 : i32 to vector<512x16xi32>
    %eq3A_225 = arith.cmpi eq, %iota3A_32, %eq3A_224 : vector<512x16xi32>
    %add3A_226 = vector.broadcast %add3A_38 : i32 to vector<512x1xi32>
    %add3A_227 = arith.addi %sub3A_222, %add3A_226 : vector<512x1xi32>
    %broadcast_in_dim3A_228 = vector.shape_cast %add3A_227 : vector<512x1xi32> to vector<512x1xi32>
    %broadcast_in_dim3A_229 = vector.broadcast %broadcast_in_dim3A_228 : vector<512x1xi32> to vector<512x16xi32>
    %select_n3A_230 = arith.select %eq3A_225, %broadcast_in_dim3A_229, %select_n3A_208 : vector<512x16xi1>, vector<512x16xi32>
    %eq3A_231 = vector.broadcast %broadcast_in_dim3A_216 : vector<512x1xi32> to vector<512x2048xi32>
    %eq3A_232 = arith.cmpi eq, %select_n3A_213, %eq3A_231 : vector<512x2048xi32>
    %jit3A_233 = arith.constant -2147483648 : i32
    %broadcast_in_dim3A_234 = vector.broadcast %jit3A_233 : i32 to vector<512x2048xi32>
    %select_n3A_235 = arith.select %eq3A_232, %broadcast_in_dim3A_234, %select_n3A_213 : vector<512x2048xi1>, vector<512x2048xi32>
    %reduce_max3A_236 = arith.constant dense<-2147483648> : vector<512xi32>
    %reduce_max3A_237 = vector.multi_reduction <maxsi>, %select_n3A_235, %reduce_max3A_236 [1] : vector<512x2048xi32> to vector<512xi32>
    %broadcast_in_dim3A_238 = vector.shape_cast %reduce_max3A_237 : vector<512xi32> to vector<512x1xi32>
    %and3A_239 = arith.constant 2047 : i32
    %and3A_240 = vector.broadcast %and3A_239 : i32 to vector<512x1xi32>
    %and3A_241 = arith.andi %broadcast_in_dim3A_238, %and3A_240 : vector<512x1xi32>
    %sub3A_242 = arith.constant 2047 : i32
    %sub3A_243 = vector.broadcast %sub3A_242 : i32 to vector<512x1xi32>
    %sub3A_244 = arith.subi %sub3A_243, %and3A_241 : vector<512x1xi32>
    %eq3A_245 = arith.constant 9 : i32
    %eq3A_246 = vector.broadcast %eq3A_245 : i32 to vector<512x16xi32>
    %eq3A_247 = arith.cmpi eq, %iota3A_32, %eq3A_246 : vector<512x16xi32>
    %add3A_248 = vector.broadcast %add3A_38 : i32 to vector<512x1xi32>
    %add3A_249 = arith.addi %sub3A_244, %add3A_248 : vector<512x1xi32>
    %broadcast_in_dim3A_250 = vector.shape_cast %add3A_249 : vector<512x1xi32> to vector<512x1xi32>
    %broadcast_in_dim3A_251 = vector.broadcast %broadcast_in_dim3A_250 : vector<512x1xi32> to vector<512x16xi32>
    %select_n3A_252 = arith.select %eq3A_247, %broadcast_in_dim3A_251, %select_n3A_230 : vector<512x16xi1>, vector<512x16xi32>
    %eq3A_253 = vector.broadcast %broadcast_in_dim3A_238 : vector<512x1xi32> to vector<512x2048xi32>
    %eq3A_254 = arith.cmpi eq, %select_n3A_235, %eq3A_253 : vector<512x2048xi32>
    %jit3A_255 = arith.constant -2147483648 : i32
    %broadcast_in_dim3A_256 = vector.broadcast %jit3A_255 : i32 to vector<512x2048xi32>
    %select_n3A_257 = arith.select %eq3A_254, %broadcast_in_dim3A_256, %select_n3A_235 : vector<512x2048xi1>, vector<512x2048xi32>
    %reduce_max3A_258 = arith.constant dense<-2147483648> : vector<512xi32>
    %reduce_max3A_259 = vector.multi_reduction <maxsi>, %select_n3A_257, %reduce_max3A_258 [1] : vector<512x2048xi32> to vector<512xi32>
    %broadcast_in_dim3A_260 = vector.shape_cast %reduce_max3A_259 : vector<512xi32> to vector<512x1xi32>
    %and3A_261 = arith.constant 2047 : i32
    %and3A_262 = vector.broadcast %and3A_261 : i32 to vector<512x1xi32>
    %and3A_263 = arith.andi %broadcast_in_dim3A_260, %and3A_262 : vector<512x1xi32>
    %sub3A_264 = arith.constant 2047 : i32
    %sub3A_265 = vector.broadcast %sub3A_264 : i32 to vector<512x1xi32>
    %sub3A_266 = arith.subi %sub3A_265, %and3A_263 : vector<512x1xi32>
    %eq3A_267 = arith.constant 10 : i32
    %eq3A_268 = vector.broadcast %eq3A_267 : i32 to vector<512x16xi32>
    %eq3A_269 = arith.cmpi eq, %iota3A_32, %eq3A_268 : vector<512x16xi32>
    %add3A_270 = vector.broadcast %add3A_38 : i32 to vector<512x1xi32>
    %add3A_271 = arith.addi %sub3A_266, %add3A_270 : vector<512x1xi32>
    %broadcast_in_dim3A_272 = vector.shape_cast %add3A_271 : vector<512x1xi32> to vector<512x1xi32>
    %broadcast_in_dim3A_273 = vector.broadcast %broadcast_in_dim3A_272 : vector<512x1xi32> to vector<512x16xi32>
    %select_n3A_274 = arith.select %eq3A_269, %broadcast_in_dim3A_273, %select_n3A_252 : vector<512x16xi1>, vector<512x16xi32>
    %eq3A_275 = vector.broadcast %broadcast_in_dim3A_260 : vector<512x1xi32> to vector<512x2048xi32>
    %eq3A_276 = arith.cmpi eq, %select_n3A_257, %eq3A_275 : vector<512x2048xi32>
    %jit3A_277 = arith.constant -2147483648 : i32
    %broadcast_in_dim3A_278 = vector.broadcast %jit3A_277 : i32 to vector<512x2048xi32>
    %select_n3A_279 = arith.select %eq3A_276, %broadcast_in_dim3A_278, %select_n3A_257 : vector<512x2048xi1>, vector<512x2048xi32>
    %reduce_max3A_280 = arith.constant dense<-2147483648> : vector<512xi32>
    %reduce_max3A_281 = vector.multi_reduction <maxsi>, %select_n3A_279, %reduce_max3A_280 [1] : vector<512x2048xi32> to vector<512xi32>
    %broadcast_in_dim3A_282 = vector.shape_cast %reduce_max3A_281 : vector<512xi32> to vector<512x1xi32>
    %and3A_283 = arith.constant 2047 : i32
    %and3A_284 = vector.broadcast %and3A_283 : i32 to vector<512x1xi32>
    %and3A_285 = arith.andi %broadcast_in_dim3A_282, %and3A_284 : vector<512x1xi32>
    %sub3A_286 = arith.constant 2047 : i32
    %sub3A_287 = vector.broadcast %sub3A_286 : i32 to vector<512x1xi32>
    %sub3A_288 = arith.subi %sub3A_287, %and3A_285 : vector<512x1xi32>
    %eq3A_289 = arith.constant 11 : i32
    %eq3A_290 = vector.broadcast %eq3A_289 : i32 to vector<512x16xi32>
    %eq3A_291 = arith.cmpi eq, %iota3A_32, %eq3A_290 : vector<512x16xi32>
    %add3A_292 = vector.broadcast %add3A_38 : i32 to vector<512x1xi32>
    %add3A_293 = arith.addi %sub3A_288, %add3A_292 : vector<512x1xi32>
    %broadcast_in_dim3A_294 = vector.shape_cast %add3A_293 : vector<512x1xi32> to vector<512x1xi32>
    %broadcast_in_dim3A_295 = vector.broadcast %broadcast_in_dim3A_294 : vector<512x1xi32> to vector<512x16xi32>
    %select_n3A_296 = arith.select %eq3A_291, %broadcast_in_dim3A_295, %select_n3A_274 : vector<512x16xi1>, vector<512x16xi32>
    %eq3A_297 = vector.broadcast %broadcast_in_dim3A_282 : vector<512x1xi32> to vector<512x2048xi32>
    %eq3A_298 = arith.cmpi eq, %select_n3A_279, %eq3A_297 : vector<512x2048xi32>
    %jit3A_299 = arith.constant -2147483648 : i32
    %broadcast_in_dim3A_300 = vector.broadcast %jit3A_299 : i32 to vector<512x2048xi32>
    %select_n3A_301 = arith.select %eq3A_298, %broadcast_in_dim3A_300, %select_n3A_279 : vector<512x2048xi1>, vector<512x2048xi32>
    %reduce_max3A_302 = arith.constant dense<-2147483648> : vector<512xi32>
    %reduce_max3A_303 = vector.multi_reduction <maxsi>, %select_n3A_301, %reduce_max3A_302 [1] : vector<512x2048xi32> to vector<512xi32>
    %broadcast_in_dim3A_304 = vector.shape_cast %reduce_max3A_303 : vector<512xi32> to vector<512x1xi32>
    %and3A_305 = arith.constant 2047 : i32
    %and3A_306 = vector.broadcast %and3A_305 : i32 to vector<512x1xi32>
    %and3A_307 = arith.andi %broadcast_in_dim3A_304, %and3A_306 : vector<512x1xi32>
    %sub3A_308 = arith.constant 2047 : i32
    %sub3A_309 = vector.broadcast %sub3A_308 : i32 to vector<512x1xi32>
    %sub3A_310 = arith.subi %sub3A_309, %and3A_307 : vector<512x1xi32>
    %eq3A_311 = arith.constant 12 : i32
    %eq3A_312 = vector.broadcast %eq3A_311 : i32 to vector<512x16xi32>
    %eq3A_313 = arith.cmpi eq, %iota3A_32, %eq3A_312 : vector<512x16xi32>
    %add3A_314 = vector.broadcast %add3A_38 : i32 to vector<512x1xi32>
    %add3A_315 = arith.addi %sub3A_310, %add3A_314 : vector<512x1xi32>
    %broadcast_in_dim3A_316 = vector.shape_cast %add3A_315 : vector<512x1xi32> to vector<512x1xi32>
    %broadcast_in_dim3A_317 = vector.broadcast %broadcast_in_dim3A_316 : vector<512x1xi32> to vector<512x16xi32>
    %select_n3A_318 = arith.select %eq3A_313, %broadcast_in_dim3A_317, %select_n3A_296 : vector<512x16xi1>, vector<512x16xi32>
    %eq3A_319 = vector.broadcast %broadcast_in_dim3A_304 : vector<512x1xi32> to vector<512x2048xi32>
    %eq3A_320 = arith.cmpi eq, %select_n3A_301, %eq3A_319 : vector<512x2048xi32>
    %jit3A_321 = arith.constant -2147483648 : i32
    %broadcast_in_dim3A_322 = vector.broadcast %jit3A_321 : i32 to vector<512x2048xi32>
    %select_n3A_323 = arith.select %eq3A_320, %broadcast_in_dim3A_322, %select_n3A_301 : vector<512x2048xi1>, vector<512x2048xi32>
    %reduce_max3A_324 = arith.constant dense<-2147483648> : vector<512xi32>
    %reduce_max3A_325 = vector.multi_reduction <maxsi>, %select_n3A_323, %reduce_max3A_324 [1] : vector<512x2048xi32> to vector<512xi32>
    %broadcast_in_dim3A_326 = vector.shape_cast %reduce_max3A_325 : vector<512xi32> to vector<512x1xi32>
    %and3A_327 = arith.constant 2047 : i32
    %and3A_328 = vector.broadcast %and3A_327 : i32 to vector<512x1xi32>
    %and3A_329 = arith.andi %broadcast_in_dim3A_326, %and3A_328 : vector<512x1xi32>
    %sub3A_330 = arith.constant 2047 : i32
    %sub3A_331 = vector.broadcast %sub3A_330 : i32 to vector<512x1xi32>
    %sub3A_332 = arith.subi %sub3A_331, %and3A_329 : vector<512x1xi32>
    %eq3A_333 = arith.constant 13 : i32
    %eq3A_334 = vector.broadcast %eq3A_333 : i32 to vector<512x16xi32>
    %eq3A_335 = arith.cmpi eq, %iota3A_32, %eq3A_334 : vector<512x16xi32>
    %add3A_336 = vector.broadcast %add3A_38 : i32 to vector<512x1xi32>
    %add3A_337 = arith.addi %sub3A_332, %add3A_336 : vector<512x1xi32>
    %broadcast_in_dim3A_338 = vector.shape_cast %add3A_337 : vector<512x1xi32> to vector<512x1xi32>
    %broadcast_in_dim3A_339 = vector.broadcast %broadcast_in_dim3A_338 : vector<512x1xi32> to vector<512x16xi32>
    %select_n3A_340 = arith.select %eq3A_335, %broadcast_in_dim3A_339, %select_n3A_318 : vector<512x16xi1>, vector<512x16xi32>
    %eq3A_341 = vector.broadcast %broadcast_in_dim3A_326 : vector<512x1xi32> to vector<512x2048xi32>
    %eq3A_342 = arith.cmpi eq, %select_n3A_323, %eq3A_341 : vector<512x2048xi32>
    %jit3A_343 = arith.constant -2147483648 : i32
    %broadcast_in_dim3A_344 = vector.broadcast %jit3A_343 : i32 to vector<512x2048xi32>
    %select_n3A_345 = arith.select %eq3A_342, %broadcast_in_dim3A_344, %select_n3A_323 : vector<512x2048xi1>, vector<512x2048xi32>
    %reduce_max3A_346 = arith.constant dense<-2147483648> : vector<512xi32>
    %reduce_max3A_347 = vector.multi_reduction <maxsi>, %select_n3A_345, %reduce_max3A_346 [1] : vector<512x2048xi32> to vector<512xi32>
    %broadcast_in_dim3A_348 = vector.shape_cast %reduce_max3A_347 : vector<512xi32> to vector<512x1xi32>
    %and3A_349 = arith.constant 2047 : i32
    %and3A_350 = vector.broadcast %and3A_349 : i32 to vector<512x1xi32>
    %and3A_351 = arith.andi %broadcast_in_dim3A_348, %and3A_350 : vector<512x1xi32>
    %sub3A_352 = arith.constant 2047 : i32
    %sub3A_353 = vector.broadcast %sub3A_352 : i32 to vector<512x1xi32>
    %sub3A_354 = arith.subi %sub3A_353, %and3A_351 : vector<512x1xi32>
    %eq3A_355 = arith.constant 14 : i32
    %eq3A_356 = vector.broadcast %eq3A_355 : i32 to vector<512x16xi32>
    %eq3A_357 = arith.cmpi eq, %iota3A_32, %eq3A_356 : vector<512x16xi32>
    %add3A_358 = vector.broadcast %add3A_38 : i32 to vector<512x1xi32>
    %add3A_359 = arith.addi %sub3A_354, %add3A_358 : vector<512x1xi32>
    %broadcast_in_dim3A_360 = vector.shape_cast %add3A_359 : vector<512x1xi32> to vector<512x1xi32>
    %broadcast_in_dim3A_361 = vector.broadcast %broadcast_in_dim3A_360 : vector<512x1xi32> to vector<512x16xi32>
    %select_n3A_362 = arith.select %eq3A_357, %broadcast_in_dim3A_361, %select_n3A_340 : vector<512x16xi1>, vector<512x16xi32>
    %eq3A_363 = vector.broadcast %broadcast_in_dim3A_348 : vector<512x1xi32> to vector<512x2048xi32>
    %eq3A_364 = arith.cmpi eq, %select_n3A_345, %eq3A_363 : vector<512x2048xi32>
    %jit3A_365 = arith.constant -2147483648 : i32
    %broadcast_in_dim3A_366 = vector.broadcast %jit3A_365 : i32 to vector<512x2048xi32>
    %select_n3A_367 = arith.select %eq3A_364, %broadcast_in_dim3A_366, %select_n3A_345 : vector<512x2048xi1>, vector<512x2048xi32>
    %reduce_max3A_368 = arith.constant dense<-2147483648> : vector<512xi32>
    %reduce_max3A_369 = vector.multi_reduction <maxsi>, %select_n3A_367, %reduce_max3A_368 [1] : vector<512x2048xi32> to vector<512xi32>
    %broadcast_in_dim3A_370 = vector.shape_cast %reduce_max3A_369 : vector<512xi32> to vector<512x1xi32>
    %and3A_371 = arith.constant 2047 : i32
    %and3A_372 = vector.broadcast %and3A_371 : i32 to vector<512x1xi32>
    %and3A_373 = arith.andi %broadcast_in_dim3A_370, %and3A_372 : vector<512x1xi32>
    %sub3A_374 = arith.constant 2047 : i32
    %sub3A_375 = vector.broadcast %sub3A_374 : i32 to vector<512x1xi32>
    %sub3A_376 = arith.subi %sub3A_375, %and3A_373 : vector<512x1xi32>
    %eq3A_377 = arith.constant 15 : i32
    %eq3A_378 = vector.broadcast %eq3A_377 : i32 to vector<512x16xi32>
    %eq3A_379 = arith.cmpi eq, %iota3A_32, %eq3A_378 : vector<512x16xi32>
    %add3A_380 = vector.broadcast %add3A_38 : i32 to vector<512x1xi32>
    %add3A_381 = arith.addi %sub3A_376, %add3A_380 : vector<512x1xi32>
    %broadcast_in_dim3A_382 = vector.shape_cast %add3A_381 : vector<512x1xi32> to vector<512x1xi32>
    %broadcast_in_dim3A_383 = vector.broadcast %broadcast_in_dim3A_382 : vector<512x1xi32> to vector<512x16xi32>
    %select_n3A_384 = arith.select %eq3A_379, %broadcast_in_dim3A_383, %select_n3A_362 : vector<512x16xi1>, vector<512x16xi32>
    %swap3A = arith.constant 0 : index
    %swap3A_385 = arith.constant 0 : index
    %swap3A_386 = arith.constant 0 : index
    %swap3A_387 = vector.load %arg4[%swap3A, %swap3A_385, %swap3A_386] : memref<1x512x16xi32, #tpu.memory_space<vmem>>, vector<1x512x16xi32>
    %swap3A_388 = vector.shape_cast %swap3A_387 : vector<1x512x16xi32> to vector<512x16xi32>
    %swap3A_389 = vector.shape_cast %select_n3A_384 : vector<512x16xi32> to vector<1x512x16xi32>
    tpu.vector_store %arg4[%swap3A, %swap3A_385, %swap3A_386], %swap3A_389 {strides = array<i32>} : memref<1x512x16xi32, #tpu.memory_space<vmem>>, vector<1x512x16xi32>,
    return
  }
  func.func @transform_0(%arg0: i32, %arg1: i32) -> (i32, i32, i32) {
    %c0_i32 = arith.constant 0 : i32
    %c0_i32_0 = arith.constant 0 : i32
    %c0_i32_1 = arith.constant 0 : i32
    return %arg0, %c0_i32, %c0_i32_0 : i32, i32, i32
  }
  func.func @transform_1(%arg0: i32, %arg1: i32) -> (i32, i32, i32) {
    %c0_i32 = arith.constant 0 : i32
    %c0_i32_0 = arith.constant 0 : i32
    return %arg0, %arg1, %c0_i32 : i32, i32, i32
  }
  func.func @transform_2(%arg0: i32, %arg1: i32) -> (i32, i32, i32) {
    %c0_i32 = arith.constant 0 : i32
    %c0_i32_0 = arith.constant 0 : i32
    return %arg0, %arg1, %c0_i32 : i32, i32, i32
  }
}

module attributes {stable_mosaic.version = 14 : i64} {
  func.func @_topk_body(%arg0: i32, %arg1: i32, %arg2: memref<1x2048x64xf32, #tpu.memory_space<vmem>>, %arg3: memref<1x512x64xf32, #tpu.memory_space<vmem>>, %arg4: memref<1x512x16xi32, #tpu.memory_space<vmem>>) attributes {dimension_semantics = [#tpu.dimension_semantics<arbitrary>, #tpu.dimension_semantics<arbitrary>], iteration_bounds = array<i64: 1, 4>, scalar_prefetch = 0 : i64, scratch_operands = 0 : i64, tpu.core_type = #tpu.core_type<tc>, window_params = [{transform_indices = @transform_0, window_bounds = array<i64: 1, 2048, 64>}, {transform_indices = @transform_1, window_bounds = array<i64: 1, 512, 64>}, {transform_indices = @transform_2, window_bounds = array<i64: 1, 512, 16>}]} {
    %get3A = arith.constant 0 : index
    %get3A_0 = arith.constant 0 : index
    %get3A_1 = arith.constant 0 : index
    %get3A_2 = vector.load %arg2[%get3A, %get3A_0, %get3A_1] : memref<1x2048x64xf32, #tpu.memory_space<vmem>>, vector<1x2048x64xf32>
    %get3A_3 = vector.shape_cast %get3A_2 : vector<1x2048x64xf32> to vector<2048x64xf32>
    %get3A_4 = arith.constant 0 : index
    %get3A_5 = arith.constant 0 : index
    %get3A_6 = arith.constant 0 : index
    %get3A_7 = vector.load %arg3[%get3A_4, %get3A_5, %get3A_6] : memref<1x512x64xf32, #tpu.memory_space<vmem>>, vector<1x512x64xf32>
    %get3A_8 = vector.shape_cast %get3A_7 : vector<1x512x64xf32> to vector<512x64xf32>
    %dot_general3A = arith.constant dense<0.000000e+00> : vector<512x2048xf32>
    %dot_general3A_9 = tpu.matmul %get3A_8, %get3A_3, %dot_general3A {dimension_numbers = #tpu.dot_dimension_numbers<[1], [1], [0], [0], [0, 0, 1, 0], [], []>, transpose_lhs_hint = false} : vector<512x64xf32>, vector<2048x64xf32>, vector<512x2048xf32> -> vector<512x2048xf32>
    %broadcast_in_dim3A = arith.constant 1.000000e+00 : f32
    %broadcast_in_dim3A_10 = vector.broadcast %broadcast_in_dim3A : f32 to vector<1x64xf32>
    %mul3A = arith.mulf %get3A_3, %get3A_3 : vector<2048x64xf32>
    %dot_general3A_11 = arith.constant dense<0.000000e+00> : vector<1x2048xf32>
    %dot_general3A_12 = tpu.matmul %broadcast_in_dim3A_10, %mul3A, %dot_general3A_11 {dimension_numbers = #tpu.dot_dimension_numbers<[1], [1], [0], [0], [0, 0, 1, 0], [], []>, transpose_lhs_hint = false} : vector<1x64xf32>, vector<2048x64xf32>, vector<1x2048xf32> -> vector<1x2048xf32>
    %mul3A_13 = arith.constant 2.000000e+00 : f32
    %mul3A_14 = vector.broadcast %mul3A_13 : f32 to vector<512x2048xf32>
    %mul3A_15 = arith.mulf %mul3A_14, %dot_general3A_9 : vector<512x2048xf32>
    %sub3A = vector.broadcast %dot_general3A_12 : vector<1x2048xf32> to vector<512x2048xf32>
    %sub3A_16 = arith.subf %mul3A_15, %sub3A : vector<512x2048xf32>
    %bitcast_convert_type3A = tpu.bitcast %sub3A_16 : vector<512x2048xf32> -> vector<512x2048xi32>
    %ge3A = arith.constant 0 : i32
    %ge3A_17 = vector.broadcast %ge3A : i32 to vector<512x2048xi32>
    %ge3A_18 = arith.cmpi sge, %bitcast_convert_type3A, %ge3A_17 : vector<512x2048xi32>
    %xor3A = arith.constant 2147483647 : i32
    %xor3A_19 = vector.broadcast %xor3A : i32 to vector<512x2048xi32>
    %xor3A_20 = arith.xori %bitcast_convert_type3A, %xor3A_19 : vector<512x2048xi32>
    %select_n3A = arith.select %ge3A_18, %bitcast_convert_type3A, %xor3A_20 : vector<512x2048xi1>, vector<512x2048xi32>
    %iota3A = tpu.iota {dimensions = array<i32: 1>} : vector<512x2048xi32>
    %and3A = arith.constant -2048 : i32
    %and3A_21 = vector.broadcast %and3A : i32 to vector<512x2048xi32>
    %and3A_22 = arith.andi %select_n3A, %and3A_21 : vector<512x2048xi32>
    %sub3A_23 = arith.constant 2047 : i32
    %sub3A_24 = vector.broadcast %sub3A_23 : i32 to vector<512x2048xi32>
    %sub3A_25 = arith.subi %sub3A_24, %iota3A : vector<512x2048xi32>
    %or3A = arith.ori %and3A_22, %sub3A_25 : vector<512x2048xi32>
    %iota3A_26 = tpu.iota {dimensions = array<i32: 0>} : vector<512x2048xi32>
    %mul3A_27 = arith.constant 512 : i32
    %mul3A_28 = arith.muli %arg1, %mul3A_27 : i32
    %add3A = vector.broadcast %mul3A_28 : i32 to vector<512x2048xi32>
    %add3A_29 = arith.addi %iota3A_26, %add3A : vector<512x2048xi32>
    %eq3A = arith.cmpi eq, %iota3A, %add3A_29 : vector<512x2048xi32>
    %jit3A = arith.constant -2147483648 : i32
    %broadcast_in_dim3A_30 = vector.broadcast %jit3A : i32 to vector<512x2048xi32>
    %select_n3A_31 = arith.select %eq3A, %broadcast_in_dim3A_30, %or3A : vector<512x2048xi1>, vector<512x2048xi32>
    %iota3A_32 = tpu.iota {dimensions = array<i32: 1>} : vector<512x16xi32>
    %broadcast_in_dim3A_33 = arith.constant 0 : i32
    %broadcast_in_dim3A_34 = vector.broadcast %broadcast_in_dim3A_33 : i32 to vector<512x16xi32>
    %mul3A_35 = arith.constant 2048 : i32
    %mul3A_36 = arith.muli %arg0, %mul3A_35 : i32
    %add3A_37 = arith.constant 0 : i32
    %add3A_38 = arith.addi %mul3A_36, %add3A_37 : i32
    %reduce_max3A = arith.constant dense<-2147483648> : vector<512xi32>
    %reduce_max3A_39 = vector.multi_reduction <maxsi>, %select_n3A_31, %reduce_max3A [1] : vector<512x2048xi32> to vector<512xi32>
    %broadcast_in_dim3A_40 = vector.shape_cast %reduce_max3A_39 : vector<512xi32> to vector<512x1xi32>
    %and3A_41 = arith.constant 2047 : i32
    %and3A_42 = vector.broadcast %and3A_41 : i32 to vector<512x1xi32>
    %and3A_43 = arith.andi %broadcast_in_dim3A_40, %and3A_42 : vector<512x1xi32>
    %sub3A_44 = arith.constant 2047 : i32
    %sub3A_45 = vector.broadcast %sub3A_44 : i32 to vector<512x1xi32>
    %sub3A_46 = arith.subi %sub3A_45, %and3A_43 : vector<512x1xi32>
    %eq3A_47 = arith.constant 0 : i32
    %eq3A_48 = vector.broadcast %eq3A_47 : i32 to vector<512x16xi32>
    %eq3A_49 = arith.cmpi eq, %iota3A_32, %eq3A_48 : vector<512x16xi32>
    %add3A_50 = vector.broadcast %add3A_38 : i32 to vector<512x1xi32>
    %add3A_51 = arith.addi %sub3A_46, %add3A_50 : vector<512x1xi32>
    %broadcast_in_dim3A_52 = vector.shape_cast %add3A_51 : vector<512x1xi32> to vector<512x1xi32>
    %broadcast_in_dim3A_53 = vector.broadcast %broadcast_in_dim3A_52 : vector<512x1xi32> to vector<512x16xi32>
    %select_n3A_54 = arith.select %eq3A_49, %broadcast_in_dim3A_53, %broadcast_in_dim3A_34 : vector<512x16xi1>, vector<512x16xi32>
    %eq3A_55 = vector.broadcast %broadcast_in_dim3A_40 : vector<512x1xi32> to vector<512x2048xi32>
    %eq3A_56 = arith.cmpi eq, %select_n3A_31, %eq3A_55 : vector<512x2048xi32>
    %jit3A_57 = arith.constant -2147483648 : i32
    %broadcast_in_dim3A_58 = vector.broadcast %jit3A_57 : i32 to vector<512x2048xi32>
    %select_n3A_59 = arith.select %eq3A_56, %broadcast_in_dim3A_58, %select_n3A_31 : vector<512x2048xi1>, vector<512x2048xi32>
    %reduce_max3A_60 = arith.constant dense<-2147483648> : vector<512xi32>
    %reduce_max3A_61 = vector.multi_reduction <maxsi>, %select_n3A_59, %reduce_max3A_60 [1] : vector<512x2048xi32> to vector<512xi32>
    %broadcast_in_dim3A_62 = vector.shape_cast %reduce_max3A_61 : vector<512xi32> to vector<512x1xi32>
    %and3A_63 = arith.constant 2047 : i32
    %and3A_64 = vector.broadcast %and3A_63 : i32 to vector<512x1xi32>
    %and3A_65 = arith.andi %broadcast_in_dim3A_62, %and3A_64 : vector<512x1xi32>
    %sub3A_66 = arith.constant 2047 : i32
    %sub3A_67 = vector.broadcast %sub3A_66 : i32 to vector<512x1xi32>
    %sub3A_68 = arith.subi %sub3A_67, %and3A_65 : vector<512x1xi32>
    %eq3A_69 = arith.constant 1 : i32
    %eq3A_70 = vector.broadcast %eq3A_69 : i32 to vector<512x16xi32>
    %eq3A_71 = arith.cmpi eq, %iota3A_32, %eq3A_70 : vector<512x16xi32>
    %add3A_72 = vector.broadcast %add3A_38 : i32 to vector<512x1xi32>
    %add3A_73 = arith.addi %sub3A_68, %add3A_72 : vector<512x1xi32>
    %broadcast_in_dim3A_74 = vector.shape_cast %add3A_73 : vector<512x1xi32> to vector<512x1xi32>
    %broadcast_in_dim3A_75 = vector.broadcast %broadcast_in_dim3A_74 : vector<512x1xi32> to vector<512x16xi32>
    %select_n3A_76 = arith.select %eq3A_71, %broadcast_in_dim3A_75, %select_n3A_54 : vector<512x16xi1>, vector<512x16xi32>
    %eq3A_77 = vector.broadcast %broadcast_in_dim3A_62 : vector<512x1xi32> to vector<512x2048xi32>
    %eq3A_78 = arith.cmpi eq, %select_n3A_59, %eq3A_77 : vector<512x2048xi32>
    %jit3A_79 = arith.constant -2147483648 : i32
    %broadcast_in_dim3A_80 = vector.broadcast %jit3A_79 : i32 to vector<512x2048xi32>
    %select_n3A_81 = arith.select %eq3A_78, %broadcast_in_dim3A_80, %select_n3A_59 : vector<512x2048xi1>, vector<512x2048xi32>
    %reduce_max3A_82 = arith.constant dense<-2147483648> : vector<512xi32>
    %reduce_max3A_83 = vector.multi_reduction <maxsi>, %select_n3A_81, %reduce_max3A_82 [1] : vector<512x2048xi32> to vector<512xi32>
    %broadcast_in_dim3A_84 = vector.shape_cast %reduce_max3A_83 : vector<512xi32> to vector<512x1xi32>
    %and3A_85 = arith.constant 2047 : i32
    %and3A_86 = vector.broadcast %and3A_85 : i32 to vector<512x1xi32>
    %and3A_87 = arith.andi %broadcast_in_dim3A_84, %and3A_86 : vector<512x1xi32>
    %sub3A_88 = arith.constant 2047 : i32
    %sub3A_89 = vector.broadcast %sub3A_88 : i32 to vector<512x1xi32>
    %sub3A_90 = arith.subi %sub3A_89, %and3A_87 : vector<512x1xi32>
    %eq3A_91 = arith.constant 2 : i32
    %eq3A_92 = vector.broadcast %eq3A_91 : i32 to vector<512x16xi32>
    %eq3A_93 = arith.cmpi eq, %iota3A_32, %eq3A_92 : vector<512x16xi32>
    %add3A_94 = vector.broadcast %add3A_38 : i32 to vector<512x1xi32>
    %add3A_95 = arith.addi %sub3A_90, %add3A_94 : vector<512x1xi32>
    %broadcast_in_dim3A_96 = vector.shape_cast %add3A_95 : vector<512x1xi32> to vector<512x1xi32>
    %broadcast_in_dim3A_97 = vector.broadcast %broadcast_in_dim3A_96 : vector<512x1xi32> to vector<512x16xi32>
    %select_n3A_98 = arith.select %eq3A_93, %broadcast_in_dim3A_97, %select_n3A_76 : vector<512x16xi1>, vector<512x16xi32>
    %eq3A_99 = vector.broadcast %broadcast_in_dim3A_84 : vector<512x1xi32> to vector<512x2048xi32>
    %eq3A_100 = arith.cmpi eq, %select_n3A_81, %eq3A_99 : vector<512x2048xi32>
    %jit3A_101 = arith.constant -2147483648 : i32
    %broadcast_in_dim3A_102 = vector.broadcast %jit3A_101 : i32 to vector<512x2048xi32>
    %select_n3A_103 = arith.select %eq3A_100, %broadcast_in_dim3A_102, %select_n3A_81 : vector<512x2048xi1>, vector<512x2048xi32>
    %reduce_max3A_104 = arith.constant dense<-2147483648> : vector<512xi32>
    %reduce_max3A_105 = vector.multi_reduction <maxsi>, %select_n3A_103, %reduce_max3A_104 [1] : vector<512x2048xi32> to vector<512xi32>
    %broadcast_in_dim3A_106 = vector.shape_cast %reduce_max3A_105 : vector<512xi32> to vector<512x1xi32>
    %and3A_107 = arith.constant 2047 : i32
    %and3A_108 = vector.broadcast %and3A_107 : i32 to vector<512x1xi32>
    %and3A_109 = arith.andi %broadcast_in_dim3A_106, %and3A_108 : vector<512x1xi32>
    %sub3A_110 = arith.constant 2047 : i32
    %sub3A_111 = vector.broadcast %sub3A_110 : i32 to vector<512x1xi32>
    %sub3A_112 = arith.subi %sub3A_111, %and3A_109 : vector<512x1xi32>
    %eq3A_113 = arith.constant 3 : i32
    %eq3A_114 = vector.broadcast %eq3A_113 : i32 to vector<512x16xi32>
    %eq3A_115 = arith.cmpi eq, %iota3A_32, %eq3A_114 : vector<512x16xi32>
    %add3A_116 = vector.broadcast %add3A_38 : i32 to vector<512x1xi32>
    %add3A_117 = arith.addi %sub3A_112, %add3A_116 : vector<512x1xi32>
    %broadcast_in_dim3A_118 = vector.shape_cast %add3A_117 : vector<512x1xi32> to vector<512x1xi32>
    %broadcast_in_dim3A_119 = vector.broadcast %broadcast_in_dim3A_118 : vector<512x1xi32> to vector<512x16xi32>
    %select_n3A_120 = arith.select %eq3A_115, %broadcast_in_dim3A_119, %select_n3A_98 : vector<512x16xi1>, vector<512x16xi32>
    %eq3A_121 = vector.broadcast %broadcast_in_dim3A_106 : vector<512x1xi32> to vector<512x2048xi32>
    %eq3A_122 = arith.cmpi eq, %select_n3A_103, %eq3A_121 : vector<512x2048xi32>
    %jit3A_123 = arith.constant -2147483648 : i32
    %broadcast_in_dim3A_124 = vector.broadcast %jit3A_123 : i32 to vector<512x2048xi32>
    %select_n3A_125 = arith.select %eq3A_122, %broadcast_in_dim3A_124, %select_n3A_103 : vector<512x2048xi1>, vector<512x2048xi32>
    %reduce_max3A_126 = arith.constant dense<-2147483648> : vector<512xi32>
    %reduce_max3A_127 = vector.multi_reduction <maxsi>, %select_n3A_125, %reduce_max3A_126 [1] : vector<512x2048xi32> to vector<512xi32>
    %broadcast_in_dim3A_128 = vector.shape_cast %reduce_max3A_127 : vector<512xi32> to vector<512x1xi32>
    %and3A_129 = arith.constant 2047 : i32
    %and3A_130 = vector.broadcast %and3A_129 : i32 to vector<512x1xi32>
    %and3A_131 = arith.andi %broadcast_in_dim3A_128, %and3A_130 : vector<512x1xi32>
    %sub3A_132 = arith.constant 2047 : i32
    %sub3A_133 = vector.broadcast %sub3A_132 : i32 to vector<512x1xi32>
    %sub3A_134 = arith.subi %sub3A_133, %and3A_131 : vector<512x1xi32>
    %eq3A_135 = arith.constant 4 : i32
    %eq3A_136 = vector.broadcast %eq3A_135 : i32 to vector<512x16xi32>
    %eq3A_137 = arith.cmpi eq, %iota3A_32, %eq3A_136 : vector<512x16xi32>
    %add3A_138 = vector.broadcast %add3A_38 : i32 to vector<512x1xi32>
    %add3A_139 = arith.addi %sub3A_134, %add3A_138 : vector<512x1xi32>
    %broadcast_in_dim3A_140 = vector.shape_cast %add3A_139 : vector<512x1xi32> to vector<512x1xi32>
    %broadcast_in_dim3A_141 = vector.broadcast %broadcast_in_dim3A_140 : vector<512x1xi32> to vector<512x16xi32>
    %select_n3A_142 = arith.select %eq3A_137, %broadcast_in_dim3A_141, %select_n3A_120 : vector<512x16xi1>, vector<512x16xi32>
    %eq3A_143 = vector.broadcast %broadcast_in_dim3A_128 : vector<512x1xi32> to vector<512x2048xi32>
    %eq3A_144 = arith.cmpi eq, %select_n3A_125, %eq3A_143 : vector<512x2048xi32>
    %jit3A_145 = arith.constant -2147483648 : i32
    %broadcast_in_dim3A_146 = vector.broadcast %jit3A_145 : i32 to vector<512x2048xi32>
    %select_n3A_147 = arith.select %eq3A_144, %broadcast_in_dim3A_146, %select_n3A_125 : vector<512x2048xi1>, vector<512x2048xi32>
    %reduce_max3A_148 = arith.constant dense<-2147483648> : vector<512xi32>
    %reduce_max3A_149 = vector.multi_reduction <maxsi>, %select_n3A_147, %reduce_max3A_148 [1] : vector<512x2048xi32> to vector<512xi32>
    %broadcast_in_dim3A_150 = vector.shape_cast %reduce_max3A_149 : vector<512xi32> to vector<512x1xi32>
    %and3A_151 = arith.constant 2047 : i32
    %and3A_152 = vector.broadcast %and3A_151 : i32 to vector<512x1xi32>
    %and3A_153 = arith.andi %broadcast_in_dim3A_150, %and3A_152 : vector<512x1xi32>
    %sub3A_154 = arith.constant 2047 : i32
    %sub3A_155 = vector.broadcast %sub3A_154 : i32 to vector<512x1xi32>
    %sub3A_156 = arith.subi %sub3A_155, %and3A_153 : vector<512x1xi32>
    %eq3A_157 = arith.constant 5 : i32
    %eq3A_158 = vector.broadcast %eq3A_157 : i32 to vector<512x16xi32>
    %eq3A_159 = arith.cmpi eq, %iota3A_32, %eq3A_158 : vector<512x16xi32>
    %add3A_160 = vector.broadcast %add3A_38 : i32 to vector<512x1xi32>
    %add3A_161 = arith.addi %sub3A_156, %add3A_160 : vector<512x1xi32>
    %broadcast_in_dim3A_162 = vector.shape_cast %add3A_161 : vector<512x1xi32> to vector<512x1xi32>
    %broadcast_in_dim3A_163 = vector.broadcast %broadcast_in_dim3A_162 : vector<512x1xi32> to vector<512x16xi32>
    %select_n3A_164 = arith.select %eq3A_159, %broadcast_in_dim3A_163, %select_n3A_142 : vector<512x16xi1>, vector<512x16xi32>
    %eq3A_165 = vector.broadcast %broadcast_in_dim3A_150 : vector<512x1xi32> to vector<512x2048xi32>
    %eq3A_166 = arith.cmpi eq, %select_n3A_147, %eq3A_165 : vector<512x2048xi32>
    %jit3A_167 = arith.constant -2147483648 : i32
    %broadcast_in_dim3A_168 = vector.broadcast %jit3A_167 : i32 to vector<512x2048xi32>
    %select_n3A_169 = arith.select %eq3A_166, %broadcast_in_dim3A_168, %select_n3A_147 : vector<512x2048xi1>, vector<512x2048xi32>
    %reduce_max3A_170 = arith.constant dense<-2147483648> : vector<512xi32>
    %reduce_max3A_171 = vector.multi_reduction <maxsi>, %select_n3A_169, %reduce_max3A_170 [1] : vector<512x2048xi32> to vector<512xi32>
    %broadcast_in_dim3A_172 = vector.shape_cast %reduce_max3A_171 : vector<512xi32> to vector<512x1xi32>
    %and3A_173 = arith.constant 2047 : i32
    %and3A_174 = vector.broadcast %and3A_173 : i32 to vector<512x1xi32>
    %and3A_175 = arith.andi %broadcast_in_dim3A_172, %and3A_174 : vector<512x1xi32>
    %sub3A_176 = arith.constant 2047 : i32
    %sub3A_177 = vector.broadcast %sub3A_176 : i32 to vector<512x1xi32>
    %sub3A_178 = arith.subi %sub3A_177, %and3A_175 : vector<512x1xi32>
    %eq3A_179 = arith.constant 6 : i32
    %eq3A_180 = vector.broadcast %eq3A_179 : i32 to vector<512x16xi32>
    %eq3A_181 = arith.cmpi eq, %iota3A_32, %eq3A_180 : vector<512x16xi32>
    %add3A_182 = vector.broadcast %add3A_38 : i32 to vector<512x1xi32>
    %add3A_183 = arith.addi %sub3A_178, %add3A_182 : vector<512x1xi32>
    %broadcast_in_dim3A_184 = vector.shape_cast %add3A_183 : vector<512x1xi32> to vector<512x1xi32>
    %broadcast_in_dim3A_185 = vector.broadcast %broadcast_in_dim3A_184 : vector<512x1xi32> to vector<512x16xi32>
    %select_n3A_186 = arith.select %eq3A_181, %broadcast_in_dim3A_185, %select_n3A_164 : vector<512x16xi1>, vector<512x16xi32>
    %eq3A_187 = vector.broadcast %broadcast_in_dim3A_172 : vector<512x1xi32> to vector<512x2048xi32>
    %eq3A_188 = arith.cmpi eq, %select_n3A_169, %eq3A_187 : vector<512x2048xi32>
    %jit3A_189 = arith.constant -2147483648 : i32
    %broadcast_in_dim3A_190 = vector.broadcast %jit3A_189 : i32 to vector<512x2048xi32>
    %select_n3A_191 = arith.select %eq3A_188, %broadcast_in_dim3A_190, %select_n3A_169 : vector<512x2048xi1>, vector<512x2048xi32>
    %reduce_max3A_192 = arith.constant dense<-2147483648> : vector<512xi32>
    %reduce_max3A_193 = vector.multi_reduction <maxsi>, %select_n3A_191, %reduce_max3A_192 [1] : vector<512x2048xi32> to vector<512xi32>
    %broadcast_in_dim3A_194 = vector.shape_cast %reduce_max3A_193 : vector<512xi32> to vector<512x1xi32>
    %and3A_195 = arith.constant 2047 : i32
    %and3A_196 = vector.broadcast %and3A_195 : i32 to vector<512x1xi32>
    %and3A_197 = arith.andi %broadcast_in_dim3A_194, %and3A_196 : vector<512x1xi32>
    %sub3A_198 = arith.constant 2047 : i32
    %sub3A_199 = vector.broadcast %sub3A_198 : i32 to vector<512x1xi32>
    %sub3A_200 = arith.subi %sub3A_199, %and3A_197 : vector<512x1xi32>
    %eq3A_201 = arith.constant 7 : i32
    %eq3A_202 = vector.broadcast %eq3A_201 : i32 to vector<512x16xi32>
    %eq3A_203 = arith.cmpi eq, %iota3A_32, %eq3A_202 : vector<512x16xi32>
    %add3A_204 = vector.broadcast %add3A_38 : i32 to vector<512x1xi32>
    %add3A_205 = arith.addi %sub3A_200, %add3A_204 : vector<512x1xi32>
    %broadcast_in_dim3A_206 = vector.shape_cast %add3A_205 : vector<512x1xi32> to vector<512x1xi32>
    %broadcast_in_dim3A_207 = vector.broadcast %broadcast_in_dim3A_206 : vector<512x1xi32> to vector<512x16xi32>
    %select_n3A_208 = arith.select %eq3A_203, %broadcast_in_dim3A_207, %select_n3A_186 : vector<512x16xi1>, vector<512x16xi32>
    %eq3A_209 = vector.broadcast %broadcast_in_dim3A_194 : vector<512x1xi32> to vector<512x2048xi32>
    %eq3A_210 = arith.cmpi eq, %select_n3A_191, %eq3A_209 : vector<512x2048xi32>
    %jit3A_211 = arith.constant -2147483648 : i32
    %broadcast_in_dim3A_212 = vector.broadcast %jit3A_211 : i32 to vector<512x2048xi32>
    %select_n3A_213 = arith.select %eq3A_210, %broadcast_in_dim3A_212, %select_n3A_191 : vector<512x2048xi1>, vector<512x2048xi32>
    %reduce_max3A_214 = arith.constant dense<-2147483648> : vector<512xi32>
    %reduce_max3A_215 = vector.multi_reduction <maxsi>, %select_n3A_213, %reduce_max3A_214 [1] : vector<512x2048xi32> to vector<512xi32>
    %broadcast_in_dim3A_216 = vector.shape_cast %reduce_max3A_215 : vector<512xi32> to vector<512x1xi32>
    %and3A_217 = arith.constant 2047 : i32
    %and3A_218 = vector.broadcast %and3A_217 : i32 to vector<512x1xi32>
    %and3A_219 = arith.andi %broadcast_in_dim3A_216, %and3A_218 : vector<512x1xi32>
    %sub3A_220 = arith.constant 2047 : i32
    %sub3A_221 = vector.broadcast %sub3A_220 : i32 to vector<512x1xi32>
    %sub3A_222 = arith.subi %sub3A_221, %and3A_219 : vector<512x1xi32>
    %eq3A_223 = arith.constant 8 : i32
    %eq3A_224 = vector.broadcast %eq3A_223 : i32 to vector<512x16xi32>
    %eq3A_225 = arith.cmpi eq, %iota3A_32, %eq3A_224 : vector<512x16xi32>
    %add3A_226 = vector.broadcast %add3A_38 : i32 to vector<512x1xi32>
    %add3A_227 = arith.addi %sub3A_222, %add3A_226 : vector<512x1xi32>
    %broadcast_in_dim3A_228 = vector.shape_cast %add3A_227 : vector<512x1xi32> to vector<512x1xi32>
    %broadcast_in_dim3A_229 = vector.broadcast %broadcast_in_dim3A_228 : vector<512x1xi32> to vector<512x16xi32>
    %select_n3A_230 = arith.select %eq3A_225, %broadcast_in_dim3A_229, %select_n3A_208 : vector<512x16xi1>, vector<512x16xi32>
    %eq3A_231 = vector.broadcast %broadcast_in_dim3A_216 : vector<512x1xi32> to vector<512x2048xi32>
    %eq3A_232 = arith.cmpi eq, %select_n3A_213, %eq3A_231 : vector<512x2048xi32>
    %jit3A_233 = arith.constant -2147483648 : i32
    %broadcast_in_dim3A_234 = vector.broadcast %jit3A_233 : i32 to vector<512x2048xi32>
    %select_n3A_235 = arith.select %eq3A_232, %broadcast_in_dim3A_234, %select_n3A_213 : vector<512x2048xi1>, vector<512x2048xi32>
    %reduce_max3A_236 = arith.constant dense<-2147483648> : vector<512xi32>
    %reduce_max3A_237 = vector.multi_reduction <maxsi>, %select_n3A_235, %reduce_max3A_236 [1] : vector<512x2048xi32> to vector<512xi32>
    %broadcast_in_dim3A_238 = vector.shape_cast %reduce_max3A_237 : vector<512xi32> to vector<512x1xi32>
    %and3A_239 = arith.constant 2047 : i32
    %and3A_240 = vector.broadcast %and3A_239 : i32 to vector<512x1xi32>
    %and3A_241 = arith.andi %broadcast_in_dim3A_238, %and3A_240 : vector<512x1xi32>
    %sub3A_242 = arith.constant 2047 : i32
    %sub3A_243 = vector.broadcast %sub3A_242 : i32 to vector<512x1xi32>
    %sub3A_244 = arith.subi %sub3A_243, %and3A_241 : vector<512x1xi32>
    %eq3A_245 = arith.constant 9 : i32
    %eq3A_246 = vector.broadcast %eq3A_245 : i32 to vector<512x16xi32>
    %eq3A_247 = arith.cmpi eq, %iota3A_32, %eq3A_246 : vector<512x16xi32>
    %add3A_248 = vector.broadcast %add3A_38 : i32 to vector<512x1xi32>
    %add3A_249 = arith.addi %sub3A_244, %add3A_248 : vector<512x1xi32>
    %broadcast_in_dim3A_250 = vector.shape_cast %add3A_249 : vector<512x1xi32> to vector<512x1xi32>
    %broadcast_in_dim3A_251 = vector.broadcast %broadcast_in_dim3A_250 : vector<512x1xi32> to vector<512x16xi32>
    %select_n3A_252 = arith.select %eq3A_247, %broadcast_in_dim3A_251, %select_n3A_230 : vector<512x16xi1>, vector<512x16xi32>
    %eq3A_253 = vector.broadcast %broadcast_in_dim3A_238 : vector<512x1xi32> to vector<512x2048xi32>
    %eq3A_254 = arith.cmpi eq, %select_n3A_235, %eq3A_253 : vector<512x2048xi32>
    %jit3A_255 = arith.constant -2147483648 : i32
    %broadcast_in_dim3A_256 = vector.broadcast %jit3A_255 : i32 to vector<512x2048xi32>
    %select_n3A_257 = arith.select %eq3A_254, %broadcast_in_dim3A_256, %select_n3A_235 : vector<512x2048xi1>, vector<512x2048xi32>
    %reduce_max3A_258 = arith.constant dense<-2147483648> : vector<512xi32>
    %reduce_max3A_259 = vector.multi_reduction <maxsi>, %select_n3A_257, %reduce_max3A_258 [1] : vector<512x2048xi32> to vector<512xi32>
    %broadcast_in_dim3A_260 = vector.shape_cast %reduce_max3A_259 : vector<512xi32> to vector<512x1xi32>
    %and3A_261 = arith.constant 2047 : i32
    %and3A_262 = vector.broadcast %and3A_261 : i32 to vector<512x1xi32>
    %and3A_263 = arith.andi %broadcast_in_dim3A_260, %and3A_262 : vector<512x1xi32>
    %sub3A_264 = arith.constant 2047 : i32
    %sub3A_265 = vector.broadcast %sub3A_264 : i32 to vector<512x1xi32>
    %sub3A_266 = arith.subi %sub3A_265, %and3A_263 : vector<512x1xi32>
    %eq3A_267 = arith.constant 10 : i32
    %eq3A_268 = vector.broadcast %eq3A_267 : i32 to vector<512x16xi32>
    %eq3A_269 = arith.cmpi eq, %iota3A_32, %eq3A_268 : vector<512x16xi32>
    %add3A_270 = vector.broadcast %add3A_38 : i32 to vector<512x1xi32>
    %add3A_271 = arith.addi %sub3A_266, %add3A_270 : vector<512x1xi32>
    %broadcast_in_dim3A_272 = vector.shape_cast %add3A_271 : vector<512x1xi32> to vector<512x1xi32>
    %broadcast_in_dim3A_273 = vector.broadcast %broadcast_in_dim3A_272 : vector<512x1xi32> to vector<512x16xi32>
    %select_n3A_274 = arith.select %eq3A_269, %broadcast_in_dim3A_273, %select_n3A_252 : vector<512x16xi1>, vector<512x16xi32>
    %eq3A_275 = vector.broadcast %broadcast_in_dim3A_260 : vector<512x1xi32> to vector<512x2048xi32>
    %eq3A_276 = arith.cmpi eq, %select_n3A_257, %eq3A_275 : vector<512x2048xi32>
    %jit3A_277 = arith.constant -2147483648 : i32
    %broadcast_in_dim3A_278 = vector.broadcast %jit3A_277 : i32 to vector<512x2048xi32>
    %select_n3A_279 = arith.select %eq3A_276, %broadcast_in_dim3A_278, %select_n3A_257 : vector<512x2048xi1>, vector<512x2048xi32>
    %reduce_max3A_280 = arith.constant dense<-2147483648> : vector<512xi32>
    %reduce_max3A_281 = vector.multi_reduction <maxsi>, %select_n3A_279, %reduce_max3A_280 [1] : vector<512x2048xi32> to vector<512xi32>
    %broadcast_in_dim3A_282 = vector.shape_cast %reduce_max3A_281 : vector<512xi32> to vector<512x1xi32>
    %and3A_283 = arith.constant 2047 : i32
    %and3A_284 = vector.broadcast %and3A_283 : i32 to vector<512x1xi32>
    %and3A_285 = arith.andi %broadcast_in_dim3A_282, %and3A_284 : vector<512x1xi32>
    %sub3A_286 = arith.constant 2047 : i32
    %sub3A_287 = vector.broadcast %sub3A_286 : i32 to vector<512x1xi32>
    %sub3A_288 = arith.subi %sub3A_287, %and3A_285 : vector<512x1xi32>
    %eq3A_289 = arith.constant 11 : i32
    %eq3A_290 = vector.broadcast %eq3A_289 : i32 to vector<512x16xi32>
    %eq3A_291 = arith.cmpi eq, %iota3A_32, %eq3A_290 : vector<512x16xi32>
    %add3A_292 = vector.broadcast %add3A_38 : i32 to vector<512x1xi32>
    %add3A_293 = arith.addi %sub3A_288, %add3A_292 : vector<512x1xi32>
    %broadcast_in_dim3A_294 = vector.shape_cast %add3A_293 : vector<512x1xi32> to vector<512x1xi32>
    %broadcast_in_dim3A_295 = vector.broadcast %broadcast_in_dim3A_294 : vector<512x1xi32> to vector<512x16xi32>
    %select_n3A_296 = arith.select %eq3A_291, %broadcast_in_dim3A_295, %select_n3A_274 : vector<512x16xi1>, vector<512x16xi32>
    %eq3A_297 = vector.broadcast %broadcast_in_dim3A_282 : vector<512x1xi32> to vector<512x2048xi32>
    %eq3A_298 = arith.cmpi eq, %select_n3A_279, %eq3A_297 : vector<512x2048xi32>
    %jit3A_299 = arith.constant -2147483648 : i32
    %broadcast_in_dim3A_300 = vector.broadcast %jit3A_299 : i32 to vector<512x2048xi32>
    %select_n3A_301 = arith.select %eq3A_298, %broadcast_in_dim3A_300, %select_n3A_279 : vector<512x2048xi1>, vector<512x2048xi32>
    %reduce_max3A_302 = arith.constant dense<-2147483648> : vector<512xi32>
    %reduce_max3A_303 = vector.multi_reduction <maxsi>, %select_n3A_301, %reduce_max3A_302 [1] : vector<512x2048xi32> to vector<512xi32>
    %broadcast_in_dim3A_304 = vector.shape_cast %reduce_max3A_303 : vector<512xi32> to vector<512x1xi32>
    %and3A_305 = arith.constant 2047 : i32
    %and3A_306 = vector.broadcast %and3A_305 : i32 to vector<512x1xi32>
    %and3A_307 = arith.andi %broadcast_in_dim3A_304, %and3A_306 : vector<512x1xi32>
    %sub3A_308 = arith.constant 2047 : i32
    %sub3A_309 = vector.broadcast %sub3A_308 : i32 to vector<512x1xi32>
    %sub3A_310 = arith.subi %sub3A_309, %and3A_307 : vector<512x1xi32>
    %eq3A_311 = arith.constant 12 : i32
    %eq3A_312 = vector.broadcast %eq3A_311 : i32 to vector<512x16xi32>
    %eq3A_313 = arith.cmpi eq, %iota3A_32, %eq3A_312 : vector<512x16xi32>
    %add3A_314 = vector.broadcast %add3A_38 : i32 to vector<512x1xi32>
    %add3A_315 = arith.addi %sub3A_310, %add3A_314 : vector<512x1xi32>
    %broadcast_in_dim3A_316 = vector.shape_cast %add3A_315 : vector<512x1xi32> to vector<512x1xi32>
    %broadcast_in_dim3A_317 = vector.broadcast %broadcast_in_dim3A_316 : vector<512x1xi32> to vector<512x16xi32>
    %select_n3A_318 = arith.select %eq3A_313, %broadcast_in_dim3A_317, %select_n3A_296 : vector<512x16xi1>, vector<512x16xi32>
    %eq3A_319 = vector.broadcast %broadcast_in_dim3A_304 : vector<512x1xi32> to vector<512x2048xi32>
    %eq3A_320 = arith.cmpi eq, %select_n3A_301, %eq3A_319 : vector<512x2048xi32>
    %jit3A_321 = arith.constant -2147483648 : i32
    %broadcast_in_dim3A_322 = vector.broadcast %jit3A_321 : i32 to vector<512x2048xi32>
    %select_n3A_323 = arith.select %eq3A_320, %broadcast_in_dim3A_322, %select_n3A_301 : vector<512x2048xi1>, vector<512x2048xi32>
    %reduce_max3A_324 = arith.constant dense<-2147483648> : vector<512xi32>
    %reduce_max3A_325 = vector.multi_reduction <maxsi>, %select_n3A_323, %reduce_max3A_324 [1] : vector<512x2048xi32> to vector<512xi32>
    %broadcast_in_dim3A_326 = vector.shape_cast %reduce_max3A_325 : vector<512xi32> to vector<512x1xi32>
    %and3A_327 = arith.constant 2047 : i32
    %and3A_328 = vector.broadcast %and3A_327 : i32 to vector<512x1xi32>
    %and3A_329 = arith.andi %broadcast_in_dim3A_326, %and3A_328 : vector<512x1xi32>
    %sub3A_330 = arith.constant 2047 : i32
    %sub3A_331 = vector.broadcast %sub3A_330 : i32 to vector<512x1xi32>
    %sub3A_332 = arith.subi %sub3A_331, %and3A_329 : vector<512x1xi32>
    %eq3A_333 = arith.constant 13 : i32
    %eq3A_334 = vector.broadcast %eq3A_333 : i32 to vector<512x16xi32>
    %eq3A_335 = arith.cmpi eq, %iota3A_32, %eq3A_334 : vector<512x16xi32>
    %add3A_336 = vector.broadcast %add3A_38 : i32 to vector<512x1xi32>
    %add3A_337 = arith.addi %sub3A_332, %add3A_336 : vector<512x1xi32>
    %broadcast_in_dim3A_338 = vector.shape_cast %add3A_337 : vector<512x1xi32> to vector<512x1xi32>
    %broadcast_in_dim3A_339 = vector.broadcast %broadcast_in_dim3A_338 : vector<512x1xi32> to vector<512x16xi32>
    %select_n3A_340 = arith.select %eq3A_335, %broadcast_in_dim3A_339, %select_n3A_318 : vector<512x16xi1>, vector<512x16xi32>
    %eq3A_341 = vector.broadcast %broadcast_in_dim3A_326 : vector<512x1xi32> to vector<512x2048xi32>
    %eq3A_342 = arith.cmpi eq, %select_n3A_323, %eq3A_341 : vector<512x2048xi32>
    %jit3A_343 = arith.constant -2147483648 : i32
    %broadcast_in_dim3A_344 = vector.broadcast %jit3A_343 : i32 to vector<512x2048xi32>
    %select_n3A_345 = arith.select %eq3A_342, %broadcast_in_dim3A_344, %select_n3A_323 : vector<512x2048xi1>, vector<512x2048xi32>
    %reduce_max3A_346 = arith.constant dense<-2147483648> : vector<512xi32>
    %reduce_max3A_347 = vector.multi_reduction <maxsi>, %select_n3A_345, %reduce_max3A_346 [1] : vector<512x2048xi32> to vector<512xi32>
    %broadcast_in_dim3A_348 = vector.shape_cast %reduce_max3A_347 : vector<512xi32> to vector<512x1xi32>
    %and3A_349 = arith.constant 2047 : i32
    %and3A_350 = vector.broadcast %and3A_349 : i32 to vector<512x1xi32>
    %and3A_351 = arith.andi %broadcast_in_dim3A_348, %and3A_350 : vector<512x1xi32>
    %sub3A_352 = arith.constant 2047 : i32
    %sub3A_353 = vector.broadcast %sub3A_352 : i32 to vector<512x1xi32>
    %sub3A_354 = arith.subi %sub3A_353, %and3A_351 : vector<512x1xi32>
    %eq3A_355 = arith.constant 14 : i32
    %eq3A_356 = vector.broadcast %eq3A_355 : i32 to vector<512x16xi32>
    %eq3A_357 = arith.cmpi eq, %iota3A_32, %eq3A_356 : vector<512x16xi32>
    %add3A_358 = vector.broadcast %add3A_38 : i32 to vector<512x1xi32>
    %add3A_359 = arith.addi %sub3A_354, %add3A_358 : vector<512x1xi32>
    %broadcast_in_dim3A_360 = vector.shape_cast %add3A_359 : vector<512x1xi32> to vector<512x1xi32>
    %broadcast_in_dim3A_361 = vector.broadcast %broadcast_in_dim3A_360 : vector<512x1xi32> to vector<512x16xi32>
    %select_n3A_362 = arith.select %eq3A_357, %broadcast_in_dim3A_361, %select_n3A_340 : vector<512x16xi1>, vector<512x16xi32>
    %eq3A_363 = vector.broadcast %broadcast_in_dim3A_348 : vector<512x1xi32> to vector<512x2048xi32>
    %eq3A_364 = arith.cmpi eq, %select_n3A_345, %eq3A_363 : vector<512x2048xi32>
    %jit3A_365 = arith.constant -2147483648 : i32
    %broadcast_in_dim3A_366 = vector.broadcast %jit3A_365 : i32 to vector<512x2048xi32>
    %select_n3A_367 = arith.select %eq3A_364, %broadcast_in_dim3A_366, %select_n3A_345 : vector<512x2048xi1>, vector<512x2048xi32>
    %reduce_max3A_368 = arith.constant dense<-2147483648> : vector<512xi32>
    %reduce_max3A_369 = vector.multi_reduction <maxsi>, %select_n3A_367, %reduce_max3A_368 [1] : vector<512x2048xi32> to vector<512xi32>
    %broadcast_in_dim3A_370 = vector.shape_cast %reduce_max3A_369 : vector<512xi32> to vector<512x1xi32>
    %and3A_371 = arith.constant 2047 : i32
    %and3A_372 = vector.broadcast %and3A_371 : i32 to vector<512x1xi32>
    %and3A_373 = arith.andi %broadcast_in_dim3A_370, %and3A_372 : vector<512x1xi32>
    %sub3A_374 = arith.constant 2047 : i32
    %sub3A_375 = vector.broadcast %sub3A_374 : i32 to vector<512x1xi32>
    %sub3A_376 = arith.subi %sub3A_375, %and3A_373 : vector<512x1xi32>
    %eq3A_377 = arith.constant 15 : i32
    %eq3A_378 = vector.broadcast %eq3A_377 : i32 to vector<512x16xi32>
    %eq3A_379 = arith.cmpi eq, %iota3A_32, %eq3A_378 : vector<512x16xi32>
    %add3A_380 = vector.broadcast %add3A_38 : i32 to vector<512x1xi32>
    %add3A_381 = arith.addi %sub3A_376, %add3A_380 : vector<512x1xi32>
    %broadcast_in_dim3A_382 = vector.shape_cast %add3A_381 : vector<512x1xi32> to vector<512x1xi32>
    %broadcast_in_dim3A_383 = vector.broadcast %broadcast_in_dim3A_382 : vector<512x1xi32> to vector<512x16xi32>
    %select_n3A_384 = arith.select %eq3A_379, %broadcast_in_dim3A_383, %select_n3A_362 : vector<512x16xi1>, vector<512x16xi32>
    %swap3A = arith.constant 0 : index
    %swap3A_385 = arith.constant 0 : index
    %swap3A_386 = arith.constant 0 : index
    %swap3A_387 = vector.load %arg4[%swap3A, %swap3A_385, %swap3A_386] : memref<1x512x16xi32, #tpu.memory_space<vmem>>, vector<1x512x16xi32>
    %swap3A_388 = vector.shape_cast %swap3A_387 : vector<1x512x16xi32> to vector<512x16xi32>
    %swap3A_389 = vector.shape_cast %select_n3A_384 : vector<512x16xi32> to vector<1x512x16xi32>
    tpu.vector_store %arg4[%swap3A, %swap3A_385, %swap3A_386], %swap3A_389 {strides = array<i32>} : memref<1x512x16xi32, #tpu.memory_space<vmem>>, vector<1x512x16xi32>,
    return
  }
  func.func @transform_0(%arg0: i32, %arg1: i32) -> (i32, i32, i32) {
    %c0_i32 = arith.constant 0 : i32
    %c0_i32_0 = arith.constant 0 : i32
    %c0_i32_1 = arith.constant 0 : i32
    return %arg0, %c0_i32, %c0_i32_0 : i32, i32, i32
  }
  func.func @transform_1(%arg0: i32, %arg1: i32) -> (i32, i32, i32) {
    %c0_i32 = arith.constant 0 : i32
    %c0_i32_0 = arith.constant 0 : i32
    return %arg0, %arg1, %c0_i32 : i32, i32, i32
  }
  func.func @transform_2(%arg0: i32, %arg1: i32) -> (i32, i32, i32) {
    %c0_i32 = arith.constant 0 : i32
    %c0_i32_0 = arith.constant 0 : i32
    return %arg0, %arg1, %c0_i32 : i32, i32, i32
  }
}

module attributes {stable_mosaic.version = 14 : i64} {
  func.func @_topk_body(%arg0: i32, %arg1: i32, %arg2: memref<1x2048x64xf32, #tpu.memory_space<vmem>>, %arg3: memref<1x512x64xf32, #tpu.memory_space<vmem>>, %arg4: memref<1x512x16xi32, #tpu.memory_space<vmem>>) attributes {dimension_semantics = [#tpu.dimension_semantics<arbitrary>, #tpu.dimension_semantics<arbitrary>], iteration_bounds = array<i64: 1, 4>, scalar_prefetch = 0 : i64, scratch_operands = 0 : i64, tpu.core_type = #tpu.core_type<tc>, window_params = [{transform_indices = @transform_0, window_bounds = array<i64: 1, 2048, 64>}, {transform_indices = @transform_1, window_bounds = array<i64: 1, 512, 64>}, {transform_indices = @transform_2, window_bounds = array<i64: 1, 512, 16>}]} {
    %get3A = arith.constant 0 : index
    %get3A_0 = arith.constant 0 : index
    %get3A_1 = arith.constant 0 : index
    %get3A_2 = vector.load %arg2[%get3A, %get3A_0, %get3A_1] : memref<1x2048x64xf32, #tpu.memory_space<vmem>>, vector<1x2048x64xf32>
    %get3A_3 = vector.shape_cast %get3A_2 : vector<1x2048x64xf32> to vector<2048x64xf32>
    %get3A_4 = arith.constant 0 : index
    %get3A_5 = arith.constant 0 : index
    %get3A_6 = arith.constant 0 : index
    %get3A_7 = vector.load %arg3[%get3A_4, %get3A_5, %get3A_6] : memref<1x512x64xf32, #tpu.memory_space<vmem>>, vector<1x512x64xf32>
    %get3A_8 = vector.shape_cast %get3A_7 : vector<1x512x64xf32> to vector<512x64xf32>
    %dot_general3A = arith.constant dense<0.000000e+00> : vector<512x2048xf32>
    %dot_general3A_9 = tpu.matmul %get3A_8, %get3A_3, %dot_general3A {dimension_numbers = #tpu.dot_dimension_numbers<[1], [1], [0], [0], [0, 0, 1, 0], [], []>, transpose_lhs_hint = false} : vector<512x64xf32>, vector<2048x64xf32>, vector<512x2048xf32> -> vector<512x2048xf32>
    %broadcast_in_dim3A = arith.constant 1.000000e+00 : f32
    %broadcast_in_dim3A_10 = vector.broadcast %broadcast_in_dim3A : f32 to vector<1x64xf32>
    %mul3A = arith.mulf %get3A_3, %get3A_3 : vector<2048x64xf32>
    %dot_general3A_11 = arith.constant dense<0.000000e+00> : vector<1x2048xf32>
    %dot_general3A_12 = tpu.matmul %broadcast_in_dim3A_10, %mul3A, %dot_general3A_11 {dimension_numbers = #tpu.dot_dimension_numbers<[1], [1], [0], [0], [0, 0, 1, 0], [], []>, transpose_lhs_hint = false} : vector<1x64xf32>, vector<2048x64xf32>, vector<1x2048xf32> -> vector<1x2048xf32>
    %mul3A_13 = arith.constant 2.000000e+00 : f32
    %mul3A_14 = vector.broadcast %mul3A_13 : f32 to vector<512x2048xf32>
    %mul3A_15 = arith.mulf %mul3A_14, %dot_general3A_9 : vector<512x2048xf32>
    %sub3A = vector.broadcast %dot_general3A_12 : vector<1x2048xf32> to vector<512x2048xf32>
    %sub3A_16 = arith.subf %mul3A_15, %sub3A : vector<512x2048xf32>
    %bitcast_convert_type3A = tpu.bitcast %sub3A_16 : vector<512x2048xf32> -> vector<512x2048xi32>
    %ge3A = arith.constant 0 : i32
    %ge3A_17 = vector.broadcast %ge3A : i32 to vector<512x2048xi32>
    %ge3A_18 = arith.cmpi sge, %bitcast_convert_type3A, %ge3A_17 : vector<512x2048xi32>
    %xor3A = arith.constant 2147483647 : i32
    %xor3A_19 = vector.broadcast %xor3A : i32 to vector<512x2048xi32>
    %xor3A_20 = arith.xori %bitcast_convert_type3A, %xor3A_19 : vector<512x2048xi32>
    %select_n3A = arith.select %ge3A_18, %bitcast_convert_type3A, %xor3A_20 : vector<512x2048xi1>, vector<512x2048xi32>
    %iota3A = tpu.iota {dimensions = array<i32: 1>} : vector<512x2048xi32>
    %and3A = arith.constant -2048 : i32
    %and3A_21 = vector.broadcast %and3A : i32 to vector<512x2048xi32>
    %and3A_22 = arith.andi %select_n3A, %and3A_21 : vector<512x2048xi32>
    %sub3A_23 = arith.constant 2047 : i32
    %sub3A_24 = vector.broadcast %sub3A_23 : i32 to vector<512x2048xi32>
    %sub3A_25 = arith.subi %sub3A_24, %iota3A : vector<512x2048xi32>
    %or3A = arith.ori %and3A_22, %sub3A_25 : vector<512x2048xi32>
    %iota3A_26 = tpu.iota {dimensions = array<i32: 0>} : vector<512x2048xi32>
    %mul3A_27 = arith.constant 512 : i32
    %mul3A_28 = arith.muli %arg1, %mul3A_27 : i32
    %add3A = vector.broadcast %mul3A_28 : i32 to vector<512x2048xi32>
    %add3A_29 = arith.addi %iota3A_26, %add3A : vector<512x2048xi32>
    %eq3A = arith.cmpi eq, %iota3A, %add3A_29 : vector<512x2048xi32>
    %jit3A = arith.constant -2147483648 : i32
    %broadcast_in_dim3A_30 = vector.broadcast %jit3A : i32 to vector<512x2048xi32>
    %select_n3A_31 = arith.select %eq3A, %broadcast_in_dim3A_30, %or3A : vector<512x2048xi1>, vector<512x2048xi32>
    %iota3A_32 = tpu.iota {dimensions = array<i32: 1>} : vector<512x16xi32>
    %broadcast_in_dim3A_33 = arith.constant 0 : i32
    %broadcast_in_dim3A_34 = vector.broadcast %broadcast_in_dim3A_33 : i32 to vector<512x16xi32>
    %mul3A_35 = arith.constant 2048 : i32
    %mul3A_36 = arith.muli %arg0, %mul3A_35 : i32
    %add3A_37 = arith.constant 2048 : i32
    %add3A_38 = arith.addi %mul3A_36, %add3A_37 : i32
    %reduce_max3A = arith.constant dense<-2147483648> : vector<512xi32>
    %reduce_max3A_39 = vector.multi_reduction <maxsi>, %select_n3A_31, %reduce_max3A [1] : vector<512x2048xi32> to vector<512xi32>
    %broadcast_in_dim3A_40 = vector.shape_cast %reduce_max3A_39 : vector<512xi32> to vector<512x1xi32>
    %and3A_41 = arith.constant 2047 : i32
    %and3A_42 = vector.broadcast %and3A_41 : i32 to vector<512x1xi32>
    %and3A_43 = arith.andi %broadcast_in_dim3A_40, %and3A_42 : vector<512x1xi32>
    %sub3A_44 = arith.constant 2047 : i32
    %sub3A_45 = vector.broadcast %sub3A_44 : i32 to vector<512x1xi32>
    %sub3A_46 = arith.subi %sub3A_45, %and3A_43 : vector<512x1xi32>
    %eq3A_47 = arith.constant 0 : i32
    %eq3A_48 = vector.broadcast %eq3A_47 : i32 to vector<512x16xi32>
    %eq3A_49 = arith.cmpi eq, %iota3A_32, %eq3A_48 : vector<512x16xi32>
    %add3A_50 = vector.broadcast %add3A_38 : i32 to vector<512x1xi32>
    %add3A_51 = arith.addi %sub3A_46, %add3A_50 : vector<512x1xi32>
    %broadcast_in_dim3A_52 = vector.shape_cast %add3A_51 : vector<512x1xi32> to vector<512x1xi32>
    %broadcast_in_dim3A_53 = vector.broadcast %broadcast_in_dim3A_52 : vector<512x1xi32> to vector<512x16xi32>
    %select_n3A_54 = arith.select %eq3A_49, %broadcast_in_dim3A_53, %broadcast_in_dim3A_34 : vector<512x16xi1>, vector<512x16xi32>
    %eq3A_55 = vector.broadcast %broadcast_in_dim3A_40 : vector<512x1xi32> to vector<512x2048xi32>
    %eq3A_56 = arith.cmpi eq, %select_n3A_31, %eq3A_55 : vector<512x2048xi32>
    %jit3A_57 = arith.constant -2147483648 : i32
    %broadcast_in_dim3A_58 = vector.broadcast %jit3A_57 : i32 to vector<512x2048xi32>
    %select_n3A_59 = arith.select %eq3A_56, %broadcast_in_dim3A_58, %select_n3A_31 : vector<512x2048xi1>, vector<512x2048xi32>
    %reduce_max3A_60 = arith.constant dense<-2147483648> : vector<512xi32>
    %reduce_max3A_61 = vector.multi_reduction <maxsi>, %select_n3A_59, %reduce_max3A_60 [1] : vector<512x2048xi32> to vector<512xi32>
    %broadcast_in_dim3A_62 = vector.shape_cast %reduce_max3A_61 : vector<512xi32> to vector<512x1xi32>
    %and3A_63 = arith.constant 2047 : i32
    %and3A_64 = vector.broadcast %and3A_63 : i32 to vector<512x1xi32>
    %and3A_65 = arith.andi %broadcast_in_dim3A_62, %and3A_64 : vector<512x1xi32>
    %sub3A_66 = arith.constant 2047 : i32
    %sub3A_67 = vector.broadcast %sub3A_66 : i32 to vector<512x1xi32>
    %sub3A_68 = arith.subi %sub3A_67, %and3A_65 : vector<512x1xi32>
    %eq3A_69 = arith.constant 1 : i32
    %eq3A_70 = vector.broadcast %eq3A_69 : i32 to vector<512x16xi32>
    %eq3A_71 = arith.cmpi eq, %iota3A_32, %eq3A_70 : vector<512x16xi32>
    %add3A_72 = vector.broadcast %add3A_38 : i32 to vector<512x1xi32>
    %add3A_73 = arith.addi %sub3A_68, %add3A_72 : vector<512x1xi32>
    %broadcast_in_dim3A_74 = vector.shape_cast %add3A_73 : vector<512x1xi32> to vector<512x1xi32>
    %broadcast_in_dim3A_75 = vector.broadcast %broadcast_in_dim3A_74 : vector<512x1xi32> to vector<512x16xi32>
    %select_n3A_76 = arith.select %eq3A_71, %broadcast_in_dim3A_75, %select_n3A_54 : vector<512x16xi1>, vector<512x16xi32>
    %eq3A_77 = vector.broadcast %broadcast_in_dim3A_62 : vector<512x1xi32> to vector<512x2048xi32>
    %eq3A_78 = arith.cmpi eq, %select_n3A_59, %eq3A_77 : vector<512x2048xi32>
    %jit3A_79 = arith.constant -2147483648 : i32
    %broadcast_in_dim3A_80 = vector.broadcast %jit3A_79 : i32 to vector<512x2048xi32>
    %select_n3A_81 = arith.select %eq3A_78, %broadcast_in_dim3A_80, %select_n3A_59 : vector<512x2048xi1>, vector<512x2048xi32>
    %reduce_max3A_82 = arith.constant dense<-2147483648> : vector<512xi32>
    %reduce_max3A_83 = vector.multi_reduction <maxsi>, %select_n3A_81, %reduce_max3A_82 [1] : vector<512x2048xi32> to vector<512xi32>
    %broadcast_in_dim3A_84 = vector.shape_cast %reduce_max3A_83 : vector<512xi32> to vector<512x1xi32>
    %and3A_85 = arith.constant 2047 : i32
    %and3A_86 = vector.broadcast %and3A_85 : i32 to vector<512x1xi32>
    %and3A_87 = arith.andi %broadcast_in_dim3A_84, %and3A_86 : vector<512x1xi32>
    %sub3A_88 = arith.constant 2047 : i32
    %sub3A_89 = vector.broadcast %sub3A_88 : i32 to vector<512x1xi32>
    %sub3A_90 = arith.subi %sub3A_89, %and3A_87 : vector<512x1xi32>
    %eq3A_91 = arith.constant 2 : i32
    %eq3A_92 = vector.broadcast %eq3A_91 : i32 to vector<512x16xi32>
    %eq3A_93 = arith.cmpi eq, %iota3A_32, %eq3A_92 : vector<512x16xi32>
    %add3A_94 = vector.broadcast %add3A_38 : i32 to vector<512x1xi32>
    %add3A_95 = arith.addi %sub3A_90, %add3A_94 : vector<512x1xi32>
    %broadcast_in_dim3A_96 = vector.shape_cast %add3A_95 : vector<512x1xi32> to vector<512x1xi32>
    %broadcast_in_dim3A_97 = vector.broadcast %broadcast_in_dim3A_96 : vector<512x1xi32> to vector<512x16xi32>
    %select_n3A_98 = arith.select %eq3A_93, %broadcast_in_dim3A_97, %select_n3A_76 : vector<512x16xi1>, vector<512x16xi32>
    %eq3A_99 = vector.broadcast %broadcast_in_dim3A_84 : vector<512x1xi32> to vector<512x2048xi32>
    %eq3A_100 = arith.cmpi eq, %select_n3A_81, %eq3A_99 : vector<512x2048xi32>
    %jit3A_101 = arith.constant -2147483648 : i32
    %broadcast_in_dim3A_102 = vector.broadcast %jit3A_101 : i32 to vector<512x2048xi32>
    %select_n3A_103 = arith.select %eq3A_100, %broadcast_in_dim3A_102, %select_n3A_81 : vector<512x2048xi1>, vector<512x2048xi32>
    %reduce_max3A_104 = arith.constant dense<-2147483648> : vector<512xi32>
    %reduce_max3A_105 = vector.multi_reduction <maxsi>, %select_n3A_103, %reduce_max3A_104 [1] : vector<512x2048xi32> to vector<512xi32>
    %broadcast_in_dim3A_106 = vector.shape_cast %reduce_max3A_105 : vector<512xi32> to vector<512x1xi32>
    %and3A_107 = arith.constant 2047 : i32
    %and3A_108 = vector.broadcast %and3A_107 : i32 to vector<512x1xi32>
    %and3A_109 = arith.andi %broadcast_in_dim3A_106, %and3A_108 : vector<512x1xi32>
    %sub3A_110 = arith.constant 2047 : i32
    %sub3A_111 = vector.broadcast %sub3A_110 : i32 to vector<512x1xi32>
    %sub3A_112 = arith.subi %sub3A_111, %and3A_109 : vector<512x1xi32>
    %eq3A_113 = arith.constant 3 : i32
    %eq3A_114 = vector.broadcast %eq3A_113 : i32 to vector<512x16xi32>
    %eq3A_115 = arith.cmpi eq, %iota3A_32, %eq3A_114 : vector<512x16xi32>
    %add3A_116 = vector.broadcast %add3A_38 : i32 to vector<512x1xi32>
    %add3A_117 = arith.addi %sub3A_112, %add3A_116 : vector<512x1xi32>
    %broadcast_in_dim3A_118 = vector.shape_cast %add3A_117 : vector<512x1xi32> to vector<512x1xi32>
    %broadcast_in_dim3A_119 = vector.broadcast %broadcast_in_dim3A_118 : vector<512x1xi32> to vector<512x16xi32>
    %select_n3A_120 = arith.select %eq3A_115, %broadcast_in_dim3A_119, %select_n3A_98 : vector<512x16xi1>, vector<512x16xi32>
    %eq3A_121 = vector.broadcast %broadcast_in_dim3A_106 : vector<512x1xi32> to vector<512x2048xi32>
    %eq3A_122 = arith.cmpi eq, %select_n3A_103, %eq3A_121 : vector<512x2048xi32>
    %jit3A_123 = arith.constant -2147483648 : i32
    %broadcast_in_dim3A_124 = vector.broadcast %jit3A_123 : i32 to vector<512x2048xi32>
    %select_n3A_125 = arith.select %eq3A_122, %broadcast_in_dim3A_124, %select_n3A_103 : vector<512x2048xi1>, vector<512x2048xi32>
    %reduce_max3A_126 = arith.constant dense<-2147483648> : vector<512xi32>
    %reduce_max3A_127 = vector.multi_reduction <maxsi>, %select_n3A_125, %reduce_max3A_126 [1] : vector<512x2048xi32> to vector<512xi32>
    %broadcast_in_dim3A_128 = vector.shape_cast %reduce_max3A_127 : vector<512xi32> to vector<512x1xi32>
    %and3A_129 = arith.constant 2047 : i32
    %and3A_130 = vector.broadcast %and3A_129 : i32 to vector<512x1xi32>
    %and3A_131 = arith.andi %broadcast_in_dim3A_128, %and3A_130 : vector<512x1xi32>
    %sub3A_132 = arith.constant 2047 : i32
    %sub3A_133 = vector.broadcast %sub3A_132 : i32 to vector<512x1xi32>
    %sub3A_134 = arith.subi %sub3A_133, %and3A_131 : vector<512x1xi32>
    %eq3A_135 = arith.constant 4 : i32
    %eq3A_136 = vector.broadcast %eq3A_135 : i32 to vector<512x16xi32>
    %eq3A_137 = arith.cmpi eq, %iota3A_32, %eq3A_136 : vector<512x16xi32>
    %add3A_138 = vector.broadcast %add3A_38 : i32 to vector<512x1xi32>
    %add3A_139 = arith.addi %sub3A_134, %add3A_138 : vector<512x1xi32>
    %broadcast_in_dim3A_140 = vector.shape_cast %add3A_139 : vector<512x1xi32> to vector<512x1xi32>
    %broadcast_in_dim3A_141 = vector.broadcast %broadcast_in_dim3A_140 : vector<512x1xi32> to vector<512x16xi32>
    %select_n3A_142 = arith.select %eq3A_137, %broadcast_in_dim3A_141, %select_n3A_120 : vector<512x16xi1>, vector<512x16xi32>
    %eq3A_143 = vector.broadcast %broadcast_in_dim3A_128 : vector<512x1xi32> to vector<512x2048xi32>
    %eq3A_144 = arith.cmpi eq, %select_n3A_125, %eq3A_143 : vector<512x2048xi32>
    %jit3A_145 = arith.constant -2147483648 : i32
    %broadcast_in_dim3A_146 = vector.broadcast %jit3A_145 : i32 to vector<512x2048xi32>
    %select_n3A_147 = arith.select %eq3A_144, %broadcast_in_dim3A_146, %select_n3A_125 : vector<512x2048xi1>, vector<512x2048xi32>
    %reduce_max3A_148 = arith.constant dense<-2147483648> : vector<512xi32>
    %reduce_max3A_149 = vector.multi_reduction <maxsi>, %select_n3A_147, %reduce_max3A_148 [1] : vector<512x2048xi32> to vector<512xi32>
    %broadcast_in_dim3A_150 = vector.shape_cast %reduce_max3A_149 : vector<512xi32> to vector<512x1xi32>
    %and3A_151 = arith.constant 2047 : i32
    %and3A_152 = vector.broadcast %and3A_151 : i32 to vector<512x1xi32>
    %and3A_153 = arith.andi %broadcast_in_dim3A_150, %and3A_152 : vector<512x1xi32>
    %sub3A_154 = arith.constant 2047 : i32
    %sub3A_155 = vector.broadcast %sub3A_154 : i32 to vector<512x1xi32>
    %sub3A_156 = arith.subi %sub3A_155, %and3A_153 : vector<512x1xi32>
    %eq3A_157 = arith.constant 5 : i32
    %eq3A_158 = vector.broadcast %eq3A_157 : i32 to vector<512x16xi32>
    %eq3A_159 = arith.cmpi eq, %iota3A_32, %eq3A_158 : vector<512x16xi32>
    %add3A_160 = vector.broadcast %add3A_38 : i32 to vector<512x1xi32>
    %add3A_161 = arith.addi %sub3A_156, %add3A_160 : vector<512x1xi32>
    %broadcast_in_dim3A_162 = vector.shape_cast %add3A_161 : vector<512x1xi32> to vector<512x1xi32>
    %broadcast_in_dim3A_163 = vector.broadcast %broadcast_in_dim3A_162 : vector<512x1xi32> to vector<512x16xi32>
    %select_n3A_164 = arith.select %eq3A_159, %broadcast_in_dim3A_163, %select_n3A_142 : vector<512x16xi1>, vector<512x16xi32>
    %eq3A_165 = vector.broadcast %broadcast_in_dim3A_150 : vector<512x1xi32> to vector<512x2048xi32>
    %eq3A_166 = arith.cmpi eq, %select_n3A_147, %eq3A_165 : vector<512x2048xi32>
    %jit3A_167 = arith.constant -2147483648 : i32
    %broadcast_in_dim3A_168 = vector.broadcast %jit3A_167 : i32 to vector<512x2048xi32>
    %select_n3A_169 = arith.select %eq3A_166, %broadcast_in_dim3A_168, %select_n3A_147 : vector<512x2048xi1>, vector<512x2048xi32>
    %reduce_max3A_170 = arith.constant dense<-2147483648> : vector<512xi32>
    %reduce_max3A_171 = vector.multi_reduction <maxsi>, %select_n3A_169, %reduce_max3A_170 [1] : vector<512x2048xi32> to vector<512xi32>
    %broadcast_in_dim3A_172 = vector.shape_cast %reduce_max3A_171 : vector<512xi32> to vector<512x1xi32>
    %and3A_173 = arith.constant 2047 : i32
    %and3A_174 = vector.broadcast %and3A_173 : i32 to vector<512x1xi32>
    %and3A_175 = arith.andi %broadcast_in_dim3A_172, %and3A_174 : vector<512x1xi32>
    %sub3A_176 = arith.constant 2047 : i32
    %sub3A_177 = vector.broadcast %sub3A_176 : i32 to vector<512x1xi32>
    %sub3A_178 = arith.subi %sub3A_177, %and3A_175 : vector<512x1xi32>
    %eq3A_179 = arith.constant 6 : i32
    %eq3A_180 = vector.broadcast %eq3A_179 : i32 to vector<512x16xi32>
    %eq3A_181 = arith.cmpi eq, %iota3A_32, %eq3A_180 : vector<512x16xi32>
    %add3A_182 = vector.broadcast %add3A_38 : i32 to vector<512x1xi32>
    %add3A_183 = arith.addi %sub3A_178, %add3A_182 : vector<512x1xi32>
    %broadcast_in_dim3A_184 = vector.shape_cast %add3A_183 : vector<512x1xi32> to vector<512x1xi32>
    %broadcast_in_dim3A_185 = vector.broadcast %broadcast_in_dim3A_184 : vector<512x1xi32> to vector<512x16xi32>
    %select_n3A_186 = arith.select %eq3A_181, %broadcast_in_dim3A_185, %select_n3A_164 : vector<512x16xi1>, vector<512x16xi32>
    %eq3A_187 = vector.broadcast %broadcast_in_dim3A_172 : vector<512x1xi32> to vector<512x2048xi32>
    %eq3A_188 = arith.cmpi eq, %select_n3A_169, %eq3A_187 : vector<512x2048xi32>
    %jit3A_189 = arith.constant -2147483648 : i32
    %broadcast_in_dim3A_190 = vector.broadcast %jit3A_189 : i32 to vector<512x2048xi32>
    %select_n3A_191 = arith.select %eq3A_188, %broadcast_in_dim3A_190, %select_n3A_169 : vector<512x2048xi1>, vector<512x2048xi32>
    %reduce_max3A_192 = arith.constant dense<-2147483648> : vector<512xi32>
    %reduce_max3A_193 = vector.multi_reduction <maxsi>, %select_n3A_191, %reduce_max3A_192 [1] : vector<512x2048xi32> to vector<512xi32>
    %broadcast_in_dim3A_194 = vector.shape_cast %reduce_max3A_193 : vector<512xi32> to vector<512x1xi32>
    %and3A_195 = arith.constant 2047 : i32
    %and3A_196 = vector.broadcast %and3A_195 : i32 to vector<512x1xi32>
    %and3A_197 = arith.andi %broadcast_in_dim3A_194, %and3A_196 : vector<512x1xi32>
    %sub3A_198 = arith.constant 2047 : i32
    %sub3A_199 = vector.broadcast %sub3A_198 : i32 to vector<512x1xi32>
    %sub3A_200 = arith.subi %sub3A_199, %and3A_197 : vector<512x1xi32>
    %eq3A_201 = arith.constant 7 : i32
    %eq3A_202 = vector.broadcast %eq3A_201 : i32 to vector<512x16xi32>
    %eq3A_203 = arith.cmpi eq, %iota3A_32, %eq3A_202 : vector<512x16xi32>
    %add3A_204 = vector.broadcast %add3A_38 : i32 to vector<512x1xi32>
    %add3A_205 = arith.addi %sub3A_200, %add3A_204 : vector<512x1xi32>
    %broadcast_in_dim3A_206 = vector.shape_cast %add3A_205 : vector<512x1xi32> to vector<512x1xi32>
    %broadcast_in_dim3A_207 = vector.broadcast %broadcast_in_dim3A_206 : vector<512x1xi32> to vector<512x16xi32>
    %select_n3A_208 = arith.select %eq3A_203, %broadcast_in_dim3A_207, %select_n3A_186 : vector<512x16xi1>, vector<512x16xi32>
    %eq3A_209 = vector.broadcast %broadcast_in_dim3A_194 : vector<512x1xi32> to vector<512x2048xi32>
    %eq3A_210 = arith.cmpi eq, %select_n3A_191, %eq3A_209 : vector<512x2048xi32>
    %jit3A_211 = arith.constant -2147483648 : i32
    %broadcast_in_dim3A_212 = vector.broadcast %jit3A_211 : i32 to vector<512x2048xi32>
    %select_n3A_213 = arith.select %eq3A_210, %broadcast_in_dim3A_212, %select_n3A_191 : vector<512x2048xi1>, vector<512x2048xi32>
    %reduce_max3A_214 = arith.constant dense<-2147483648> : vector<512xi32>
    %reduce_max3A_215 = vector.multi_reduction <maxsi>, %select_n3A_213, %reduce_max3A_214 [1] : vector<512x2048xi32> to vector<512xi32>
    %broadcast_in_dim3A_216 = vector.shape_cast %reduce_max3A_215 : vector<512xi32> to vector<512x1xi32>
    %and3A_217 = arith.constant 2047 : i32
    %and3A_218 = vector.broadcast %and3A_217 : i32 to vector<512x1xi32>
    %and3A_219 = arith.andi %broadcast_in_dim3A_216, %and3A_218 : vector<512x1xi32>
    %sub3A_220 = arith.constant 2047 : i32
    %sub3A_221 = vector.broadcast %sub3A_220 : i32 to vector<512x1xi32>
    %sub3A_222 = arith.subi %sub3A_221, %and3A_219 : vector<512x1xi32>
    %eq3A_223 = arith.constant 8 : i32
    %eq3A_224 = vector.broadcast %eq3A_223 : i32 to vector<512x16xi32>
    %eq3A_225 = arith.cmpi eq, %iota3A_32, %eq3A_224 : vector<512x16xi32>
    %add3A_226 = vector.broadcast %add3A_38 : i32 to vector<512x1xi32>
    %add3A_227 = arith.addi %sub3A_222, %add3A_226 : vector<512x1xi32>
    %broadcast_in_dim3A_228 = vector.shape_cast %add3A_227 : vector<512x1xi32> to vector<512x1xi32>
    %broadcast_in_dim3A_229 = vector.broadcast %broadcast_in_dim3A_228 : vector<512x1xi32> to vector<512x16xi32>
    %select_n3A_230 = arith.select %eq3A_225, %broadcast_in_dim3A_229, %select_n3A_208 : vector<512x16xi1>, vector<512x16xi32>
    %eq3A_231 = vector.broadcast %broadcast_in_dim3A_216 : vector<512x1xi32> to vector<512x2048xi32>
    %eq3A_232 = arith.cmpi eq, %select_n3A_213, %eq3A_231 : vector<512x2048xi32>
    %jit3A_233 = arith.constant -2147483648 : i32
    %broadcast_in_dim3A_234 = vector.broadcast %jit3A_233 : i32 to vector<512x2048xi32>
    %select_n3A_235 = arith.select %eq3A_232, %broadcast_in_dim3A_234, %select_n3A_213 : vector<512x2048xi1>, vector<512x2048xi32>
    %reduce_max3A_236 = arith.constant dense<-2147483648> : vector<512xi32>
    %reduce_max3A_237 = vector.multi_reduction <maxsi>, %select_n3A_235, %reduce_max3A_236 [1] : vector<512x2048xi32> to vector<512xi32>
    %broadcast_in_dim3A_238 = vector.shape_cast %reduce_max3A_237 : vector<512xi32> to vector<512x1xi32>
    %and3A_239 = arith.constant 2047 : i32
    %and3A_240 = vector.broadcast %and3A_239 : i32 to vector<512x1xi32>
    %and3A_241 = arith.andi %broadcast_in_dim3A_238, %and3A_240 : vector<512x1xi32>
    %sub3A_242 = arith.constant 2047 : i32
    %sub3A_243 = vector.broadcast %sub3A_242 : i32 to vector<512x1xi32>
    %sub3A_244 = arith.subi %sub3A_243, %and3A_241 : vector<512x1xi32>
    %eq3A_245 = arith.constant 9 : i32
    %eq3A_246 = vector.broadcast %eq3A_245 : i32 to vector<512x16xi32>
    %eq3A_247 = arith.cmpi eq, %iota3A_32, %eq3A_246 : vector<512x16xi32>
    %add3A_248 = vector.broadcast %add3A_38 : i32 to vector<512x1xi32>
    %add3A_249 = arith.addi %sub3A_244, %add3A_248 : vector<512x1xi32>
    %broadcast_in_dim3A_250 = vector.shape_cast %add3A_249 : vector<512x1xi32> to vector<512x1xi32>
    %broadcast_in_dim3A_251 = vector.broadcast %broadcast_in_dim3A_250 : vector<512x1xi32> to vector<512x16xi32>
    %select_n3A_252 = arith.select %eq3A_247, %broadcast_in_dim3A_251, %select_n3A_230 : vector<512x16xi1>, vector<512x16xi32>
    %eq3A_253 = vector.broadcast %broadcast_in_dim3A_238 : vector<512x1xi32> to vector<512x2048xi32>
    %eq3A_254 = arith.cmpi eq, %select_n3A_235, %eq3A_253 : vector<512x2048xi32>
    %jit3A_255 = arith.constant -2147483648 : i32
    %broadcast_in_dim3A_256 = vector.broadcast %jit3A_255 : i32 to vector<512x2048xi32>
    %select_n3A_257 = arith.select %eq3A_254, %broadcast_in_dim3A_256, %select_n3A_235 : vector<512x2048xi1>, vector<512x2048xi32>
    %reduce_max3A_258 = arith.constant dense<-2147483648> : vector<512xi32>
    %reduce_max3A_259 = vector.multi_reduction <maxsi>, %select_n3A_257, %reduce_max3A_258 [1] : vector<512x2048xi32> to vector<512xi32>
    %broadcast_in_dim3A_260 = vector.shape_cast %reduce_max3A_259 : vector<512xi32> to vector<512x1xi32>
    %and3A_261 = arith.constant 2047 : i32
    %and3A_262 = vector.broadcast %and3A_261 : i32 to vector<512x1xi32>
    %and3A_263 = arith.andi %broadcast_in_dim3A_260, %and3A_262 : vector<512x1xi32>
    %sub3A_264 = arith.constant 2047 : i32
    %sub3A_265 = vector.broadcast %sub3A_264 : i32 to vector<512x1xi32>
    %sub3A_266 = arith.subi %sub3A_265, %and3A_263 : vector<512x1xi32>
    %eq3A_267 = arith.constant 10 : i32
    %eq3A_268 = vector.broadcast %eq3A_267 : i32 to vector<512x16xi32>
    %eq3A_269 = arith.cmpi eq, %iota3A_32, %eq3A_268 : vector<512x16xi32>
    %add3A_270 = vector.broadcast %add3A_38 : i32 to vector<512x1xi32>
    %add3A_271 = arith.addi %sub3A_266, %add3A_270 : vector<512x1xi32>
    %broadcast_in_dim3A_272 = vector.shape_cast %add3A_271 : vector<512x1xi32> to vector<512x1xi32>
    %broadcast_in_dim3A_273 = vector.broadcast %broadcast_in_dim3A_272 : vector<512x1xi32> to vector<512x16xi32>
    %select_n3A_274 = arith.select %eq3A_269, %broadcast_in_dim3A_273, %select_n3A_252 : vector<512x16xi1>, vector<512x16xi32>
    %eq3A_275 = vector.broadcast %broadcast_in_dim3A_260 : vector<512x1xi32> to vector<512x2048xi32>
    %eq3A_276 = arith.cmpi eq, %select_n3A_257, %eq3A_275 : vector<512x2048xi32>
    %jit3A_277 = arith.constant -2147483648 : i32
    %broadcast_in_dim3A_278 = vector.broadcast %jit3A_277 : i32 to vector<512x2048xi32>
    %select_n3A_279 = arith.select %eq3A_276, %broadcast_in_dim3A_278, %select_n3A_257 : vector<512x2048xi1>, vector<512x2048xi32>
    %reduce_max3A_280 = arith.constant dense<-2147483648> : vector<512xi32>
    %reduce_max3A_281 = vector.multi_reduction <maxsi>, %select_n3A_279, %reduce_max3A_280 [1] : vector<512x2048xi32> to vector<512xi32>
    %broadcast_in_dim3A_282 = vector.shape_cast %reduce_max3A_281 : vector<512xi32> to vector<512x1xi32>
    %and3A_283 = arith.constant 2047 : i32
    %and3A_284 = vector.broadcast %and3A_283 : i32 to vector<512x1xi32>
    %and3A_285 = arith.andi %broadcast_in_dim3A_282, %and3A_284 : vector<512x1xi32>
    %sub3A_286 = arith.constant 2047 : i32
    %sub3A_287 = vector.broadcast %sub3A_286 : i32 to vector<512x1xi32>
    %sub3A_288 = arith.subi %sub3A_287, %and3A_285 : vector<512x1xi32>
    %eq3A_289 = arith.constant 11 : i32
    %eq3A_290 = vector.broadcast %eq3A_289 : i32 to vector<512x16xi32>
    %eq3A_291 = arith.cmpi eq, %iota3A_32, %eq3A_290 : vector<512x16xi32>
    %add3A_292 = vector.broadcast %add3A_38 : i32 to vector<512x1xi32>
    %add3A_293 = arith.addi %sub3A_288, %add3A_292 : vector<512x1xi32>
    %broadcast_in_dim3A_294 = vector.shape_cast %add3A_293 : vector<512x1xi32> to vector<512x1xi32>
    %broadcast_in_dim3A_295 = vector.broadcast %broadcast_in_dim3A_294 : vector<512x1xi32> to vector<512x16xi32>
    %select_n3A_296 = arith.select %eq3A_291, %broadcast_in_dim3A_295, %select_n3A_274 : vector<512x16xi1>, vector<512x16xi32>
    %eq3A_297 = vector.broadcast %broadcast_in_dim3A_282 : vector<512x1xi32> to vector<512x2048xi32>
    %eq3A_298 = arith.cmpi eq, %select_n3A_279, %eq3A_297 : vector<512x2048xi32>
    %jit3A_299 = arith.constant -2147483648 : i32
    %broadcast_in_dim3A_300 = vector.broadcast %jit3A_299 : i32 to vector<512x2048xi32>
    %select_n3A_301 = arith.select %eq3A_298, %broadcast_in_dim3A_300, %select_n3A_279 : vector<512x2048xi1>, vector<512x2048xi32>
    %reduce_max3A_302 = arith.constant dense<-2147483648> : vector<512xi32>
    %reduce_max3A_303 = vector.multi_reduction <maxsi>, %select_n3A_301, %reduce_max3A_302 [1] : vector<512x2048xi32> to vector<512xi32>
    %broadcast_in_dim3A_304 = vector.shape_cast %reduce_max3A_303 : vector<512xi32> to vector<512x1xi32>
    %and3A_305 = arith.constant 2047 : i32
    %and3A_306 = vector.broadcast %and3A_305 : i32 to vector<512x1xi32>
    %and3A_307 = arith.andi %broadcast_in_dim3A_304, %and3A_306 : vector<512x1xi32>
    %sub3A_308 = arith.constant 2047 : i32
    %sub3A_309 = vector.broadcast %sub3A_308 : i32 to vector<512x1xi32>
    %sub3A_310 = arith.subi %sub3A_309, %and3A_307 : vector<512x1xi32>
    %eq3A_311 = arith.constant 12 : i32
    %eq3A_312 = vector.broadcast %eq3A_311 : i32 to vector<512x16xi32>
    %eq3A_313 = arith.cmpi eq, %iota3A_32, %eq3A_312 : vector<512x16xi32>
    %add3A_314 = vector.broadcast %add3A_38 : i32 to vector<512x1xi32>
    %add3A_315 = arith.addi %sub3A_310, %add3A_314 : vector<512x1xi32>
    %broadcast_in_dim3A_316 = vector.shape_cast %add3A_315 : vector<512x1xi32> to vector<512x1xi32>
    %broadcast_in_dim3A_317 = vector.broadcast %broadcast_in_dim3A_316 : vector<512x1xi32> to vector<512x16xi32>
    %select_n3A_318 = arith.select %eq3A_313, %broadcast_in_dim3A_317, %select_n3A_296 : vector<512x16xi1>, vector<512x16xi32>
    %eq3A_319 = vector.broadcast %broadcast_in_dim3A_304 : vector<512x1xi32> to vector<512x2048xi32>
    %eq3A_320 = arith.cmpi eq, %select_n3A_301, %eq3A_319 : vector<512x2048xi32>
    %jit3A_321 = arith.constant -2147483648 : i32
    %broadcast_in_dim3A_322 = vector.broadcast %jit3A_321 : i32 to vector<512x2048xi32>
    %select_n3A_323 = arith.select %eq3A_320, %broadcast_in_dim3A_322, %select_n3A_301 : vector<512x2048xi1>, vector<512x2048xi32>
    %reduce_max3A_324 = arith.constant dense<-2147483648> : vector<512xi32>
    %reduce_max3A_325 = vector.multi_reduction <maxsi>, %select_n3A_323, %reduce_max3A_324 [1] : vector<512x2048xi32> to vector<512xi32>
    %broadcast_in_dim3A_326 = vector.shape_cast %reduce_max3A_325 : vector<512xi32> to vector<512x1xi32>
    %and3A_327 = arith.constant 2047 : i32
    %and3A_328 = vector.broadcast %and3A_327 : i32 to vector<512x1xi32>
    %and3A_329 = arith.andi %broadcast_in_dim3A_326, %and3A_328 : vector<512x1xi32>
    %sub3A_330 = arith.constant 2047 : i32
    %sub3A_331 = vector.broadcast %sub3A_330 : i32 to vector<512x1xi32>
    %sub3A_332 = arith.subi %sub3A_331, %and3A_329 : vector<512x1xi32>
    %eq3A_333 = arith.constant 13 : i32
    %eq3A_334 = vector.broadcast %eq3A_333 : i32 to vector<512x16xi32>
    %eq3A_335 = arith.cmpi eq, %iota3A_32, %eq3A_334 : vector<512x16xi32>
    %add3A_336 = vector.broadcast %add3A_38 : i32 to vector<512x1xi32>
    %add3A_337 = arith.addi %sub3A_332, %add3A_336 : vector<512x1xi32>
    %broadcast_in_dim3A_338 = vector.shape_cast %add3A_337 : vector<512x1xi32> to vector<512x1xi32>
    %broadcast_in_dim3A_339 = vector.broadcast %broadcast_in_dim3A_338 : vector<512x1xi32> to vector<512x16xi32>
    %select_n3A_340 = arith.select %eq3A_335, %broadcast_in_dim3A_339, %select_n3A_318 : vector<512x16xi1>, vector<512x16xi32>
    %eq3A_341 = vector.broadcast %broadcast_in_dim3A_326 : vector<512x1xi32> to vector<512x2048xi32>
    %eq3A_342 = arith.cmpi eq, %select_n3A_323, %eq3A_341 : vector<512x2048xi32>
    %jit3A_343 = arith.constant -2147483648 : i32
    %broadcast_in_dim3A_344 = vector.broadcast %jit3A_343 : i32 to vector<512x2048xi32>
    %select_n3A_345 = arith.select %eq3A_342, %broadcast_in_dim3A_344, %select_n3A_323 : vector<512x2048xi1>, vector<512x2048xi32>
    %reduce_max3A_346 = arith.constant dense<-2147483648> : vector<512xi32>
    %reduce_max3A_347 = vector.multi_reduction <maxsi>, %select_n3A_345, %reduce_max3A_346 [1] : vector<512x2048xi32> to vector<512xi32>
    %broadcast_in_dim3A_348 = vector.shape_cast %reduce_max3A_347 : vector<512xi32> to vector<512x1xi32>
    %and3A_349 = arith.constant 2047 : i32
    %and3A_350 = vector.broadcast %and3A_349 : i32 to vector<512x1xi32>
    %and3A_351 = arith.andi %broadcast_in_dim3A_348, %and3A_350 : vector<512x1xi32>
    %sub3A_352 = arith.constant 2047 : i32
    %sub3A_353 = vector.broadcast %sub3A_352 : i32 to vector<512x1xi32>
    %sub3A_354 = arith.subi %sub3A_353, %and3A_351 : vector<512x1xi32>
    %eq3A_355 = arith.constant 14 : i32
    %eq3A_356 = vector.broadcast %eq3A_355 : i32 to vector<512x16xi32>
    %eq3A_357 = arith.cmpi eq, %iota3A_32, %eq3A_356 : vector<512x16xi32>
    %add3A_358 = vector.broadcast %add3A_38 : i32 to vector<512x1xi32>
    %add3A_359 = arith.addi %sub3A_354, %add3A_358 : vector<512x1xi32>
    %broadcast_in_dim3A_360 = vector.shape_cast %add3A_359 : vector<512x1xi32> to vector<512x1xi32>
    %broadcast_in_dim3A_361 = vector.broadcast %broadcast_in_dim3A_360 : vector<512x1xi32> to vector<512x16xi32>
    %select_n3A_362 = arith.select %eq3A_357, %broadcast_in_dim3A_361, %select_n3A_340 : vector<512x16xi1>, vector<512x16xi32>
    %eq3A_363 = vector.broadcast %broadcast_in_dim3A_348 : vector<512x1xi32> to vector<512x2048xi32>
    %eq3A_364 = arith.cmpi eq, %select_n3A_345, %eq3A_363 : vector<512x2048xi32>
    %jit3A_365 = arith.constant -2147483648 : i32
    %broadcast_in_dim3A_366 = vector.broadcast %jit3A_365 : i32 to vector<512x2048xi32>
    %select_n3A_367 = arith.select %eq3A_364, %broadcast_in_dim3A_366, %select_n3A_345 : vector<512x2048xi1>, vector<512x2048xi32>
    %reduce_max3A_368 = arith.constant dense<-2147483648> : vector<512xi32>
    %reduce_max3A_369 = vector.multi_reduction <maxsi>, %select_n3A_367, %reduce_max3A_368 [1] : vector<512x2048xi32> to vector<512xi32>
    %broadcast_in_dim3A_370 = vector.shape_cast %reduce_max3A_369 : vector<512xi32> to vector<512x1xi32>
    %and3A_371 = arith.constant 2047 : i32
    %and3A_372 = vector.broadcast %and3A_371 : i32 to vector<512x1xi32>
    %and3A_373 = arith.andi %broadcast_in_dim3A_370, %and3A_372 : vector<512x1xi32>
    %sub3A_374 = arith.constant 2047 : i32
    %sub3A_375 = vector.broadcast %sub3A_374 : i32 to vector<512x1xi32>
    %sub3A_376 = arith.subi %sub3A_375, %and3A_373 : vector<512x1xi32>
    %eq3A_377 = arith.constant 15 : i32
    %eq3A_378 = vector.broadcast %eq3A_377 : i32 to vector<512x16xi32>
    %eq3A_379 = arith.cmpi eq, %iota3A_32, %eq3A_378 : vector<512x16xi32>
    %add3A_380 = vector.broadcast %add3A_38 : i32 to vector<512x1xi32>
    %add3A_381 = arith.addi %sub3A_376, %add3A_380 : vector<512x1xi32>
    %broadcast_in_dim3A_382 = vector.shape_cast %add3A_381 : vector<512x1xi32> to vector<512x1xi32>
    %broadcast_in_dim3A_383 = vector.broadcast %broadcast_in_dim3A_382 : vector<512x1xi32> to vector<512x16xi32>
    %select_n3A_384 = arith.select %eq3A_379, %broadcast_in_dim3A_383, %select_n3A_362 : vector<512x16xi1>, vector<512x16xi32>
    %swap3A = arith.constant 0 : index
    %swap3A_385 = arith.constant 0 : index
    %swap3A_386 = arith.constant 0 : index
    %swap3A_387 = vector.load %arg4[%swap3A, %swap3A_385, %swap3A_386] : memref<1x512x16xi32, #tpu.memory_space<vmem>>, vector<1x512x16xi32>
    %swap3A_388 = vector.shape_cast %swap3A_387 : vector<1x512x16xi32> to vector<512x16xi32>
    %swap3A_389 = vector.shape_cast %select_n3A_384 : vector<512x16xi32> to vector<1x512x16xi32>
    tpu.vector_store %arg4[%swap3A, %swap3A_385, %swap3A_386], %swap3A_389 {strides = array<i32>} : memref<1x512x16xi32, #tpu.memory_space<vmem>>, vector<1x512x16xi32>,
    return
  }
  func.func @transform_0(%arg0: i32, %arg1: i32) -> (i32, i32, i32) {
    %c0_i32 = arith.constant 0 : i32
    %c0_i32_0 = arith.constant 0 : i32
    %c0_i32_1 = arith.constant 0 : i32
    return %arg0, %c0_i32, %c0_i32_0 : i32, i32, i32
  }
  func.func @transform_1(%arg0: i32, %arg1: i32) -> (i32, i32, i32) {
    %c0_i32 = arith.constant 0 : i32
    %c0_i32_0 = arith.constant 0 : i32
    return %arg0, %arg1, %c0_i32 : i32, i32, i32
  }
  func.func @transform_2(%arg0: i32, %arg1: i32) -> (i32, i32, i32) {
    %c0_i32 = arith.constant 0 : i32
    %c0_i32_0 = arith.constant 0 : i32
    return %arg0, %arg1, %c0_i32 : i32, i32, i32
  }
}

module attributes {stable_mosaic.version = 14 : i64} {
  func.func @_topk_body(%arg0: i32, %arg1: i32, %arg2: memref<1x2048x64xf32, #tpu.memory_space<vmem>>, %arg3: memref<1x512x64xf32, #tpu.memory_space<vmem>>, %arg4: memref<1x512x16xi32, #tpu.memory_space<vmem>>) attributes {dimension_semantics = [#tpu.dimension_semantics<arbitrary>, #tpu.dimension_semantics<arbitrary>], iteration_bounds = array<i64: 1, 4>, scalar_prefetch = 0 : i64, scratch_operands = 0 : i64, tpu.core_type = #tpu.core_type<tc>, window_params = [{transform_indices = @transform_0, window_bounds = array<i64: 1, 2048, 64>}, {transform_indices = @transform_1, window_bounds = array<i64: 1, 512, 64>}, {transform_indices = @transform_2, window_bounds = array<i64: 1, 512, 16>}]} {
    %get3A = arith.constant 0 : index
    %get3A_0 = arith.constant 0 : index
    %get3A_1 = arith.constant 0 : index
    %get3A_2 = vector.load %arg2[%get3A, %get3A_0, %get3A_1] : memref<1x2048x64xf32, #tpu.memory_space<vmem>>, vector<1x2048x64xf32>
    %get3A_3 = vector.shape_cast %get3A_2 : vector<1x2048x64xf32> to vector<2048x64xf32>
    %get3A_4 = arith.constant 0 : index
    %get3A_5 = arith.constant 0 : index
    %get3A_6 = arith.constant 0 : index
    %get3A_7 = vector.load %arg3[%get3A_4, %get3A_5, %get3A_6] : memref<1x512x64xf32, #tpu.memory_space<vmem>>, vector<1x512x64xf32>
    %get3A_8 = vector.shape_cast %get3A_7 : vector<1x512x64xf32> to vector<512x64xf32>
    %dot_general3A = arith.constant dense<0.000000e+00> : vector<512x2048xf32>
    %dot_general3A_9 = tpu.matmul %get3A_8, %get3A_3, %dot_general3A {dimension_numbers = #tpu.dot_dimension_numbers<[1], [1], [0], [0], [0, 0, 1, 0], [], []>, transpose_lhs_hint = false} : vector<512x64xf32>, vector<2048x64xf32>, vector<512x2048xf32> -> vector<512x2048xf32>
    %broadcast_in_dim3A = arith.constant 1.000000e+00 : f32
    %broadcast_in_dim3A_10 = vector.broadcast %broadcast_in_dim3A : f32 to vector<1x64xf32>
    %mul3A = arith.mulf %get3A_3, %get3A_3 : vector<2048x64xf32>
    %dot_general3A_11 = arith.constant dense<0.000000e+00> : vector<1x2048xf32>
    %dot_general3A_12 = tpu.matmul %broadcast_in_dim3A_10, %mul3A, %dot_general3A_11 {dimension_numbers = #tpu.dot_dimension_numbers<[1], [1], [0], [0], [0, 0, 1, 0], [], []>, transpose_lhs_hint = false} : vector<1x64xf32>, vector<2048x64xf32>, vector<1x2048xf32> -> vector<1x2048xf32>
    %mul3A_13 = arith.constant 2.000000e+00 : f32
    %mul3A_14 = vector.broadcast %mul3A_13 : f32 to vector<512x2048xf32>
    %mul3A_15 = arith.mulf %mul3A_14, %dot_general3A_9 : vector<512x2048xf32>
    %sub3A = vector.broadcast %dot_general3A_12 : vector<1x2048xf32> to vector<512x2048xf32>
    %sub3A_16 = arith.subf %mul3A_15, %sub3A : vector<512x2048xf32>
    %bitcast_convert_type3A = tpu.bitcast %sub3A_16 : vector<512x2048xf32> -> vector<512x2048xi32>
    %ge3A = arith.constant 0 : i32
    %ge3A_17 = vector.broadcast %ge3A : i32 to vector<512x2048xi32>
    %ge3A_18 = arith.cmpi sge, %bitcast_convert_type3A, %ge3A_17 : vector<512x2048xi32>
    %xor3A = arith.constant 2147483647 : i32
    %xor3A_19 = vector.broadcast %xor3A : i32 to vector<512x2048xi32>
    %xor3A_20 = arith.xori %bitcast_convert_type3A, %xor3A_19 : vector<512x2048xi32>
    %select_n3A = arith.select %ge3A_18, %bitcast_convert_type3A, %xor3A_20 : vector<512x2048xi1>, vector<512x2048xi32>
    %iota3A = tpu.iota {dimensions = array<i32: 1>} : vector<512x2048xi32>
    %and3A = arith.constant -2048 : i32
    %and3A_21 = vector.broadcast %and3A : i32 to vector<512x2048xi32>
    %and3A_22 = arith.andi %select_n3A, %and3A_21 : vector<512x2048xi32>
    %sub3A_23 = arith.constant 2047 : i32
    %sub3A_24 = vector.broadcast %sub3A_23 : i32 to vector<512x2048xi32>
    %sub3A_25 = arith.subi %sub3A_24, %iota3A : vector<512x2048xi32>
    %or3A = arith.ori %and3A_22, %sub3A_25 : vector<512x2048xi32>
    %iota3A_26 = tpu.iota {dimensions = array<i32: 0>} : vector<512x2048xi32>
    %mul3A_27 = arith.constant 512 : i32
    %mul3A_28 = arith.muli %arg1, %mul3A_27 : i32
    %add3A = vector.broadcast %mul3A_28 : i32 to vector<512x2048xi32>
    %add3A_29 = arith.addi %iota3A_26, %add3A : vector<512x2048xi32>
    %eq3A = arith.cmpi eq, %iota3A, %add3A_29 : vector<512x2048xi32>
    %jit3A = arith.constant -2147483648 : i32
    %broadcast_in_dim3A_30 = vector.broadcast %jit3A : i32 to vector<512x2048xi32>
    %select_n3A_31 = arith.select %eq3A, %broadcast_in_dim3A_30, %or3A : vector<512x2048xi1>, vector<512x2048xi32>
    %iota3A_32 = tpu.iota {dimensions = array<i32: 1>} : vector<512x16xi32>
    %broadcast_in_dim3A_33 = arith.constant 0 : i32
    %broadcast_in_dim3A_34 = vector.broadcast %broadcast_in_dim3A_33 : i32 to vector<512x16xi32>
    %mul3A_35 = arith.constant 2048 : i32
    %mul3A_36 = arith.muli %arg0, %mul3A_35 : i32
    %add3A_37 = arith.constant 6144 : i32
    %add3A_38 = arith.addi %mul3A_36, %add3A_37 : i32
    %reduce_max3A = arith.constant dense<-2147483648> : vector<512xi32>
    %reduce_max3A_39 = vector.multi_reduction <maxsi>, %select_n3A_31, %reduce_max3A [1] : vector<512x2048xi32> to vector<512xi32>
    %broadcast_in_dim3A_40 = vector.shape_cast %reduce_max3A_39 : vector<512xi32> to vector<512x1xi32>
    %and3A_41 = arith.constant 2047 : i32
    %and3A_42 = vector.broadcast %and3A_41 : i32 to vector<512x1xi32>
    %and3A_43 = arith.andi %broadcast_in_dim3A_40, %and3A_42 : vector<512x1xi32>
    %sub3A_44 = arith.constant 2047 : i32
    %sub3A_45 = vector.broadcast %sub3A_44 : i32 to vector<512x1xi32>
    %sub3A_46 = arith.subi %sub3A_45, %and3A_43 : vector<512x1xi32>
    %eq3A_47 = arith.constant 0 : i32
    %eq3A_48 = vector.broadcast %eq3A_47 : i32 to vector<512x16xi32>
    %eq3A_49 = arith.cmpi eq, %iota3A_32, %eq3A_48 : vector<512x16xi32>
    %add3A_50 = vector.broadcast %add3A_38 : i32 to vector<512x1xi32>
    %add3A_51 = arith.addi %sub3A_46, %add3A_50 : vector<512x1xi32>
    %broadcast_in_dim3A_52 = vector.shape_cast %add3A_51 : vector<512x1xi32> to vector<512x1xi32>
    %broadcast_in_dim3A_53 = vector.broadcast %broadcast_in_dim3A_52 : vector<512x1xi32> to vector<512x16xi32>
    %select_n3A_54 = arith.select %eq3A_49, %broadcast_in_dim3A_53, %broadcast_in_dim3A_34 : vector<512x16xi1>, vector<512x16xi32>
    %eq3A_55 = vector.broadcast %broadcast_in_dim3A_40 : vector<512x1xi32> to vector<512x2048xi32>
    %eq3A_56 = arith.cmpi eq, %select_n3A_31, %eq3A_55 : vector<512x2048xi32>
    %jit3A_57 = arith.constant -2147483648 : i32
    %broadcast_in_dim3A_58 = vector.broadcast %jit3A_57 : i32 to vector<512x2048xi32>
    %select_n3A_59 = arith.select %eq3A_56, %broadcast_in_dim3A_58, %select_n3A_31 : vector<512x2048xi1>, vector<512x2048xi32>
    %reduce_max3A_60 = arith.constant dense<-2147483648> : vector<512xi32>
    %reduce_max3A_61 = vector.multi_reduction <maxsi>, %select_n3A_59, %reduce_max3A_60 [1] : vector<512x2048xi32> to vector<512xi32>
    %broadcast_in_dim3A_62 = vector.shape_cast %reduce_max3A_61 : vector<512xi32> to vector<512x1xi32>
    %and3A_63 = arith.constant 2047 : i32
    %and3A_64 = vector.broadcast %and3A_63 : i32 to vector<512x1xi32>
    %and3A_65 = arith.andi %broadcast_in_dim3A_62, %and3A_64 : vector<512x1xi32>
    %sub3A_66 = arith.constant 2047 : i32
    %sub3A_67 = vector.broadcast %sub3A_66 : i32 to vector<512x1xi32>
    %sub3A_68 = arith.subi %sub3A_67, %and3A_65 : vector<512x1xi32>
    %eq3A_69 = arith.constant 1 : i32
    %eq3A_70 = vector.broadcast %eq3A_69 : i32 to vector<512x16xi32>
    %eq3A_71 = arith.cmpi eq, %iota3A_32, %eq3A_70 : vector<512x16xi32>
    %add3A_72 = vector.broadcast %add3A_38 : i32 to vector<512x1xi32>
    %add3A_73 = arith.addi %sub3A_68, %add3A_72 : vector<512x1xi32>
    %broadcast_in_dim3A_74 = vector.shape_cast %add3A_73 : vector<512x1xi32> to vector<512x1xi32>
    %broadcast_in_dim3A_75 = vector.broadcast %broadcast_in_dim3A_74 : vector<512x1xi32> to vector<512x16xi32>
    %select_n3A_76 = arith.select %eq3A_71, %broadcast_in_dim3A_75, %select_n3A_54 : vector<512x16xi1>, vector<512x16xi32>
    %eq3A_77 = vector.broadcast %broadcast_in_dim3A_62 : vector<512x1xi32> to vector<512x2048xi32>
    %eq3A_78 = arith.cmpi eq, %select_n3A_59, %eq3A_77 : vector<512x2048xi32>
    %jit3A_79 = arith.constant -2147483648 : i32
    %broadcast_in_dim3A_80 = vector.broadcast %jit3A_79 : i32 to vector<512x2048xi32>
    %select_n3A_81 = arith.select %eq3A_78, %broadcast_in_dim3A_80, %select_n3A_59 : vector<512x2048xi1>, vector<512x2048xi32>
    %reduce_max3A_82 = arith.constant dense<-2147483648> : vector<512xi32>
    %reduce_max3A_83 = vector.multi_reduction <maxsi>, %select_n3A_81, %reduce_max3A_82 [1] : vector<512x2048xi32> to vector<512xi32>
    %broadcast_in_dim3A_84 = vector.shape_cast %reduce_max3A_83 : vector<512xi32> to vector<512x1xi32>
    %and3A_85 = arith.constant 2047 : i32
    %and3A_86 = vector.broadcast %and3A_85 : i32 to vector<512x1xi32>
    %and3A_87 = arith.andi %broadcast_in_dim3A_84, %and3A_86 : vector<512x1xi32>
    %sub3A_88 = arith.constant 2047 : i32
    %sub3A_89 = vector.broadcast %sub3A_88 : i32 to vector<512x1xi32>
    %sub3A_90 = arith.subi %sub3A_89, %and3A_87 : vector<512x1xi32>
    %eq3A_91 = arith.constant 2 : i32
    %eq3A_92 = vector.broadcast %eq3A_91 : i32 to vector<512x16xi32>
    %eq3A_93 = arith.cmpi eq, %iota3A_32, %eq3A_92 : vector<512x16xi32>
    %add3A_94 = vector.broadcast %add3A_38 : i32 to vector<512x1xi32>
    %add3A_95 = arith.addi %sub3A_90, %add3A_94 : vector<512x1xi32>
    %broadcast_in_dim3A_96 = vector.shape_cast %add3A_95 : vector<512x1xi32> to vector<512x1xi32>
    %broadcast_in_dim3A_97 = vector.broadcast %broadcast_in_dim3A_96 : vector<512x1xi32> to vector<512x16xi32>
    %select_n3A_98 = arith.select %eq3A_93, %broadcast_in_dim3A_97, %select_n3A_76 : vector<512x16xi1>, vector<512x16xi32>
    %eq3A_99 = vector.broadcast %broadcast_in_dim3A_84 : vector<512x1xi32> to vector<512x2048xi32>
    %eq3A_100 = arith.cmpi eq, %select_n3A_81, %eq3A_99 : vector<512x2048xi32>
    %jit3A_101 = arith.constant -2147483648 : i32
    %broadcast_in_dim3A_102 = vector.broadcast %jit3A_101 : i32 to vector<512x2048xi32>
    %select_n3A_103 = arith.select %eq3A_100, %broadcast_in_dim3A_102, %select_n3A_81 : vector<512x2048xi1>, vector<512x2048xi32>
    %reduce_max3A_104 = arith.constant dense<-2147483648> : vector<512xi32>
    %reduce_max3A_105 = vector.multi_reduction <maxsi>, %select_n3A_103, %reduce_max3A_104 [1] : vector<512x2048xi32> to vector<512xi32>
    %broadcast_in_dim3A_106 = vector.shape_cast %reduce_max3A_105 : vector<512xi32> to vector<512x1xi32>
    %and3A_107 = arith.constant 2047 : i32
    %and3A_108 = vector.broadcast %and3A_107 : i32 to vector<512x1xi32>
    %and3A_109 = arith.andi %broadcast_in_dim3A_106, %and3A_108 : vector<512x1xi32>
    %sub3A_110 = arith.constant 2047 : i32
    %sub3A_111 = vector.broadcast %sub3A_110 : i32 to vector<512x1xi32>
    %sub3A_112 = arith.subi %sub3A_111, %and3A_109 : vector<512x1xi32>
    %eq3A_113 = arith.constant 3 : i32
    %eq3A_114 = vector.broadcast %eq3A_113 : i32 to vector<512x16xi32>
    %eq3A_115 = arith.cmpi eq, %iota3A_32, %eq3A_114 : vector<512x16xi32>
    %add3A_116 = vector.broadcast %add3A_38 : i32 to vector<512x1xi32>
    %add3A_117 = arith.addi %sub3A_112, %add3A_116 : vector<512x1xi32>
    %broadcast_in_dim3A_118 = vector.shape_cast %add3A_117 : vector<512x1xi32> to vector<512x1xi32>
    %broadcast_in_dim3A_119 = vector.broadcast %broadcast_in_dim3A_118 : vector<512x1xi32> to vector<512x16xi32>
    %select_n3A_120 = arith.select %eq3A_115, %broadcast_in_dim3A_119, %select_n3A_98 : vector<512x16xi1>, vector<512x16xi32>
    %eq3A_121 = vector.broadcast %broadcast_in_dim3A_106 : vector<512x1xi32> to vector<512x2048xi32>
    %eq3A_122 = arith.cmpi eq, %select_n3A_103, %eq3A_121 : vector<512x2048xi32>
    %jit3A_123 = arith.constant -2147483648 : i32
    %broadcast_in_dim3A_124 = vector.broadcast %jit3A_123 : i32 to vector<512x2048xi32>
    %select_n3A_125 = arith.select %eq3A_122, %broadcast_in_dim3A_124, %select_n3A_103 : vector<512x2048xi1>, vector<512x2048xi32>
    %reduce_max3A_126 = arith.constant dense<-2147483648> : vector<512xi32>
    %reduce_max3A_127 = vector.multi_reduction <maxsi>, %select_n3A_125, %reduce_max3A_126 [1] : vector<512x2048xi32> to vector<512xi32>
    %broadcast_in_dim3A_128 = vector.shape_cast %reduce_max3A_127 : vector<512xi32> to vector<512x1xi32>
    %and3A_129 = arith.constant 2047 : i32
    %and3A_130 = vector.broadcast %and3A_129 : i32 to vector<512x1xi32>
    %and3A_131 = arith.andi %broadcast_in_dim3A_128, %and3A_130 : vector<512x1xi32>
    %sub3A_132 = arith.constant 2047 : i32
    %sub3A_133 = vector.broadcast %sub3A_132 : i32 to vector<512x1xi32>
    %sub3A_134 = arith.subi %sub3A_133, %and3A_131 : vector<512x1xi32>
    %eq3A_135 = arith.constant 4 : i32
    %eq3A_136 = vector.broadcast %eq3A_135 : i32 to vector<512x16xi32>
    %eq3A_137 = arith.cmpi eq, %iota3A_32, %eq3A_136 : vector<512x16xi32>
    %add3A_138 = vector.broadcast %add3A_38 : i32 to vector<512x1xi32>
    %add3A_139 = arith.addi %sub3A_134, %add3A_138 : vector<512x1xi32>
    %broadcast_in_dim3A_140 = vector.shape_cast %add3A_139 : vector<512x1xi32> to vector<512x1xi32>
    %broadcast_in_dim3A_141 = vector.broadcast %broadcast_in_dim3A_140 : vector<512x1xi32> to vector<512x16xi32>
    %select_n3A_142 = arith.select %eq3A_137, %broadcast_in_dim3A_141, %select_n3A_120 : vector<512x16xi1>, vector<512x16xi32>
    %eq3A_143 = vector.broadcast %broadcast_in_dim3A_128 : vector<512x1xi32> to vector<512x2048xi32>
    %eq3A_144 = arith.cmpi eq, %select_n3A_125, %eq3A_143 : vector<512x2048xi32>
    %jit3A_145 = arith.constant -2147483648 : i32
    %broadcast_in_dim3A_146 = vector.broadcast %jit3A_145 : i32 to vector<512x2048xi32>
    %select_n3A_147 = arith.select %eq3A_144, %broadcast_in_dim3A_146, %select_n3A_125 : vector<512x2048xi1>, vector<512x2048xi32>
    %reduce_max3A_148 = arith.constant dense<-2147483648> : vector<512xi32>
    %reduce_max3A_149 = vector.multi_reduction <maxsi>, %select_n3A_147, %reduce_max3A_148 [1] : vector<512x2048xi32> to vector<512xi32>
    %broadcast_in_dim3A_150 = vector.shape_cast %reduce_max3A_149 : vector<512xi32> to vector<512x1xi32>
    %and3A_151 = arith.constant 2047 : i32
    %and3A_152 = vector.broadcast %and3A_151 : i32 to vector<512x1xi32>
    %and3A_153 = arith.andi %broadcast_in_dim3A_150, %and3A_152 : vector<512x1xi32>
    %sub3A_154 = arith.constant 2047 : i32
    %sub3A_155 = vector.broadcast %sub3A_154 : i32 to vector<512x1xi32>
    %sub3A_156 = arith.subi %sub3A_155, %and3A_153 : vector<512x1xi32>
    %eq3A_157 = arith.constant 5 : i32
    %eq3A_158 = vector.broadcast %eq3A_157 : i32 to vector<512x16xi32>
    %eq3A_159 = arith.cmpi eq, %iota3A_32, %eq3A_158 : vector<512x16xi32>
    %add3A_160 = vector.broadcast %add3A_38 : i32 to vector<512x1xi32>
    %add3A_161 = arith.addi %sub3A_156, %add3A_160 : vector<512x1xi32>
    %broadcast_in_dim3A_162 = vector.shape_cast %add3A_161 : vector<512x1xi32> to vector<512x1xi32>
    %broadcast_in_dim3A_163 = vector.broadcast %broadcast_in_dim3A_162 : vector<512x1xi32> to vector<512x16xi32>
    %select_n3A_164 = arith.select %eq3A_159, %broadcast_in_dim3A_163, %select_n3A_142 : vector<512x16xi1>, vector<512x16xi32>
    %eq3A_165 = vector.broadcast %broadcast_in_dim3A_150 : vector<512x1xi32> to vector<512x2048xi32>
    %eq3A_166 = arith.cmpi eq, %select_n3A_147, %eq3A_165 : vector<512x2048xi32>
    %jit3A_167 = arith.constant -2147483648 : i32
    %broadcast_in_dim3A_168 = vector.broadcast %jit3A_167 : i32 to vector<512x2048xi32>
    %select_n3A_169 = arith.select %eq3A_166, %broadcast_in_dim3A_168, %select_n3A_147 : vector<512x2048xi1>, vector<512x2048xi32>
    %reduce_max3A_170 = arith.constant dense<-2147483648> : vector<512xi32>
    %reduce_max3A_171 = vector.multi_reduction <maxsi>, %select_n3A_169, %reduce_max3A_170 [1] : vector<512x2048xi32> to vector<512xi32>
    %broadcast_in_dim3A_172 = vector.shape_cast %reduce_max3A_171 : vector<512xi32> to vector<512x1xi32>
    %and3A_173 = arith.constant 2047 : i32
    %and3A_174 = vector.broadcast %and3A_173 : i32 to vector<512x1xi32>
    %and3A_175 = arith.andi %broadcast_in_dim3A_172, %and3A_174 : vector<512x1xi32>
    %sub3A_176 = arith.constant 2047 : i32
    %sub3A_177 = vector.broadcast %sub3A_176 : i32 to vector<512x1xi32>
    %sub3A_178 = arith.subi %sub3A_177, %and3A_175 : vector<512x1xi32>
    %eq3A_179 = arith.constant 6 : i32
    %eq3A_180 = vector.broadcast %eq3A_179 : i32 to vector<512x16xi32>
    %eq3A_181 = arith.cmpi eq, %iota3A_32, %eq3A_180 : vector<512x16xi32>
    %add3A_182 = vector.broadcast %add3A_38 : i32 to vector<512x1xi32>
    %add3A_183 = arith.addi %sub3A_178, %add3A_182 : vector<512x1xi32>
    %broadcast_in_dim3A_184 = vector.shape_cast %add3A_183 : vector<512x1xi32> to vector<512x1xi32>
    %broadcast_in_dim3A_185 = vector.broadcast %broadcast_in_dim3A_184 : vector<512x1xi32> to vector<512x16xi32>
    %select_n3A_186 = arith.select %eq3A_181, %broadcast_in_dim3A_185, %select_n3A_164 : vector<512x16xi1>, vector<512x16xi32>
    %eq3A_187 = vector.broadcast %broadcast_in_dim3A_172 : vector<512x1xi32> to vector<512x2048xi32>
    %eq3A_188 = arith.cmpi eq, %select_n3A_169, %eq3A_187 : vector<512x2048xi32>
    %jit3A_189 = arith.constant -2147483648 : i32
    %broadcast_in_dim3A_190 = vector.broadcast %jit3A_189 : i32 to vector<512x2048xi32>
    %select_n3A_191 = arith.select %eq3A_188, %broadcast_in_dim3A_190, %select_n3A_169 : vector<512x2048xi1>, vector<512x2048xi32>
    %reduce_max3A_192 = arith.constant dense<-2147483648> : vector<512xi32>
    %reduce_max3A_193 = vector.multi_reduction <maxsi>, %select_n3A_191, %reduce_max3A_192 [1] : vector<512x2048xi32> to vector<512xi32>
    %broadcast_in_dim3A_194 = vector.shape_cast %reduce_max3A_193 : vector<512xi32> to vector<512x1xi32>
    %and3A_195 = arith.constant 2047 : i32
    %and3A_196 = vector.broadcast %and3A_195 : i32 to vector<512x1xi32>
    %and3A_197 = arith.andi %broadcast_in_dim3A_194, %and3A_196 : vector<512x1xi32>
    %sub3A_198 = arith.constant 2047 : i32
    %sub3A_199 = vector.broadcast %sub3A_198 : i32 to vector<512x1xi32>
    %sub3A_200 = arith.subi %sub3A_199, %and3A_197 : vector<512x1xi32>
    %eq3A_201 = arith.constant 7 : i32
    %eq3A_202 = vector.broadcast %eq3A_201 : i32 to vector<512x16xi32>
    %eq3A_203 = arith.cmpi eq, %iota3A_32, %eq3A_202 : vector<512x16xi32>
    %add3A_204 = vector.broadcast %add3A_38 : i32 to vector<512x1xi32>
    %add3A_205 = arith.addi %sub3A_200, %add3A_204 : vector<512x1xi32>
    %broadcast_in_dim3A_206 = vector.shape_cast %add3A_205 : vector<512x1xi32> to vector<512x1xi32>
    %broadcast_in_dim3A_207 = vector.broadcast %broadcast_in_dim3A_206 : vector<512x1xi32> to vector<512x16xi32>
    %select_n3A_208 = arith.select %eq3A_203, %broadcast_in_dim3A_207, %select_n3A_186 : vector<512x16xi1>, vector<512x16xi32>
    %eq3A_209 = vector.broadcast %broadcast_in_dim3A_194 : vector<512x1xi32> to vector<512x2048xi32>
    %eq3A_210 = arith.cmpi eq, %select_n3A_191, %eq3A_209 : vector<512x2048xi32>
    %jit3A_211 = arith.constant -2147483648 : i32
    %broadcast_in_dim3A_212 = vector.broadcast %jit3A_211 : i32 to vector<512x2048xi32>
    %select_n3A_213 = arith.select %eq3A_210, %broadcast_in_dim3A_212, %select_n3A_191 : vector<512x2048xi1>, vector<512x2048xi32>
    %reduce_max3A_214 = arith.constant dense<-2147483648> : vector<512xi32>
    %reduce_max3A_215 = vector.multi_reduction <maxsi>, %select_n3A_213, %reduce_max3A_214 [1] : vector<512x2048xi32> to vector<512xi32>
    %broadcast_in_dim3A_216 = vector.shape_cast %reduce_max3A_215 : vector<512xi32> to vector<512x1xi32>
    %and3A_217 = arith.constant 2047 : i32
    %and3A_218 = vector.broadcast %and3A_217 : i32 to vector<512x1xi32>
    %and3A_219 = arith.andi %broadcast_in_dim3A_216, %and3A_218 : vector<512x1xi32>
    %sub3A_220 = arith.constant 2047 : i32
    %sub3A_221 = vector.broadcast %sub3A_220 : i32 to vector<512x1xi32>
    %sub3A_222 = arith.subi %sub3A_221, %and3A_219 : vector<512x1xi32>
    %eq3A_223 = arith.constant 8 : i32
    %eq3A_224 = vector.broadcast %eq3A_223 : i32 to vector<512x16xi32>
    %eq3A_225 = arith.cmpi eq, %iota3A_32, %eq3A_224 : vector<512x16xi32>
    %add3A_226 = vector.broadcast %add3A_38 : i32 to vector<512x1xi32>
    %add3A_227 = arith.addi %sub3A_222, %add3A_226 : vector<512x1xi32>
    %broadcast_in_dim3A_228 = vector.shape_cast %add3A_227 : vector<512x1xi32> to vector<512x1xi32>
    %broadcast_in_dim3A_229 = vector.broadcast %broadcast_in_dim3A_228 : vector<512x1xi32> to vector<512x16xi32>
    %select_n3A_230 = arith.select %eq3A_225, %broadcast_in_dim3A_229, %select_n3A_208 : vector<512x16xi1>, vector<512x16xi32>
    %eq3A_231 = vector.broadcast %broadcast_in_dim3A_216 : vector<512x1xi32> to vector<512x2048xi32>
    %eq3A_232 = arith.cmpi eq, %select_n3A_213, %eq3A_231 : vector<512x2048xi32>
    %jit3A_233 = arith.constant -2147483648 : i32
    %broadcast_in_dim3A_234 = vector.broadcast %jit3A_233 : i32 to vector<512x2048xi32>
    %select_n3A_235 = arith.select %eq3A_232, %broadcast_in_dim3A_234, %select_n3A_213 : vector<512x2048xi1>, vector<512x2048xi32>
    %reduce_max3A_236 = arith.constant dense<-2147483648> : vector<512xi32>
    %reduce_max3A_237 = vector.multi_reduction <maxsi>, %select_n3A_235, %reduce_max3A_236 [1] : vector<512x2048xi32> to vector<512xi32>
    %broadcast_in_dim3A_238 = vector.shape_cast %reduce_max3A_237 : vector<512xi32> to vector<512x1xi32>
    %and3A_239 = arith.constant 2047 : i32
    %and3A_240 = vector.broadcast %and3A_239 : i32 to vector<512x1xi32>
    %and3A_241 = arith.andi %broadcast_in_dim3A_238, %and3A_240 : vector<512x1xi32>
    %sub3A_242 = arith.constant 2047 : i32
    %sub3A_243 = vector.broadcast %sub3A_242 : i32 to vector<512x1xi32>
    %sub3A_244 = arith.subi %sub3A_243, %and3A_241 : vector<512x1xi32>
    %eq3A_245 = arith.constant 9 : i32
    %eq3A_246 = vector.broadcast %eq3A_245 : i32 to vector<512x16xi32>
    %eq3A_247 = arith.cmpi eq, %iota3A_32, %eq3A_246 : vector<512x16xi32>
    %add3A_248 = vector.broadcast %add3A_38 : i32 to vector<512x1xi32>
    %add3A_249 = arith.addi %sub3A_244, %add3A_248 : vector<512x1xi32>
    %broadcast_in_dim3A_250 = vector.shape_cast %add3A_249 : vector<512x1xi32> to vector<512x1xi32>
    %broadcast_in_dim3A_251 = vector.broadcast %broadcast_in_dim3A_250 : vector<512x1xi32> to vector<512x16xi32>
    %select_n3A_252 = arith.select %eq3A_247, %broadcast_in_dim3A_251, %select_n3A_230 : vector<512x16xi1>, vector<512x16xi32>
    %eq3A_253 = vector.broadcast %broadcast_in_dim3A_238 : vector<512x1xi32> to vector<512x2048xi32>
    %eq3A_254 = arith.cmpi eq, %select_n3A_235, %eq3A_253 : vector<512x2048xi32>
    %jit3A_255 = arith.constant -2147483648 : i32
    %broadcast_in_dim3A_256 = vector.broadcast %jit3A_255 : i32 to vector<512x2048xi32>
    %select_n3A_257 = arith.select %eq3A_254, %broadcast_in_dim3A_256, %select_n3A_235 : vector<512x2048xi1>, vector<512x2048xi32>
    %reduce_max3A_258 = arith.constant dense<-2147483648> : vector<512xi32>
    %reduce_max3A_259 = vector.multi_reduction <maxsi>, %select_n3A_257, %reduce_max3A_258 [1] : vector<512x2048xi32> to vector<512xi32>
    %broadcast_in_dim3A_260 = vector.shape_cast %reduce_max3A_259 : vector<512xi32> to vector<512x1xi32>
    %and3A_261 = arith.constant 2047 : i32
    %and3A_262 = vector.broadcast %and3A_261 : i32 to vector<512x1xi32>
    %and3A_263 = arith.andi %broadcast_in_dim3A_260, %and3A_262 : vector<512x1xi32>
    %sub3A_264 = arith.constant 2047 : i32
    %sub3A_265 = vector.broadcast %sub3A_264 : i32 to vector<512x1xi32>
    %sub3A_266 = arith.subi %sub3A_265, %and3A_263 : vector<512x1xi32>
    %eq3A_267 = arith.constant 10 : i32
    %eq3A_268 = vector.broadcast %eq3A_267 : i32 to vector<512x16xi32>
    %eq3A_269 = arith.cmpi eq, %iota3A_32, %eq3A_268 : vector<512x16xi32>
    %add3A_270 = vector.broadcast %add3A_38 : i32 to vector<512x1xi32>
    %add3A_271 = arith.addi %sub3A_266, %add3A_270 : vector<512x1xi32>
    %broadcast_in_dim3A_272 = vector.shape_cast %add3A_271 : vector<512x1xi32> to vector<512x1xi32>
    %broadcast_in_dim3A_273 = vector.broadcast %broadcast_in_dim3A_272 : vector<512x1xi32> to vector<512x16xi32>
    %select_n3A_274 = arith.select %eq3A_269, %broadcast_in_dim3A_273, %select_n3A_252 : vector<512x16xi1>, vector<512x16xi32>
    %eq3A_275 = vector.broadcast %broadcast_in_dim3A_260 : vector<512x1xi32> to vector<512x2048xi32>
    %eq3A_276 = arith.cmpi eq, %select_n3A_257, %eq3A_275 : vector<512x2048xi32>
    %jit3A_277 = arith.constant -2147483648 : i32
    %broadcast_in_dim3A_278 = vector.broadcast %jit3A_277 : i32 to vector<512x2048xi32>
    %select_n3A_279 = arith.select %eq3A_276, %broadcast_in_dim3A_278, %select_n3A_257 : vector<512x2048xi1>, vector<512x2048xi32>
    %reduce_max3A_280 = arith.constant dense<-2147483648> : vector<512xi32>
    %reduce_max3A_281 = vector.multi_reduction <maxsi>, %select_n3A_279, %reduce_max3A_280 [1] : vector<512x2048xi32> to vector<512xi32>
    %broadcast_in_dim3A_282 = vector.shape_cast %reduce_max3A_281 : vector<512xi32> to vector<512x1xi32>
    %and3A_283 = arith.constant 2047 : i32
    %and3A_284 = vector.broadcast %and3A_283 : i32 to vector<512x1xi32>
    %and3A_285 = arith.andi %broadcast_in_dim3A_282, %and3A_284 : vector<512x1xi32>
    %sub3A_286 = arith.constant 2047 : i32
    %sub3A_287 = vector.broadcast %sub3A_286 : i32 to vector<512x1xi32>
    %sub3A_288 = arith.subi %sub3A_287, %and3A_285 : vector<512x1xi32>
    %eq3A_289 = arith.constant 11 : i32
    %eq3A_290 = vector.broadcast %eq3A_289 : i32 to vector<512x16xi32>
    %eq3A_291 = arith.cmpi eq, %iota3A_32, %eq3A_290 : vector<512x16xi32>
    %add3A_292 = vector.broadcast %add3A_38 : i32 to vector<512x1xi32>
    %add3A_293 = arith.addi %sub3A_288, %add3A_292 : vector<512x1xi32>
    %broadcast_in_dim3A_294 = vector.shape_cast %add3A_293 : vector<512x1xi32> to vector<512x1xi32>
    %broadcast_in_dim3A_295 = vector.broadcast %broadcast_in_dim3A_294 : vector<512x1xi32> to vector<512x16xi32>
    %select_n3A_296 = arith.select %eq3A_291, %broadcast_in_dim3A_295, %select_n3A_274 : vector<512x16xi1>, vector<512x16xi32>
    %eq3A_297 = vector.broadcast %broadcast_in_dim3A_282 : vector<512x1xi32> to vector<512x2048xi32>
    %eq3A_298 = arith.cmpi eq, %select_n3A_279, %eq3A_297 : vector<512x2048xi32>
    %jit3A_299 = arith.constant -2147483648 : i32
    %broadcast_in_dim3A_300 = vector.broadcast %jit3A_299 : i32 to vector<512x2048xi32>
    %select_n3A_301 = arith.select %eq3A_298, %broadcast_in_dim3A_300, %select_n3A_279 : vector<512x2048xi1>, vector<512x2048xi32>
    %reduce_max3A_302 = arith.constant dense<-2147483648> : vector<512xi32>
    %reduce_max3A_303 = vector.multi_reduction <maxsi>, %select_n3A_301, %reduce_max3A_302 [1] : vector<512x2048xi32> to vector<512xi32>
    %broadcast_in_dim3A_304 = vector.shape_cast %reduce_max3A_303 : vector<512xi32> to vector<512x1xi32>
    %and3A_305 = arith.constant 2047 : i32
    %and3A_306 = vector.broadcast %and3A_305 : i32 to vector<512x1xi32>
    %and3A_307 = arith.andi %broadcast_in_dim3A_304, %and3A_306 : vector<512x1xi32>
    %sub3A_308 = arith.constant 2047 : i32
    %sub3A_309 = vector.broadcast %sub3A_308 : i32 to vector<512x1xi32>
    %sub3A_310 = arith.subi %sub3A_309, %and3A_307 : vector<512x1xi32>
    %eq3A_311 = arith.constant 12 : i32
    %eq3A_312 = vector.broadcast %eq3A_311 : i32 to vector<512x16xi32>
    %eq3A_313 = arith.cmpi eq, %iota3A_32, %eq3A_312 : vector<512x16xi32>
    %add3A_314 = vector.broadcast %add3A_38 : i32 to vector<512x1xi32>
    %add3A_315 = arith.addi %sub3A_310, %add3A_314 : vector<512x1xi32>
    %broadcast_in_dim3A_316 = vector.shape_cast %add3A_315 : vector<512x1xi32> to vector<512x1xi32>
    %broadcast_in_dim3A_317 = vector.broadcast %broadcast_in_dim3A_316 : vector<512x1xi32> to vector<512x16xi32>
    %select_n3A_318 = arith.select %eq3A_313, %broadcast_in_dim3A_317, %select_n3A_296 : vector<512x16xi1>, vector<512x16xi32>
    %eq3A_319 = vector.broadcast %broadcast_in_dim3A_304 : vector<512x1xi32> to vector<512x2048xi32>
    %eq3A_320 = arith.cmpi eq, %select_n3A_301, %eq3A_319 : vector<512x2048xi32>
    %jit3A_321 = arith.constant -2147483648 : i32
    %broadcast_in_dim3A_322 = vector.broadcast %jit3A_321 : i32 to vector<512x2048xi32>
    %select_n3A_323 = arith.select %eq3A_320, %broadcast_in_dim3A_322, %select_n3A_301 : vector<512x2048xi1>, vector<512x2048xi32>
    %reduce_max3A_324 = arith.constant dense<-2147483648> : vector<512xi32>
    %reduce_max3A_325 = vector.multi_reduction <maxsi>, %select_n3A_323, %reduce_max3A_324 [1] : vector<512x2048xi32> to vector<512xi32>
    %broadcast_in_dim3A_326 = vector.shape_cast %reduce_max3A_325 : vector<512xi32> to vector<512x1xi32>
    %and3A_327 = arith.constant 2047 : i32
    %and3A_328 = vector.broadcast %and3A_327 : i32 to vector<512x1xi32>
    %and3A_329 = arith.andi %broadcast_in_dim3A_326, %and3A_328 : vector<512x1xi32>
    %sub3A_330 = arith.constant 2047 : i32
    %sub3A_331 = vector.broadcast %sub3A_330 : i32 to vector<512x1xi32>
    %sub3A_332 = arith.subi %sub3A_331, %and3A_329 : vector<512x1xi32>
    %eq3A_333 = arith.constant 13 : i32
    %eq3A_334 = vector.broadcast %eq3A_333 : i32 to vector<512x16xi32>
    %eq3A_335 = arith.cmpi eq, %iota3A_32, %eq3A_334 : vector<512x16xi32>
    %add3A_336 = vector.broadcast %add3A_38 : i32 to vector<512x1xi32>
    %add3A_337 = arith.addi %sub3A_332, %add3A_336 : vector<512x1xi32>
    %broadcast_in_dim3A_338 = vector.shape_cast %add3A_337 : vector<512x1xi32> to vector<512x1xi32>
    %broadcast_in_dim3A_339 = vector.broadcast %broadcast_in_dim3A_338 : vector<512x1xi32> to vector<512x16xi32>
    %select_n3A_340 = arith.select %eq3A_335, %broadcast_in_dim3A_339, %select_n3A_318 : vector<512x16xi1>, vector<512x16xi32>
    %eq3A_341 = vector.broadcast %broadcast_in_dim3A_326 : vector<512x1xi32> to vector<512x2048xi32>
    %eq3A_342 = arith.cmpi eq, %select_n3A_323, %eq3A_341 : vector<512x2048xi32>
    %jit3A_343 = arith.constant -2147483648 : i32
    %broadcast_in_dim3A_344 = vector.broadcast %jit3A_343 : i32 to vector<512x2048xi32>
    %select_n3A_345 = arith.select %eq3A_342, %broadcast_in_dim3A_344, %select_n3A_323 : vector<512x2048xi1>, vector<512x2048xi32>
    %reduce_max3A_346 = arith.constant dense<-2147483648> : vector<512xi32>
    %reduce_max3A_347 = vector.multi_reduction <maxsi>, %select_n3A_345, %reduce_max3A_346 [1] : vector<512x2048xi32> to vector<512xi32>
    %broadcast_in_dim3A_348 = vector.shape_cast %reduce_max3A_347 : vector<512xi32> to vector<512x1xi32>
    %and3A_349 = arith.constant 2047 : i32
    %and3A_350 = vector.broadcast %and3A_349 : i32 to vector<512x1xi32>
    %and3A_351 = arith.andi %broadcast_in_dim3A_348, %and3A_350 : vector<512x1xi32>
    %sub3A_352 = arith.constant 2047 : i32
    %sub3A_353 = vector.broadcast %sub3A_352 : i32 to vector<512x1xi32>
    %sub3A_354 = arith.subi %sub3A_353, %and3A_351 : vector<512x1xi32>
    %eq3A_355 = arith.constant 14 : i32
    %eq3A_356 = vector.broadcast %eq3A_355 : i32 to vector<512x16xi32>
    %eq3A_357 = arith.cmpi eq, %iota3A_32, %eq3A_356 : vector<512x16xi32>
    %add3A_358 = vector.broadcast %add3A_38 : i32 to vector<512x1xi32>
    %add3A_359 = arith.addi %sub3A_354, %add3A_358 : vector<512x1xi32>
    %broadcast_in_dim3A_360 = vector.shape_cast %add3A_359 : vector<512x1xi32> to vector<512x1xi32>
    %broadcast_in_dim3A_361 = vector.broadcast %broadcast_in_dim3A_360 : vector<512x1xi32> to vector<512x16xi32>
    %select_n3A_362 = arith.select %eq3A_357, %broadcast_in_dim3A_361, %select_n3A_340 : vector<512x16xi1>, vector<512x16xi32>
    %eq3A_363 = vector.broadcast %broadcast_in_dim3A_348 : vector<512x1xi32> to vector<512x2048xi32>
    %eq3A_364 = arith.cmpi eq, %select_n3A_345, %eq3A_363 : vector<512x2048xi32>
    %jit3A_365 = arith.constant -2147483648 : i32
    %broadcast_in_dim3A_366 = vector.broadcast %jit3A_365 : i32 to vector<512x2048xi32>
    %select_n3A_367 = arith.select %eq3A_364, %broadcast_in_dim3A_366, %select_n3A_345 : vector<512x2048xi1>, vector<512x2048xi32>
    %reduce_max3A_368 = arith.constant dense<-2147483648> : vector<512xi32>
    %reduce_max3A_369 = vector.multi_reduction <maxsi>, %select_n3A_367, %reduce_max3A_368 [1] : vector<512x2048xi32> to vector<512xi32>
    %broadcast_in_dim3A_370 = vector.shape_cast %reduce_max3A_369 : vector<512xi32> to vector<512x1xi32>
    %and3A_371 = arith.constant 2047 : i32
    %and3A_372 = vector.broadcast %and3A_371 : i32 to vector<512x1xi32>
    %and3A_373 = arith.andi %broadcast_in_dim3A_370, %and3A_372 : vector<512x1xi32>
    %sub3A_374 = arith.constant 2047 : i32
    %sub3A_375 = vector.broadcast %sub3A_374 : i32 to vector<512x1xi32>
    %sub3A_376 = arith.subi %sub3A_375, %and3A_373 : vector<512x1xi32>
    %eq3A_377 = arith.constant 15 : i32
    %eq3A_378 = vector.broadcast %eq3A_377 : i32 to vector<512x16xi32>
    %eq3A_379 = arith.cmpi eq, %iota3A_32, %eq3A_378 : vector<512x16xi32>
    %add3A_380 = vector.broadcast %add3A_38 : i32 to vector<512x1xi32>
    %add3A_381 = arith.addi %sub3A_376, %add3A_380 : vector<512x1xi32>
    %broadcast_in_dim3A_382 = vector.shape_cast %add3A_381 : vector<512x1xi32> to vector<512x1xi32>
    %broadcast_in_dim3A_383 = vector.broadcast %broadcast_in_dim3A_382 : vector<512x1xi32> to vector<512x16xi32>
    %select_n3A_384 = arith.select %eq3A_379, %broadcast_in_dim3A_383, %select_n3A_362 : vector<512x16xi1>, vector<512x16xi32>
    %swap3A = arith.constant 0 : index
    %swap3A_385 = arith.constant 0 : index
    %swap3A_386 = arith.constant 0 : index
    %swap3A_387 = vector.load %arg4[%swap3A, %swap3A_385, %swap3A_386] : memref<1x512x16xi32, #tpu.memory_space<vmem>>, vector<1x512x16xi32>
    %swap3A_388 = vector.shape_cast %swap3A_387 : vector<1x512x16xi32> to vector<512x16xi32>
    %swap3A_389 = vector.shape_cast %select_n3A_384 : vector<512x16xi32> to vector<1x512x16xi32>
    tpu.vector_store %arg4[%swap3A, %swap3A_385, %swap3A_386], %swap3A_389 {strides = array<i32>} : memref<1x512x16xi32, #tpu.memory_space<vmem>>, vector<1x512x16xi32>,
    return
  }
  func.func @transform_0(%arg0: i32, %arg1: i32) -> (i32, i32, i32) {
    %c0_i32 = arith.constant 0 : i32
    %c0_i32_0 = arith.constant 0 : i32
    %c0_i32_1 = arith.constant 0 : i32
    return %arg0, %c0_i32, %c0_i32_0 : i32, i32, i32
  }
  func.func @transform_1(%arg0: i32, %arg1: i32) -> (i32, i32, i32) {
    %c0_i32 = arith.constant 0 : i32
    %c0_i32_0 = arith.constant 0 : i32
    return %arg0, %arg1, %c0_i32 : i32, i32, i32
  }
  func.func @transform_2(%arg0: i32, %arg1: i32) -> (i32, i32, i32) {
    %c0_i32 = arith.constant 0 : i32
    %c0_i32_0 = arith.constant 0 : i32
    return %arg0, %arg1, %c0_i32 : i32, i32, i32
  }
}

module attributes {stable_mosaic.version = 14 : i64} {
  func.func @_conv_body(%arg0: i32, %arg1: i32, %arg2: memref<1x512x64xf32, #tpu.memory_space<vmem>>, %arg3: memref<1x8192x64xf32, #tpu.memory_space<vmem>>, %arg4: memref<64x256xbf16, #tpu.memory_space<vmem>>, %arg5: memref<64x256xbf16, #tpu.memory_space<vmem>>, %arg6: memref<256x256xbf16, #tpu.memory_space<vmem>>, %arg7: memref<256x64xbf16, #tpu.memory_space<vmem>>, %arg8: memref<1x256xf32, #tpu.memory_space<vmem>>, %arg9: memref<1x256xf32, #tpu.memory_space<vmem>>, %arg10: memref<1x64xf32, #tpu.memory_space<vmem>>, %arg11: memref<1x64x512xf32, #tpu.memory_space<vmem>>) attributes {dimension_semantics = [#tpu.dimension_semantics<arbitrary>, #tpu.dimension_semantics<arbitrary>], iteration_bounds = array<i64: 1, 4>, scalar_prefetch = 0 : i64, scratch_operands = 0 : i64, tpu.core_type = #tpu.core_type<tc>, window_params = [{transform_indices = @transform_0, window_bounds = array<i64: 1, 512, 64>}, {transform_indices = @transform_1, window_bounds = array<i64: 1, 8192, 64>}, {pipeline_mode = #tpu.pipeline_mode<synchronous>, transform_indices = @transform_2, window_bounds = array<i64: 64, 256>}, {pipeline_mode = #tpu.pipeline_mode<synchronous>, transform_indices = @transform_3, window_bounds = array<i64: 64, 256>}, {pipeline_mode = #tpu.pipeline_mode<synchronous>, transform_indices = @transform_4, window_bounds = array<i64: 256, 256>}, {pipeline_mode = #tpu.pipeline_mode<synchronous>, transform_indices = @transform_5, window_bounds = array<i64: 256, 64>}, {pipeline_mode = #tpu.pipeline_mode<synchronous>, transform_indices = @transform_6, window_bounds = array<i64: 1, 256>}, {pipeline_mode = #tpu.pipeline_mode<synchronous>, transform_indices = @transform_7, window_bounds = array<i64: 1, 256>}, {pipeline_mode = #tpu.pipeline_mode<synchronous>, transform_indices = @transform_8, window_bounds = array<i64: 1, 64>}, {transform_indices = @transform_9, window_bounds = array<i64: 1, 64, 512>}]} {
    %get3A = arith.constant 0 : index
    %get3A_0 = arith.constant 0 : index
    %get3A_1 = arith.constant 0 : index
    %get3A_2 = vector.load %arg2[%get3A, %get3A_0, %get3A_1] : memref<1x512x64xf32, #tpu.memory_space<vmem>>, vector<1x512x64xf32>
    %get3A_3 = vector.shape_cast %get3A_2 : vector<1x512x64xf32> to vector<512x64xf32>
    %get3A_4 = arith.constant 0 : index
    %get3A_5 = arith.constant 0 : index
    %get3A_6 = arith.constant 0 : index
    %get3A_7 = vector.load %arg3[%get3A_4, %get3A_5, %get3A_6] : memref<1x8192x64xf32, #tpu.memory_space<vmem>>, vector<1x8192x64xf32>
    %get3A_8 = vector.shape_cast %get3A_7 : vector<1x8192x64xf32> to vector<8192x64xf32>
    %convert_element_type3A = arith.truncf %get3A_8 : vector<8192x64xf32> to vector<8192x64xbf16>
    %convert_element_type3A_9 = arith.truncf %get3A_3 : vector<512x64xf32> to vector<512x64xbf16>
    %get3A_10 = arith.constant 0 : index
    %get3A_11 = arith.constant 0 : index
    %get3A_12 = vector.load %arg4[%get3A_10, %get3A_11] : memref<64x256xbf16, #tpu.memory_space<vmem>>, vector<64x256xbf16>
    %dot_general3A = arith.constant dense<0.000000e+00> : vector<512x256xf32>
    %dot_general3A_13 = tpu.matmul %convert_element_type3A_9, %get3A_12, %dot_general3A {dimension_numbers = #tpu.dot_dimension_numbers<[1], [0], [0], [1], [0, 0, 1, 1], [], []>, transpose_lhs_hint = false} : vector<512x64xbf16>, vector<64x256xbf16>, vector<512x256xf32> -> vector<512x256xf32>
    %get3A_14 = arith.constant 0 : index
    %get3A_15 = arith.constant 0 : index
    %get3A_16 = vector.load %arg8[%get3A_14, %get3A_15] : memref<1x256xf32, #tpu.memory_space<vmem>>, vector<1x256xf32>
    %add3A = vector.broadcast %get3A_16 : vector<1x256xf32> to vector<512x256xf32>
    %add3A_17 = arith.addf %dot_general3A_13, %add3A : vector<512x256xf32>
    %get3A_18 = arith.constant 0 : index
    %get3A_19 = arith.constant 0 : index
    %get3A_20 = vector.load %arg5[%get3A_18, %get3A_19] : memref<64x256xbf16, #tpu.memory_space<vmem>>, vector<64x256xbf16>
    %dot_general3A_21 = arith.constant dense<0.000000e+00> : vector<8192x256xf32>
    %dot_general3A_22 = tpu.matmul %convert_element_type3A, %get3A_20, %dot_general3A_21 {dimension_numbers = #tpu.dot_dimension_numbers<[1], [0], [0], [1], [0, 0, 1, 1], [], []>, transpose_lhs_hint = false} : vector<8192x64xbf16>, vector<64x256xbf16>, vector<8192x256xf32> -> vector<8192x256xf32>
    %reshape3A = vector.shape_cast %dot_general3A_22 : vector<8192x256xf32> to vector<512x16x256xf32>
    %broadcast_in_dim3A = vector.shape_cast %add3A_17 : vector<512x256xf32> to vector<512x1x256xf32>
    %add3A_23 = vector.broadcast %broadcast_in_dim3A : vector<512x1x256xf32> to vector<512x16x256xf32>
    %add3A_24 = arith.addf %reshape3A, %add3A_23 : vector<512x16x256xf32>
    %max3A = arith.constant 0.000000e+00 : f32
    %max3A_25 = vector.broadcast %max3A : f32 to vector<512x16x256xf32>
    %max3A_26 = arith.maximumf %add3A_24, %max3A_25 : vector<512x16x256xf32>
    %reshape3A_27 = vector.shape_cast %max3A_26 : vector<512x16x256xf32> to vector<8192x256xf32>
    %convert_element_type3A_28 = arith.truncf %reshape3A_27 : vector<8192x256xf32> to vector<8192x256xbf16>
    %get3A_29 = arith.constant 0 : index
    %get3A_30 = arith.constant 0 : index
    %get3A_31 = vector.load %arg6[%get3A_29, %get3A_30] : memref<256x256xbf16, #tpu.memory_space<vmem>>, vector<256x256xbf16>
    %dot_general3A_32 = arith.constant dense<0.000000e+00> : vector<8192x256xf32>
    %dot_general3A_33 = tpu.matmul %convert_element_type3A_28, %get3A_31, %dot_general3A_32 {dimension_numbers = #tpu.dot_dimension_numbers<[1], [0], [0], [1], [0, 0, 1, 1], [], []>, transpose_lhs_hint = false} : vector<8192x256xbf16>, vector<256x256xbf16>, vector<8192x256xf32> -> vector<8192x256xf32>
    %get3A_34 = arith.constant 0 : index
    %get3A_35 = arith.constant 0 : index
    %get3A_36 = vector.load %arg9[%get3A_34, %get3A_35] : memref<1x256xf32, #tpu.memory_space<vmem>>, vector<1x256xf32>
    %add3A_37 = vector.broadcast %get3A_36 : vector<1x256xf32> to vector<8192x256xf32>
    %add3A_38 = arith.addf %dot_general3A_33, %add3A_37 : vector<8192x256xf32>
    %max3A_39 = arith.constant 0.000000e+00 : f32
    %max3A_40 = vector.broadcast %max3A_39 : f32 to vector<8192x256xf32>
    %max3A_41 = arith.maximumf %add3A_38, %max3A_40 : vector<8192x256xf32>
    %convert_element_type3A_42 = arith.truncf %max3A_41 : vector<8192x256xf32> to vector<8192x256xbf16>
    %get3A_43 = arith.constant 0 : index
    %get3A_44 = arith.constant 0 : index
    %get3A_45 = vector.load %arg7[%get3A_43, %get3A_44] : memref<256x64xbf16, #tpu.memory_space<vmem>>, vector<256x64xbf16>
    %dot_general3A_46 = arith.constant dense<0.000000e+00> : vector<8192x64xf32>
    %dot_general3A_47 = tpu.matmul %convert_element_type3A_42, %get3A_45, %dot_general3A_46 {dimension_numbers = #tpu.dot_dimension_numbers<[1], [0], [0], [1], [0, 0, 1, 1], [], []>, transpose_lhs_hint = false} : vector<8192x256xbf16>, vector<256x64xbf16>, vector<8192x64xf32> -> vector<8192x64xf32>
    %get3A_48 = arith.constant 0 : index
    %get3A_49 = arith.constant 0 : index
    %get3A_50 = vector.load %arg10[%get3A_48, %get3A_49] : memref<1x64xf32, #tpu.memory_space<vmem>>, vector<1x64xf32>
    %add3A_51 = vector.broadcast %get3A_50 : vector<1x64xf32> to vector<8192x64xf32>
    %add3A_52 = arith.addf %dot_general3A_47, %add3A_51 : vector<8192x64xf32>
    %reshape3A_53 = vector.shape_cast %add3A_52 : vector<8192x64xf32> to vector<512x16x64xf32>
    %reduce_max3A = arith.constant dense<0xFF800000> : vector<512x64xf32>
    %reduce_max3A_54 = vector.multi_reduction <maximumf>, %reshape3A_53, %reduce_max3A [1] : vector<512x16x64xf32> to vector<512x64xf32>
    %add3A_55 = arith.addf %reduce_max3A_54, %get3A_3 : vector<512x64xf32>
    %transpose3A = tpu.transpose %add3A_55, [1, 0] : vector<512x64xf32> -> vector<64x512xf32>
    %swap3A = arith.constant 0 : index
    %swap3A_56 = arith.constant 0 : index
    %swap3A_57 = arith.constant 0 : index
    %swap3A_58 = vector.load %arg11[%swap3A, %swap3A_56, %swap3A_57] : memref<1x64x512xf32, #tpu.memory_space<vmem>>, vector<1x64x512xf32>
    %swap3A_59 = vector.shape_cast %swap3A_58 : vector<1x64x512xf32> to vector<64x512xf32>
    %swap3A_60 = vector.shape_cast %transpose3A : vector<64x512xf32> to vector<1x64x512xf32>
    tpu.vector_store %arg11[%swap3A, %swap3A_56, %swap3A_57], %swap3A_60 {strides = array<i32>} : memref<1x64x512xf32, #tpu.memory_space<vmem>>, vector<1x64x512xf32>,
    return
  }
  func.func @transform_0(%arg0: i32, %arg1: i32) -> (i32, i32, i32) {
    %c0_i32 = arith.constant 0 : i32
    %c0_i32_0 = arith.constant 0 : i32
    return %arg0, %arg1, %c0_i32 : i32, i32, i32
  }
  func.func @transform_1(%arg0: i32, %arg1: i32) -> (i32, i32, i32) {
    %c0_i32 = arith.constant 0 : i32
    %c0_i32_0 = arith.constant 0 : i32
    return %arg0, %arg1, %c0_i32 : i32, i32, i32
  }
  func.func @transform_2(%arg0: i32, %arg1: i32) -> (i32, i32) {
    %c0_i32 = arith.constant 0 : i32
    %c0_i32_0 = arith.constant 0 : i32
    %c0_i32_1 = arith.constant 0 : i32
    return %c0_i32, %c0_i32_0 : i32, i32
  }
  func.func @transform_3(%arg0: i32, %arg1: i32) -> (i32, i32) {
    %c0_i32 = arith.constant 0 : i32
    %c0_i32_0 = arith.constant 0 : i32
    %c0_i32_1 = arith.constant 0 : i32
    return %c0_i32, %c0_i32_0 : i32, i32
  }
  func.func @transform_4(%arg0: i32, %arg1: i32) -> (i32, i32) {
    %c0_i32 = arith.constant 0 : i32
    %c0_i32_0 = arith.constant 0 : i32
    %c0_i32_1 = arith.constant 0 : i32
    return %c0_i32, %c0_i32_0 : i32, i32
  }
  func.func @transform_5(%arg0: i32, %arg1: i32) -> (i32, i32) {
    %c0_i32 = arith.constant 0 : i32
    %c0_i32_0 = arith.constant 0 : i32
    %c0_i32_1 = arith.constant 0 : i32
    return %c0_i32, %c0_i32_0 : i32, i32
  }
  func.func @transform_6(%arg0: i32, %arg1: i32) -> (i32, i32) {
    %c0_i32 = arith.constant 0 : i32
    %c0_i32_0 = arith.constant 0 : i32
    %c0_i32_1 = arith.constant 0 : i32
    return %c0_i32, %c0_i32_0 : i32, i32
  }
  func.func @transform_7(%arg0: i32, %arg1: i32) -> (i32, i32) {
    %c0_i32 = arith.constant 0 : i32
    %c0_i32_0 = arith.constant 0 : i32
    %c0_i32_1 = arith.constant 0 : i32
    return %c0_i32, %c0_i32_0 : i32, i32
  }
  func.func @transform_8(%arg0: i32, %arg1: i32) -> (i32, i32) {
    %c0_i32 = arith.constant 0 : i32
    %c0_i32_0 = arith.constant 0 : i32
    %c0_i32_1 = arith.constant 0 : i32
    return %c0_i32, %c0_i32_0 : i32, i32
  }
  func.func @transform_9(%arg0: i32, %arg1: i32) -> (i32, i32, i32) {
    %c0_i32 = arith.constant 0 : i32
    %c0_i32_0 = arith.constant 0 : i32
    return %arg0, %c0_i32, %arg1 : i32, i32, i32
  }
}

</mosaic_0001>

<sc_bundles>
// kernel: kernel.14.cloned.1.call-start
scs
__scs_entry_jumppad:
0x0: {  	(pc) =	sbr.rel $0x88, $3  }
0x1: {  	(tag) =	ssettag $0x0;
	lr =	simm.s32 $0x1  }
0x2: {  	[smem:$0x3F9A] =	sst lr;
	_ =	strace $0xD0000000  }
0x3: {  	_ = 	snop  }
0x4: {  	_ = 	snop  }
0x5: {  	_ = 	snop  }
0x6: {  	_ = 	snop  }
0x7: {  	_ = 	snop  }
__scs_overlays_trampoline_lowered:
0x8: {  	[smem:$0x3FA9] =	sst s0  }
0x9: {  	[smem:$0x3FAA] =	sst s1  }
0xa: {  	[smem:$0x3FAB] =	sst s2  }
0xb: {  	[smem:$0x3FAC] =	sst s3  }
0xc: {  	[smem:$0x3FAD] =	sst s4  }
0xd: {  	[smem:$0x3FAE] =	sst s5  }
0xe: {  	[smem:$0x3FAF] =	sst s6  }
0xf: {  	[smem:$0x3FB0] =	sst s7  }
0x10: {  	[smem:$0x3FB1] =	sst s8  }
0x11: {  	[smem:$0x3FB2] =	sst s9;
	s0 =	simm.s32 @!p0 $0x0  }
0x12: {  	s1 =	sld [smem:$0x3F98];
	s0 =	simm.s32 @p0 $0x1  }
0x13: {  	[smem:$0x3FB3] =	sst s0;
	s0 =	simm.s32 @!p1 $0x0  }
0x14: {  	s2 =	sld [smem:$0x3F97];
	s0 =	simm.s32 @p1 $0x1  }
0x15: {  	[smem:$0x3FB4] =	sst s0;
	s0 =	simm.s32 @!p2 $0x0  }
0x16: {  	s3 =	sld [smem:$0x3FDB];
	s0 =	simm.s32 @p2 $0x1  }
0x17: {  	s4 =	simm.s32 $0x1BF5;
	[smem:$0x3FB6] =	sst s0  }
0x18: {  	s0 =	sld [smem:$0x3F99];
	_ =	swait.ge [sflag:s4], $0x0  }
0x19: {  	s7 =	sld [smem:$0x3F9A]  }
0x1a: {  	s8 =	sadd.s32 $0xFFFFE003, lr  }
0x1b: {  	s9 =	sadd.s32 $0xFFFFFEF7, lr;
	s5 =	simm.s32 $0xFFFFFFFF;
	p2 =	slt.u32 s8, $0xFFFFF086  }
0x1c: {  	p1 =	slt.u32 s9, $0xF7A;
	s5 =	simm.s32 @!p2 $0x0  }
0x1d: {  	s5 =	simm.s32 @p1 $0x1;
	p0 =	seq.s32 s7, s2  }
0x1e: {  	s7 =	smul.u32 @!p0 $0xF7A, s2;
	p2 =	seq.s32 @!p0 s5, $0x0  }
0x1f: {  	s9 =	smul.u32 $0xF7A, s1;
	s8 =	simm.s32 @!p0 $0x1BF5;
	p2 =	por !p2, p0  }
0x20: {  	[sflag:s8] =	ssyncset.s32 @!p0 $0xFFFFF086;
	s6 =	sadd.s32 @!p0 s3, s7;
	s7 =	simm.s32 @!p0 $0x108  }
0x21: {  	s3 =	sadd.s32 s3, s9;
	s6 =	sadd.s32 @!p0 $0x88, s6;
	s7 =	simm.s32 @p2 $0x1082  }
0x22: {  	[simem:s7], [sflag:s8] =	dma.local @!p0 [hbm:s6], $0xF7A  }
0x23: {  	s9 =	sor.u32 $0xD0000000, s2;
	s6 =	simm.s32 $0x108;
	_ =	swait.ge @!p0 [sflag:s8], $0x0  }
0x24: {  	s3 =	sadd.s32 $0x88, s3;
	s6 =	simm.s32 @!p1 $0x1082;
	[sflag:s4] =	ssyncset.s32 $0xFFFFF086  }
0x25: {  	[simem:s6], [sflag:s4] =	dma.local [hbm:s3], $0xF7A  }
0x26: {  	[smem:$0x3F9A] =	sst s1;
	(tag) =	ssettag s2;
	_ =	strace s9  }
0x27: {  	s1 =	sld [smem:$0x3FAA]  }
0x28: {  	s2 =	sld [smem:$0x3FAB]  }
0x29: {  	s4 =	sld [smem:$0x3FAD]  }
0x2a: {  	p0 =	seq.s32 s5, $0x0;
	s5 =	sld [smem:$0x3FAE]  }
0x2b: {  	s6 =	sld [smem:$0x3FAF]  }
0x2c: {  	s7 =	sld [smem:$0x3FB0]  }
0x2d: {  	s3 =	simm.s32 $0x108;
	s8 =	sld [smem:$0x3FB1]  }
0x2e: {  	s3 =	simm.s32 @!p0 $0x1082;
	s9 =	sld [smem:$0x3FB2]  }
0x2f: {  	lr =	sadd.s32 s0, s3;
	s0 =	sld [smem:$0x3FA9]  }
0x30: {  	s3 =	sld [smem:$0x3FAC]  }
0x31: {  	[smem:$0x3FB5] =	sst s10  }
0x32: {  	s10 =	sld [smem:$0x3FB3];
	_ =	sdelay $0x3  }
0x33: {  	p0 =	seq.s32 s10, $0x1;
	s10 =	sld [smem:$0x3FB5];
	_ =	sdelay $0x3  }
0x34: {  	[smem:$0x3FB5] =	sst s10  }
0x35: {  	s10 =	sld [smem:$0x3FB4];
	_ =	sdelay $0x3  }
0x36: {  	p1 =	seq.s32 s10, $0x1;
	s10 =	sld [smem:$0x3FB5];
	_ =	sdelay $0x3  }
0x37: {  	[smem:$0x3FB5] =	sst s10  }
0x38: {  	s10 =	sld [smem:$0x3FB6]  }
0x39: {  	_ = 	snop;
	(pc) =	sbr.ind lr, $3  }
0x3a: {  	_ = 	snop  }
0x3b: {  	_ = 	snop  }
0x3c: {  	p2 =	seq.s32 s10, $0x1;
	s10 =	sld [smem:$0x3FB5]  }
0x3d: {  	_ =	shalt  }
0x3e: {  	_ =	shalt  }
0x3f: {  	_ =	shalt  }
0x40: {  	_ =	shalt  }
0x41: {  	_ =	shalt  }
0x42: {  	_ =	shalt  }
0x43: {  	_ =	shalt  }
0x44: {  	_ =	shalt  }
0x45: {  	_ =	shalt  }
0x46: {  	_ =	shalt  }
0x47: {  	_ =	shalt  }
0x48: {  	_ =	shalt  }
0x49: {  	_ =	shalt  }
0x4a: {  	_ =	shalt  }
0x4b: {  	_ =	shalt  }
0x4c: {  	_ =	shalt  }
0x4d: {  	_ =	shalt  }
0x4e: {  	_ =	shalt  }
0x4f: {  	_ =	shalt  }
0x50: {  	_ =	shalt  }
0x51: {  	_ =	shalt  }
0x52: {  	_ =	shalt  }
0x53: {  	_ =	shalt  }
0x54: {  	_ =	shalt  }
0x55: {  	_ =	shalt  }
0x56: {  	_ =	shalt  }
0x57: {  	_ =	shalt  }
0x58: {  	_ =	shalt  }
0x59: {  	_ =	shalt  }
0x5a: {  	_ =	shalt  }
0x5b: {  	_ =	shalt  }
0x5c: {  	_ =	shalt  }
0x5d: {  	_ =	shalt  }
0x5e: {  	_ =	shalt  }
0x5f: {  	_ =	shalt  }
0x60: {  	_ =	shalt  }
0x61: {  	_ =	shalt  }
0x62: {  	_ =	shalt  }
0x63: {  	_ =	shalt  }
0x64: {  	_ =	shalt  }
0x65: {  	_ =	shalt  }
0x66: {  	_ =	shalt  }
0x67: {  	_ =	shalt  }
0x68: {  	_ =	shalt  }
0x69: {  	_ =	shalt  }
0x6a: {  	_ =	shalt  }
0x6b: {  	_ =	shalt  }
0x6c: {  	_ =	shalt  }
0x6d: {  	_ =	shalt  }
0x6e: {  	_ =	shalt  }
0x6f: {  	_ =	shalt  }
0x70: {  	_ =	shalt  }
0x71: {  	_ =	shalt  }
0x72: {  	_ =	shalt  }
0x73: {  	_ =	shalt  }
0x74: {  	_ =	shalt  }
0x75: {  	_ =	shalt  }
0x76: {  	_ =	shalt  }
0x77: {  	_ =	shalt  }
0x78: {  	_ =	shalt  }
0x79: {  	_ =	shalt  }
0x7a: {  	_ =	shalt  }
0x7b: {  	_ =	shalt  }
0x7c: {  	_ =	shalt  }
0x7d: {  	_ =	shalt  }
0x7e: {  	_ =	shalt  }
0x7f: {  	_ =	shalt  }
0x80: {  	_ =	shalt  }
0x81: {  	_ =	shalt  }
0x82: {  	_ =	shalt  }
0x83: {  	_ =	shalt  }
0x84: {  	_ =	shalt  }
0x85: {  	_ =	shalt  }
0x86: {  	_ =	shalt  }
0x87: {  	_ =	shalt  }
.Lfunc_end0:
.L_simem_size_0:
called_computation_lowered:
.L_overlay_start_0:
0x88: {  	s2 =	sld [smem:$0x3FD9]  }
0x89: {  	s3 =	sld [smem:$0x3FFE];
	_ =	sdelay $0x1  }
0x8a: {  	s1 =	srdreg.scid  }
0x8b: {  	s0 =	sand.u32 $0x1, s1  }
0x8c: {  	s17 =	sshll.u32 s0, $0xA;
	s2 =	sadd.s32 s3, s2  }
0x8d: {  	s2 =	sadd.s32 s2, s17  }
0x8e: {  	[smem:$0x3FC1] =	sst s2  }
0x8f: {  	_ = 	snop  }
0x90: {  	s18 =	sld [smem:$0x3FD0];
	(tm) =	ssettm $0x1  }
0x91: {  	s19 =	sld [smem:$0x3FFB];
	_ =	sdelay $0x3  }
0x92: {  	_ =	strace s19  }
0x93: {  	s2 =	sld [smem:$0x3FFC];
	_ =	sdelay $0x3  }
0x94: {  	_ =	strace s2  }
0x95: {  	s2 =	sld [smem:$0x3FFD];
	_ =	sdelay $0x3  }
0x96: {  	_ =	strace s2  }
0x97: {  	_ =	strace $0x8FFFFFFF  }
0x98: {  	s20 =	sld [smem:$0x3FDB];
	_ =	sdelay $0x1  }
0x99: {  	s4 =	simm.s32 $_scs_section_size  }
0x9a: {  	s5 =	simm.s32 $_size__tile_overlayer_lowered;
	s6 =	simm.s32 $_tile_overlayer_lowered  }
0x9b: {  	s7 =	simm.s32 $0x1BFF;
	s21 =	sshll.u32 s6, $0x1;
	s4 =	sadd.s32 s4, s20  }
0x9c: {  	s22 =	simm.s32 $0x0;
	s5 =	sshll.u32 s5, $0x1;
	s6 =	sadd.s32 s21, s4  }
0x9d: {  	[timem:s22], [sflag:s7] =	dma.local [hbm:s6], s5  }
0x9e: {  	_ =	swait.ge [sflag:s7], s5  }
0x9f: {  	s5 =	ssub.s32 $0x0, s5;
	[sflag:s7] =	ssyncset.done $0x0  }
0xa0: {  	[sflag:s7] =	ssyncadd.s32 s5;
	_ =	sdelay $0x1  }
0xa1: {  	s23 =	simm.s32 $0x1B8B  }
0xa2: {  	_ =	swait.ge [sflag:s23], $0x1  }
0xa3: {  	[sflag:s23] =	ssyncset.done $0x0  }
0xa4: {  	[sflag:s23] =	ssyncadd.s32 $0xFFFFFFFF  }
0xa5: {  	s5 =	sld [smem:$0x0]  }
0xa6: {  	s6 =	sand.u32 $0xFFFFFFFE, s1  }
0xa7: {  	p0 =	sne.s32 s1, s6  }
0xa8: {  	s6 =	sshll.u32 @p0 s6, $0xE  }
0xa9: {  	s6 =	sadd.s32 @p0 $0x11B8D, s6;
	s7 =	sshll.u32 @p0 s5, $0x11  }
0xaa: {  	s6 =	sor.u32 @p0 s7, s6  }
0xab: {  	[sflag:s6] =	ssyncadd.remote.s32 @p0 $0x1;
	_ =	sdelay $0x1  }
0xac: {  	s6 =	simm.s32 @p0 $0x1B8D  }
0xad: {  	_ =	swait.eq @p0 [sflag:s6], $0x1  }
0xae: {  	[sflag:s6] =	ssyncadd.s32 @p0 $0xFFFFFFFF  }
0xaf: {  	s7 =	sshll.u32 @!p0 s1, $0xE  }
0xb0: {  	s7 =	sor.u32 @!p0 $0x4000, s7;
	s6 =	simm.s32 @!p0 $0x1B8D  }
0xb1: {  	s5 =	sshll.u32 @!p0 s5, $0x11;
	s7 =	sadd.s32 @!p0 $0x11B8D, s7;
	_ =	swait.eq @!p0 [sflag:s6], $0x1  }
0xb2: {  	s5 =	sor.u32 @!p0 s5, s7;
	[sflag:s6] =	ssyncadd.s32 @!p0 $0xFFFFFFFF  }
0xb3: {  	s25 =	simm.s32 $0x1B8E;
	s24 =	sld [smem:$0x3FFE];
	[sflag:s5] =	ssyncadd.remote.s32 @!p0 $0x1  }
0xb4: {  	s26 =	simm.s32 $execute0_lowered;
	[smem:$0x3FD2] =	sst s25  }
0xb5: {  	s6 =	sshll.u32 s26, $0x1;
	_ =	strace $0x80000049;
	[dreg:$0x1] =	wrdreg $0xFFFFFFFF  }
0xb6: {  	s28 =	simm.s32 $_size_execute0_lowered;
	s4 =	sadd.s32 s4, s6;
	[dreg:$0x0] =	wrdreg $0x0  }
0xb7: {  	s6 =	sshll.u32 s28, $0x1;
	[dreg:$0x2] =	wrdreg s4  }
0xb8: {  	[dreg:$0x3] =	wrdreg s6  }
0xb9: {  	[dreg:$0x4] =	wrdreg $0xC0  }
0xba: {  	_ =	task [dreg:s22], $0x5FFFF  }
0xbb: {  	[dreg:$0x1] =	wrdreg $0xFFFFFFFF  }
0xbc: {  	[dreg:$0x0] =	wrdreg $0x60  }
0xbd: {  	[dreg:$0x2] =	wrdreg s18  }
0xbe: {  	[dreg:$0x3] =	wrdreg s24  }
0xbf: {  	[dreg:$0x4] =	wrdreg $0x9  }
0xc0: {  	_ =	task.clear_ibuf [dreg:s22], $0x5FFFF;
	_ =	strace $0x90000049  }
0xc1: {  	s29 =	simm.s32 $0x9;
	_ =	strace $0x8000004B  }
0xc2: {  	_ =	swait.ge [sflag:s29], $0x1  }
0xc3: {  	[sflag:s29] =	ssyncadd.s32 $0xFFFFFFFF  }
0xc4: {  	_ =	strace $0x9000004B  }
0xc5: {  	_ =	sfence  }
0xc6: {  	s30 =	sld [smem:$0x0];
	_ =	sdelay $0x2  }
0xc7: {  	s31 =	sshll.u32 s1, $0xD;
	s1 =	sshrl.u32 s1, $0x2  }
0xc8: {  	s4 =	sand.u32 $0x4000, s31;
	s1 =	sadd.s32 s1, s30  }
0xc9: {  	s0 =	sor.u32 s4, s0;
	s1 =	sshll.u32 s1, $0x11  }
0xca: {  	s0 =	sor.u32 s1, s0  }
0xcb: {  	s0 =	sadd.s32 $0x8F2B, s0  }
0xcc: {  	[sflag:s0] =	ssyncadd.remote.s32 $0x1  }
0xcd: {  	_ =	sfence.sel $0xFFFF  }
0xce: {  	[dreg:$0x0] =	wrdreg $0xFFFFFFFF;
	(pc) =	sbr.abs _section_cstart, $3  }
0xcf: {  	[dreg:$0x1] =	wrdreg $0xFFFFFFFF  }
0xd0: {  	_ =	task.clear_ibuf [dreg:s22], $0x2FFFF;
	_ =	strace $0x9FFFFFFF  }
0xd1: {  	(tm) =	ssettm $0x7FFFFFFF  }
tec
execute0_lowered:
.L_overlay_start_1:
0x0: {  	(tag) =	ssettag $0x1  }
0x1: {  	s1 =	srdreg.scid;
	s0 =	stileid.u32  }
0x2: {  	s2 =	rddreg [dreg:$0x0];
	s23 =	sand.u32 $0x1, s1;
	s31 =	sshll.u32 s0, $0x1  }
0x3: {  	s22 =	rddreg [dreg:$0x1];
	s24 =	sor.u32 s23, s31  }
0x4: {  	s3 =	simm.s32 $0x0;
	s1 =	rddreg [dreg:$0x2];
	s4 =	sshll.u32 s24, $0x7  }
0x5: {  	[smem:$0x7FF] =	sst s3;
	s4 =	sadd.s32 s4, s22  }
0x6: {  	_ =	strace $0x8000004A;
	s5 =	sadd.s32 $0x43400, s4;
	s4 =	simm.s32 $0x2  }
0x7: {  	[tilespmem:s3], [sflag:$0x2] =	stream.linear.gather [hbm4b:s5+s3], $0x400, $0x38;
	[tilespmem:$0x10400] =	vst v63  }
0x8: {  	_ =	swait.ge [sflag:s4], $0x400  }
0x9: {  	[sflag:s4] =	ssyncset.done $0x0  }
0xa: {  	s6 =	simm.s32 $0x80;
	s7 =	simm.s32 $0x400;
	[sflag:s4] =	ssyncadd.s32 $0xFFFFFC00  }
0xb: {  	[tilespmem:s7], [sflag:$0x1] =	stream.indirect.gather [hbm4b:s2+s6], $0x40, s3, s6, $0xb8;
	[tilespmem:$0x10400] =	vst v63  }
0xc: {  	s8 =	simm.s32 $0x2400  }
0xd: {  	[tilespmem:s8], [sflag:$0x1] =	stream.indirect.gather [hbm4b:s2+s6], $0x40, s6, s6, $0xb8;
	[tilespmem:$0x10400] =	vst v63  }
0xe: {  	s9 =	simm.s32 $0x100;
	s10 =	simm.s32 $0x4400  }
0xf: {  	[tilespmem:s10], [sflag:$0x1] =	stream.indirect.gather [hbm4b:s2+s6], $0x40, s9, s6, $0xb8;
	[tilespmem:$0x10400] =	vst v63  }
0x10: {  	s11 =	simm.s32 $0x180;
	s12 =	simm.s32 $0x6400  }
0x11: {  	[tilespmem:s12], [sflag:$0x1] =	stream.indirect.gather [hbm4b:s2+s6], $0x40, s11, s6, $0xb8;
	[tilespmem:$0x10400] =	vst v63  }
0x12: {  	s13 =	simm.s32 $0x200;
	s14 =	simm.s32 $0x8400  }
0x13: {  	[tilespmem:s14], [sflag:$0x1] =	stream.indirect.gather [hbm4b:s2+s6], $0x40, s13, s6, $0xb8;
	[tilespmem:$0x10400] =	vst v63  }
0x14: {  	s15 =	simm.s32 $0x280;
	s16 =	simm.s32 $0xA400  }
0x15: {  	[tilespmem:s16], [sflag:$0x1] =	stream.indirect.gather [hbm4b:s2+s6], $0x40, s15, s6, $0xb8;
	[tilespmem:$0x10400] =	vst v63  }
0x16: {  	s17 =	simm.s32 $0x300;
	s18 =	simm.s32 $0xC400  }
0x17: {  	[tilespmem:s18], [sflag:$0x1] =	stream.indirect.gather [hbm4b:s2+s6], $0x40, s17, s6, $0xb8;
	[tilespmem:$0x10400] =	vst v63  }
0x18: {  	s19 =	simm.s32 $0x380;
	s20 =	simm.s32 $0xE400;
	s21 =	simm.s32 $0x1  }
0x19: {  	[tilespmem:s20], [sflag:$0x1] =	stream.indirect.gather [hbm4b:s2+s6], $0x40, s19, s6, $0xb8;
	[tilespmem:$0x10400] =	vst v63  }
0x1a: {  	_ =	swait.ge [sflag:s21], $0x2000  }
0x1b: {  	[sflag:s21] =	ssyncset.done $0x0  }
0x1c: {  	[sflag:s21] =	ssyncadd.s32 $0xFFFFE000  }
0x1d: {  	_ =	swait.ge [sflag:s21], $0x2000  }
0x1e: {  	[sflag:s21] =	ssyncset.done $0x0  }
0x1f: {  	[sflag:s21] =	ssyncadd.s32 $0xFFFFE000  }
0x20: {  	_ =	swait.ge [sflag:s21], $0x2000  }
0x21: {  	[sflag:s21] =	ssyncset.done $0x0  }
0x22: {  	[sflag:s21] =	ssyncadd.s32 $0xFFFFE000  }
0x23: {  	_ =	swait.ge [sflag:s21], $0x2000  }
0x24: {  	[sflag:s21] =	ssyncset.done $0x0  }
0x25: {  	[sflag:s21] =	ssyncadd.s32 $0xFFFFE000  }
0x26: {  	_ =	swait.ge [sflag:s21], $0x2000  }
0x27: {  	[sflag:s21] =	ssyncset.done $0x0  }
0x28: {  	[sflag:s21] =	ssyncadd.s32 $0xFFFFE000  }
0x29: {  	_ =	swait.ge [sflag:s21], $0x2000  }
0x2a: {  	[sflag:s21] =	ssyncset.done $0x0  }
0x2b: {  	s23 =	ssub.s32 $0x2, s23;
	[sflag:s21] =	ssyncadd.s32 $0xFFFFE000  }
0x2c: {  	s25 =	sshrl.u32 s23, $0x1;
	_ =	swait.ge [sflag:s21], $0x2000  }
0x2d: {  	s23 =	ssub.s32 s23, s25;
	[sflag:s21] =	ssyncset.done $0x0  }
0x2e: {  	s23 =	smax.u32 s23, $0x1;
	[sflag:s21] =	ssyncadd.s32 $0xFFFFE000  }
0x2f: {  	s24 =	sshll.u32 s24, $0xD;
	p0 =	sne.s32 s23, $0x1;
	_ =	swait.ge [sflag:s21], $0x2000  }
.Ltmp0:
0x30: {  	s22 =	sadd.s32 s24, s22;
	[sflag:s21] =	ssyncset.done $0x0;
	(pc) =	sbr.rel @!p0 .LBB2_2-.Ltmp0, $4  }
0x31: {  	s22 =	sadd.s32 $0x44400, s22;
	[sflag:s21] =	ssyncadd.s32 $0xFFFFE000  }
0x32: {  	[hbm4b:s22+s3] =	stream.linear.scatter [tilespmem:s7], [sflag:$0x2], $0x10000, $0x38;
	[tilespmem:$0x10400] =	vst v63  }
0x33: {  	_ =	swait.ge [sflag:s4], $0x10000  }
0x34: {  	s23 =	sadd.s32 $0xFFFFFFFF, s23;
	[sflag:s4] =	ssyncset.done $0x0  }
.LBB2_1:
0x35: {  	p0 =	sne.s32 s23, $0x1;
	s23 =	sadd.s32 $0xFFFFFFFF, s23;
	[sflag:s4] =	ssyncadd.s32 $0xFFFF0000  }
0x36: {  	[tilespmem:s3], [sflag:$0x2] =	stream.linear.gather [hbm4b:s5+s3], $0x400, $0x38;
	[tilespmem:$0x10400] =	vst v63  }
0x37: {  	_ =	swait.ge [sflag:s4], $0x400  }
0x38: {  	[sflag:s4] =	ssyncset.done $0x0  }
0x39: {  	[sflag:s4] =	ssyncadd.s32 $0xFFFFFC00  }
0x3a: {  	[tilespmem:s7], [sflag:$0x1] =	stream.indirect.gather [hbm4b:s2+s6], $0x40, s3, s6, $0xb8;
	[tilespmem:$0x10400] =	vst v63  }
0x3b: {  	_ = 	snop  }
0x3c: {  	[tilespmem:s8], [sflag:$0x1] =	stream.indirect.gather [hbm4b:s2+s6], $0x40, s6, s6, $0xb8;
	[tilespmem:$0x10400] =	vst v63  }
0x3d: {  	_ = 	snop  }
0x3e: {  	[tilespmem:s10], [sflag:$0x1] =	stream.indirect.gather [hbm4b:s2+s6], $0x40, s9, s6, $0xb8;
	[tilespmem:$0x10400] =	vst v63  }
0x3f: {  	_ = 	snop  }
0x40: {  	[tilespmem:s12], [sflag:$0x1] =	stream.indirect.gather [hbm4b:s2+s6], $0x40, s11, s6, $0xb8;
	[tilespmem:$0x10400] =	vst v63  }
0x41: {  	_ = 	snop  }
0x42: {  	[tilespmem:s14], [sflag:$0x1] =	stream.indirect.gather [hbm4b:s2+s6], $0x40, s13, s6, $0xb8;
	[tilespmem:$0x10400] =	vst v63  }
0x43: {  	_ = 	snop  }
0x44: {  	[tilespmem:s16], [sflag:$0x1] =	stream.indirect.gather [hbm4b:s2+s6], $0x40, s15, s6, $0xb8;
	[tilespmem:$0x10400] =	vst v63  }
0x45: {  	_ = 	snop  }
0x46: {  	[tilespmem:s18], [sflag:$0x1] =	stream.indirect.gather [hbm4b:s2+s6], $0x40, s17, s6, $0xb8;
	[tilespmem:$0x10400] =	vst v63  }
0x47: {  	_ = 	snop  }
0x48: {  	[tilespmem:s20], [sflag:$0x1] =	stream.indirect.gather [hbm4b:s2+s6], $0x40, s19, s6, $0xb8;
	[tilespmem:$0x10400] =	vst v63  }
0x49: {  	_ =	swait.ge [sflag:s21], $0x2000  }
0x4a: {  	[sflag:s21] =	ssyncset.done $0x0  }
0x4b: {  	[sflag:s21] =	ssyncadd.s32 $0xFFFFE000  }
0x4c: {  	_ =	swait.ge [sflag:s21], $0x2000  }
0x4d: {  	[sflag:s21] =	ssyncset.done $0x0  }
0x4e: {  	[sflag:s21] =	ssyncadd.s32 $0xFFFFE000  }
0x4f: {  	_ =	swait.ge [sflag:s21], $0x2000  }
0x50: {  	[sflag:s21] =	ssyncset.done $0x0  }
0x51: {  	[sflag:s21] =	ssyncadd.s32 $0xFFFFE000  }
0x52: {  	_ =	swait.ge [sflag:s21], $0x2000  }
0x53: {  	[sflag:s21] =	ssyncset.done $0x0  }
0x54: {  	[sflag:s21] =	ssyncadd.s32 $0xFFFFE000  }
0x55: {  	_ =	swait.ge [sflag:s21], $0x2000  }
0x56: {  	[sflag:s21] =	ssyncset.done $0x0  }
0x57: {  	[sflag:s21] =	ssyncadd.s32 $0xFFFFE000  }
0x58: {  	_ =	swait.ge [sflag:s21], $0x2000  }
0x59: {  	[sflag:s21] =	ssyncset.done $0x0  }
0x5a: {  	[sflag:s21] =	ssyncadd.s32 $0xFFFFE000  }
0x5b: {  	_ =	swait.ge [sflag:s21], $0x2000  }
0x5c: {  	[sflag:s21] =	ssyncset.done $0x0  }
0x5d: {  	[sflag:s21] =	ssyncadd.s32 $0xFFFFE000  }
0x5e: {  	_ =	swait.ge [sflag:s21], $0x2000  }
.Ltmp1:
0x5f: {  	[sflag:s21] =	ssyncset.done $0x0;
	(pc) =	sbr.rel @p0 .LBB2_1-.Ltmp1, $4  }
0x60: {  	[sflag:s21] =	ssyncadd.s32 $0xFFFFE000  }
0x61: {  	[hbm4b:s22+s3] =	stream.linear.scatter [tilespmem:s7], [sflag:$0x2], $0x10000, $0x38;
	[tilespmem:$0x10400] =	vst v63  }
0x62: {  	_ =	swait.ge [sflag:s4], $0x10000  }
0x63: {  	[sflag:s4] =	ssyncset.done $0x0  }
.LBB2_2:
0x64: {  	[sflag:s4] =	ssyncadd.s32 $0xFFFF0000  }
0x65: {  	_ =	sfence.sel $0x180000  }
0x66: {  	[bflag:$0x0] =	sbarrier.arrive $0xFFFF  }
0x67: {  	p0 =	sne.s32 s0, $0x0;
	_ =	strace $0x9000004A  }
0x68: {  	s0 =	sadd.s32 @!p0 $0x100000, s1;
	[bflag:$0x2] =	sbarrier.arrive $0xFFFF  }
0x69: {  	[sflag:s0] =	ssyncadd.tile.s32 @!p0 $0x1;
	_ =	shalt  }
.Lfunc_end2:
_tile_overlayer_lowered:
.L_overlay_start_2:
0x6a: {  	(tag) =	ssettag $0x2  }
0x6b: {  	s0 =	rddreg [dreg:$0x0];
	s2 =	stileid.u32  }
0x6c: {  	s1 =	rddreg [dreg:$0x1];
	p0 =	sne.s32 s2, $0x0  }
0x6d: {  	s3 =	rddreg [dreg:$0x2];
	[bflag:$0x3] =	sbarrier.arrive $0xFFFF;
	s2 =	simm.s32 @!p0 $0x1C02  }
0x6e: {  	[timem:s3], [sflag:s2] =	dma.local @!p0 [hbm:s0], s1  }
0x6f: {  	s0 =	simm.s32 @!p0 $0x2  }
0x70: {  	_ =	swait.ge @!p0 [sflag:s0], s1  }
0x71: {  	s1 =	ssub.s32 @!p0 $0x0, s1;
	[sflag:s0] =	ssyncset.done @!p0 $0x0  }
0x72: {  	[sflag:s0] =	ssyncadd.s32 @!p0 s1  }
0x73: {  	[bflag:$0x3] =	sbarrier.arrive $0xFFFF  }
0x74: {  	_ =	shalt  }

// kernel: kernel.17.cloned.1.call-start
scs
__scs_entry_jumppad:
0x0: {  	(pc) =	sbr.rel $0x88, $3  }
0x1: {  	(tag) =	ssettag $0x0;
	lr =	simm.s32 $0x1  }
0x2: {  	[smem:$0x3F9A] =	sst lr;
	_ =	strace $0xD0000000  }
0x3: {  	_ = 	snop  }
0x4: {  	_ = 	snop  }
0x5: {  	_ = 	snop  }
0x6: {  	_ = 	snop  }
0x7: {  	_ = 	snop  }
__scs_overlays_trampoline_lowered:
0x8: {  	[smem:$0x3FA9] =	sst s0  }
0x9: {  	[smem:$0x3FAA] =	sst s1  }
0xa: {  	[smem:$0x3FAB] =	sst s2  }
0xb: {  	[smem:$0x3FAC] =	sst s3  }
0xc: {  	[smem:$0x3FAD] =	sst s4  }
0xd: {  	[smem:$0x3FAE] =	sst s5  }
0xe: {  	[smem:$0x3FAF] =	sst s6  }
0xf: {  	[smem:$0x3FB0] =	sst s7  }
0x10: {  	[smem:$0x3FB1] =	sst s8  }
0x11: {  	[smem:$0x3FB2] =	sst s9;
	s0 =	simm.s32 @!p0 $0x0  }
0x12: {  	s1 =	sld [smem:$0x3F98];
	s0 =	simm.s32 @p0 $0x1  }
0x13: {  	[smem:$0x3FB3] =	sst s0;
	s0 =	simm.s32 @!p1 $0x0  }
0x14: {  	s2 =	sld [smem:$0x3F97];
	s0 =	simm.s32 @p1 $0x1  }
0x15: {  	[smem:$0x3FB4] =	sst s0;
	s0 =	simm.s32 @!p2 $0x0  }
0x16: {  	s3 =	sld [smem:$0x3FDB];
	s0 =	simm.s32 @p2 $0x1  }
0x17: {  	s4 =	simm.s32 $0x1BF5;
	[smem:$0x3FB6] =	sst s0  }
0x18: {  	s0 =	sld [smem:$0x3F99];
	_ =	swait.ge [sflag:s4], $0x0  }
0x19: {  	s7 =	sld [smem:$0x3F9A]  }
0x1a: {  	s8 =	sadd.s32 $0xFFFFE003, lr  }
0x1b: {  	s9 =	sadd.s32 $0xFFFFFEF7, lr;
	s5 =	simm.s32 $0xFFFFFFFF;
	p2 =	slt.u32 s8, $0xFFFFF086  }
0x1c: {  	p1 =	slt.u32 s9, $0xF7A;
	s5 =	simm.s32 @!p2 $0x0  }
0x1d: {  	s5 =	simm.s32 @p1 $0x1;
	p0 =	seq.s32 s7, s2  }
0x1e: {  	s7 =	smul.u32 @!p0 $0xF7A, s2;
	p2 =	seq.s32 @!p0 s5, $0x0  }
0x1f: {  	s9 =	smul.u32 $0xF7A, s1;
	s8 =	simm.s32 @!p0 $0x1BF5;
	p2 =	por !p2, p0  }
0x20: {  	[sflag:s8] =	ssyncset.s32 @!p0 $0xFFFFF086;
	s6 =	sadd.s32 @!p0 s3, s7;
	s7 =	simm.s32 @!p0 $0x108  }
0x21: {  	s3 =	sadd.s32 s3, s9;
	s6 =	sadd.s32 @!p0 $0x88, s6;
	s7 =	simm.s32 @p2 $0x1082  }
0x22: {  	[simem:s7], [sflag:s8] =	dma.local @!p0 [hbm:s6], $0xF7A  }
0x23: {  	s9 =	sor.u32 $0xD0000000, s2;
	s6 =	simm.s32 $0x108;
	_ =	swait.ge @!p0 [sflag:s8], $0x0  }
0x24: {  	s3 =	sadd.s32 $0x88, s3;
	s6 =	simm.s32 @!p1 $0x1082;
	[sflag:s4] =	ssyncset.s32 $0xFFFFF086  }
0x25: {  	[simem:s6], [sflag:s4] =	dma.local [hbm:s3], $0xF7A  }
0x26: {  	[smem:$0x3F9A] =	sst s1;
	(tag) =	ssettag s2;
	_ =	strace s9  }
0x27: {  	s1 =	sld [smem:$0x3FAA]  }
0x28: {  	s2 =	sld [smem:$0x3FAB]  }
0x29: {  	s4 =	sld [smem:$0x3FAD]  }
0x2a: {  	p0 =	seq.s32 s5, $0x0;
	s5 =	sld [smem:$0x3FAE]  }
0x2b: {  	s6 =	sld [smem:$0x3FAF]  }
0x2c: {  	s7 =	sld [smem:$0x3FB0]  }
0x2d: {  	s3 =	simm.s32 $0x108;
	s8 =	sld [smem:$0x3FB1]  }
0x2e: {  	s3 =	simm.s32 @!p0 $0x1082;
	s9 =	sld [smem:$0x3FB2]  }
0x2f: {  	lr =	sadd.s32 s0, s3;
	s0 =	sld [smem:$0x3FA9]  }
0x30: {  	s3 =	sld [smem:$0x3FAC]  }
0x31: {  	[smem:$0x3FB5] =	sst s10  }
0x32: {  	s10 =	sld [smem:$0x3FB3];
	_ =	sdelay $0x3  }
0x33: {  	p0 =	seq.s32 s10, $0x1;
	s10 =	sld [smem:$0x3FB5];
	_ =	sdelay $0x3  }
0x34: {  	[smem:$0x3FB5] =	sst s10  }
0x35: {  	s10 =	sld [smem:$0x3FB4];
	_ =	sdelay $0x3  }
0x36: {  	p1 =	seq.s32 s10, $0x1;
	s10 =	sld [smem:$0x3FB5];
	_ =	sdelay $0x3  }
0x37: {  	[smem:$0x3FB5] =	sst s10  }
0x38: {  	s10 =	sld [smem:$0x3FB6]  }
0x39: {  	_ = 	snop;
	(pc) =	sbr.ind lr, $3  }
0x3a: {  	_ = 	snop  }
0x3b: {  	_ = 	snop  }
0x3c: {  	p2 =	seq.s32 s10, $0x1;
	s10 =	sld [smem:$0x3FB5]  }
0x3d: {  	_ =	shalt  }
0x3e: {  	_ =	shalt  }
0x3f: {  	_ =	shalt  }
0x40: {  	_ =	shalt  }
0x41: {  	_ =	shalt  }
0x42: {  	_ =	shalt  }
0x43: {  	_ =	shalt  }
0x44: {  	_ =	shalt  }
0x45: {  	_ =	shalt  }
0x46: {  	_ =	shalt  }
0x47: {  	_ =	shalt  }
0x48: {  	_ =	shalt  }
0x49: {  	_ =	shalt  }
0x4a: {  	_ =	shalt  }
0x4b: {  	_ =	shalt  }
0x4c: {  	_ =	shalt  }
0x4d: {  	_ =	shalt  }
0x4e: {  	_ =	shalt  }
0x4f: {  	_ =	shalt  }
0x50: {  	_ =	shalt  }
0x51: {  	_ =	shalt  }
0x52: {  	_ =	shalt  }
0x53: {  	_ =	shalt  }
0x54: {  	_ =	shalt  }
0x55: {  	_ =	shalt  }
0x56: {  	_ =	shalt  }
0x57: {  	_ =	shalt  }
0x58: {  	_ =	shalt  }
0x59: {  	_ =	shalt  }
0x5a: {  	_ =	shalt  }
0x5b: {  	_ =	shalt  }
0x5c: {  	_ =	shalt  }
0x5d: {  	_ =	shalt  }
0x5e: {  	_ =	shalt  }
0x5f: {  	_ =	shalt  }
0x60: {  	_ =	shalt  }
0x61: {  	_ =	shalt  }
0x62: {  	_ =	shalt  }
0x63: {  	_ =	shalt  }
0x64: {  	_ =	shalt  }
0x65: {  	_ =	shalt  }
0x66: {  	_ =	shalt  }
0x67: {  	_ =	shalt  }
0x68: {  	_ =	shalt  }
0x69: {  	_ =	shalt  }
0x6a: {  	_ =	shalt  }
0x6b: {  	_ =	shalt  }
0x6c: {  	_ =	shalt  }
0x6d: {  	_ =	shalt  }
0x6e: {  	_ =	shalt  }
0x6f: {  	_ =	shalt  }
0x70: {  	_ =	shalt  }
0x71: {  	_ =	shalt  }
0x72: {  	_ =	shalt  }
0x73: {  	_ =	shalt  }
0x74: {  	_ =	shalt  }
0x75: {  	_ =	shalt  }
0x76: {  	_ =	shalt  }
0x77: {  	_ =	shalt  }
0x78: {  	_ =	shalt  }
0x79: {  	_ =	shalt  }
0x7a: {  	_ =	shalt  }
0x7b: {  	_ =	shalt  }
0x7c: {  	_ =	shalt  }
0x7d: {  	_ =	shalt  }
0x7e: {  	_ =	shalt  }
0x7f: {  	_ =	shalt  }
0x80: {  	_ =	shalt  }
0x81: {  	_ =	shalt  }
0x82: {  	_ =	shalt  }
0x83: {  	_ =	shalt  }
0x84: {  	_ =	shalt  }
0x85: {  	_ =	shalt  }
0x86: {  	_ =	shalt  }
0x87: {  	_ =	shalt  }
.Lfunc_end0:
.L_simem_size_0:
called_computation.1_lowered:
.L_overlay_start_0:
0x88: {  	s2 =	sld [smem:$0x3FD9]  }
0x89: {  	s3 =	sld [smem:$0x3FFE];
	_ =	sdelay $0x1  }
0x8a: {  	s1 =	srdreg.scid  }
0x8b: {  	s0 =	sand.u32 $0x1, s1  }
0x8c: {  	s17 =	sshll.u32 s0, $0xA;
	s2 =	sadd.s32 s3, s2  }
0x8d: {  	s2 =	sadd.s32 s2, s17  }
0x8e: {  	[smem:$0x3FC1] =	sst s2  }
0x8f: {  	_ = 	snop  }
0x90: {  	s18 =	sld [smem:$0x3FD0];
	(tm) =	ssettm $0x1  }
0x91: {  	s19 =	sld [smem:$0x3FFB];
	_ =	sdelay $0x3  }
0x92: {  	_ =	strace s19  }
0x93: {  	s2 =	sld [smem:$0x3FFC];
	_ =	sdelay $0x3  }
0x94: {  	_ =	strace s2  }
0x95: {  	s2 =	sld [smem:$0x3FFD];
	_ =	sdelay $0x3  }
0x96: {  	_ =	strace s2  }
0x97: {  	_ =	strace $0x8FFFFFFF  }
0x98: {  	s20 =	sld [smem:$0x3FDB];
	_ =	sdelay $0x1  }
0x99: {  	s4 =	simm.s32 $_scs_section_size  }
0x9a: {  	s5 =	simm.s32 $_size__tile_overlayer_lowered;
	s6 =	simm.s32 $_tile_overlayer_lowered  }
0x9b: {  	s7 =	simm.s32 $0x1BFF;
	s21 =	sshll.u32 s6, $0x1;
	s4 =	sadd.s32 s4, s20  }
0x9c: {  	s22 =	simm.s32 $0x0;
	s5 =	sshll.u32 s5, $0x1;
	s6 =	sadd.s32 s21, s4  }
0x9d: {  	[timem:s22], [sflag:s7] =	dma.local [hbm:s6], s5  }
0x9e: {  	_ =	swait.ge [sflag:s7], s5  }
0x9f: {  	s5 =	ssub.s32 $0x0, s5;
	[sflag:s7] =	ssyncset.done $0x0  }
0xa0: {  	[sflag:s7] =	ssyncadd.s32 s5;
	_ =	sdelay $0x1  }
0xa1: {  	s23 =	simm.s32 $0x1B8B  }
0xa2: {  	_ =	swait.ge [sflag:s23], $0x1  }
0xa3: {  	[sflag:s23] =	ssyncset.done $0x0  }
0xa4: {  	[sflag:s23] =	ssyncadd.s32 $0xFFFFFFFF  }
0xa5: {  	s5 =	sld [smem:$0x0]  }
0xa6: {  	s6 =	sand.u32 $0xFFFFFFFE, s1  }
0xa7: {  	p0 =	sne.s32 s1, s6  }
0xa8: {  	s6 =	sshll.u32 @p0 s6, $0xE  }
0xa9: {  	s6 =	sadd.s32 @p0 $0x11B8D, s6;
	s7 =	sshll.u32 @p0 s5, $0x11  }
0xaa: {  	s6 =	sor.u32 @p0 s7, s6  }
0xab: {  	[sflag:s6] =	ssyncadd.remote.s32 @p0 $0x1;
	_ =	sdelay $0x1  }
0xac: {  	s6 =	simm.s32 @p0 $0x1B8D  }
0xad: {  	_ =	swait.eq @p0 [sflag:s6], $0x1  }
0xae: {  	[sflag:s6] =	ssyncadd.s32 @p0 $0xFFFFFFFF  }
0xaf: {  	s7 =	sshll.u32 @!p0 s1, $0xE  }
0xb0: {  	s7 =	sor.u32 @!p0 $0x4000, s7;
	s6 =	simm.s32 @!p0 $0x1B8D  }
0xb1: {  	s5 =	sshll.u32 @!p0 s5, $0x11;
	s7 =	sadd.s32 @!p0 $0x11B8D, s7;
	_ =	swait.eq @!p0 [sflag:s6], $0x1  }
0xb2: {  	s5 =	sor.u32 @!p0 s5, s7;
	[sflag:s6] =	ssyncadd.s32 @!p0 $0xFFFFFFFF  }
0xb3: {  	s25 =	simm.s32 $0x1B8E;
	s24 =	sld [smem:$0x3FFE];
	[sflag:s5] =	ssyncadd.remote.s32 @!p0 $0x1  }
0xb4: {  	s26 =	simm.s32 $execute0_lowered;
	[smem:$0x3FD2] =	sst s25  }
0xb5: {  	s6 =	sshll.u32 s26, $0x1;
	_ =	strace $0x8000004C;
	[dreg:$0x1] =	wrdreg $0xFFFFFFFF  }
0xb6: {  	s28 =	simm.s32 $_size_execute0_lowered;
	s4 =	sadd.s32 s4, s6;
	[dreg:$0x0] =	wrdreg $0x0  }
0xb7: {  	s6 =	sshll.u32 s28, $0x1;
	[dreg:$0x2] =	wrdreg s4  }
0xb8: {  	[dreg:$0x3] =	wrdreg s6  }
0xb9: {  	[dreg:$0x4] =	wrdreg $0xC0  }
0xba: {  	_ =	task [dreg:s22], $0x5FFFF  }
0xbb: {  	[dreg:$0x1] =	wrdreg $0xFFFFFFFF  }
0xbc: {  	[dreg:$0x0] =	wrdreg $0x60  }
0xbd: {  	[dreg:$0x2] =	wrdreg s18  }
0xbe: {  	[dreg:$0x3] =	wrdreg s24  }
0xbf: {  	[dreg:$0x4] =	wrdreg $0xA  }
0xc0: {  	_ =	task.clear_ibuf [dreg:s22], $0x5FFFF;
	_ =	strace $0x9000004C  }
0xc1: {  	s29 =	simm.s32 $0xA;
	_ =	strace $0x8000004E  }
0xc2: {  	_ =	swait.ge [sflag:s29], $0x1  }
0xc3: {  	[sflag:s29] =	ssyncadd.s32 $0xFFFFFFFF  }
0xc4: {  	_ =	strace $0x9000004E  }
0xc5: {  	_ =	sfence  }
0xc6: {  	s30 =	sld [smem:$0x0];
	_ =	sdelay $0x2  }
0xc7: {  	s31 =	sshll.u32 s1, $0xD;
	s1 =	sshrl.u32 s1, $0x2  }
0xc8: {  	s4 =	sand.u32 $0x4000, s31;
	s1 =	sadd.s32 s1, s30  }
0xc9: {  	s0 =	sor.u32 s4, s0;
	s1 =	sshll.u32 s1, $0x11  }
0xca: {  	s0 =	sor.u32 s1, s0  }
0xcb: {  	s0 =	sadd.s32 $0x8F2B, s0  }
0xcc: {  	[sflag:s0] =	ssyncadd.remote.s32 $0x1  }
0xcd: {  	_ =	sfence.sel $0xFFFF  }
0xce: {  	[dreg:$0x0] =	wrdreg $0xFFFFFFFF;
	(pc) =	sbr.abs _section_cstart, $3  }
0xcf: {  	[dreg:$0x1] =	wrdreg $0xFFFFFFFF  }
0xd0: {  	_ =	task.clear_ibuf [dreg:s22], $0x2FFFF;
	_ =	strace $0x9FFFFFFF  }
0xd1: {  	(tm) =	ssettm $0x7FFFFFFF  }
tec
execute0_lowered:
.L_overlay_start_1:
0x0: {  	(tag) =	ssettag $0x1  }
0x1: {  	s1 =	srdreg.scid;
	s0 =	stileid.u32  }
0x2: {  	s2 =	rddreg [dreg:$0x0];
	s23 =	sand.u32 $0x1, s1;
	s31 =	sshll.u32 s0, $0x1  }
0x3: {  	s22 =	rddreg [dreg:$0x1];
	s24 =	sor.u32 s23, s31  }
0x4: {  	s3 =	simm.s32 $0x0;
	s1 =	rddreg [dreg:$0x2];
	s4 =	sshll.u32 s24, $0x7  }
0x5: {  	[smem:$0x7FF] =	sst s3;
	s4 =	sadd.s32 s4, s22  }
0x6: {  	_ =	strace $0x8000004D;
	s5 =	sadd.s32 $0x84400, s4;
	s4 =	simm.s32 $0x2  }
0x7: {  	[tilespmem:s3], [sflag:$0x2] =	stream.linear.gather [hbm4b:s5+s3], $0x400, $0x38;
	[tilespmem:$0x10400] =	vst v63  }
0x8: {  	_ =	swait.ge [sflag:s4], $0x400  }
0x9: {  	[sflag:s4] =	ssyncset.done $0x0  }
0xa: {  	s6 =	simm.s32 $0x80;
	s7 =	simm.s32 $0x400;
	[sflag:s4] =	ssyncadd.s32 $0xFFFFFC00  }
0xb: {  	[tilespmem:s7], [sflag:$0x1] =	stream.indirect.gather [hbm4b:s2+s6], $0x40, s3, s6, $0xb8;
	[tilespmem:$0x10400] =	vst v63  }
0xc: {  	s8 =	simm.s32 $0x2400  }
0xd: {  	[tilespmem:s8], [sflag:$0x1] =	stream.indirect.gather [hbm4b:s2+s6], $0x40, s6, s6, $0xb8;
	[tilespmem:$0x10400] =	vst v63  }
0xe: {  	s9 =	simm.s32 $0x100;
	s10 =	simm.s32 $0x4400  }
0xf: {  	[tilespmem:s10], [sflag:$0x1] =	stream.indirect.gather [hbm4b:s2+s6], $0x40, s9, s6, $0xb8;
	[tilespmem:$0x10400] =	vst v63  }
0x10: {  	s11 =	simm.s32 $0x180;
	s12 =	simm.s32 $0x6400  }
0x11: {  	[tilespmem:s12], [sflag:$0x1] =	stream.indirect.gather [hbm4b:s2+s6], $0x40, s11, s6, $0xb8;
	[tilespmem:$0x10400] =	vst v63  }
0x12: {  	s13 =	simm.s32 $0x200;
	s14 =	simm.s32 $0x8400  }
0x13: {  	[tilespmem:s14], [sflag:$0x1] =	stream.indirect.gather [hbm4b:s2+s6], $0x40, s13, s6, $0xb8;
	[tilespmem:$0x10400] =	vst v63  }
0x14: {  	s15 =	simm.s32 $0x280;
	s16 =	simm.s32 $0xA400  }
0x15: {  	[tilespmem:s16], [sflag:$0x1] =	stream.indirect.gather [hbm4b:s2+s6], $0x40, s15, s6, $0xb8;
	[tilespmem:$0x10400] =	vst v63  }
0x16: {  	s17 =	simm.s32 $0x300;
	s18 =	simm.s32 $0xC400  }
0x17: {  	[tilespmem:s18], [sflag:$0x1] =	stream.indirect.gather [hbm4b:s2+s6], $0x40, s17, s6, $0xb8;
	[tilespmem:$0x10400] =	vst v63  }
0x18: {  	s19 =	simm.s32 $0x380;
	s20 =	simm.s32 $0xE400;
	s21 =	simm.s32 $0x1  }
0x19: {  	[tilespmem:s20], [sflag:$0x1] =	stream.indirect.gather [hbm4b:s2+s6], $0x40, s19, s6, $0xb8;
	[tilespmem:$0x10400] =	vst v63  }
0x1a: {  	_ =	swait.ge [sflag:s21], $0x2000  }
0x1b: {  	[sflag:s21] =	ssyncset.done $0x0  }
0x1c: {  	[sflag:s21] =	ssyncadd.s32 $0xFFFFE000  }
0x1d: {  	_ =	swait.ge [sflag:s21], $0x2000  }
0x1e: {  	[sflag:s21] =	ssyncset.done $0x0  }
0x1f: {  	[sflag:s21] =	ssyncadd.s32 $0xFFFFE000  }
0x20: {  	_ =	swait.ge [sflag:s21], $0x2000  }
0x21: {  	[sflag:s21] =	ssyncset.done $0x0  }
0x22: {  	[sflag:s21] =	ssyncadd.s32 $0xFFFFE000  }
0x23: {  	_ =	swait.ge [sflag:s21], $0x2000  }
0x24: {  	[sflag:s21] =	ssyncset.done $0x0  }
0x25: {  	[sflag:s21] =	ssyncadd.s32 $0xFFFFE000  }
0x26: {  	_ =	swait.ge [sflag:s21], $0x2000  }
0x27: {  	[sflag:s21] =	ssyncset.done $0x0  }
0x28: {  	[sflag:s21] =	ssyncadd.s32 $0xFFFFE000  }
0x29: {  	_ =	swait.ge [sflag:s21], $0x2000  }
0x2a: {  	[sflag:s21] =	ssyncset.done $0x0  }
0x2b: {  	s23 =	ssub.s32 $0x2, s23;
	[sflag:s21] =	ssyncadd.s32 $0xFFFFE000  }
0x2c: {  	s25 =	sshrl.u32 s23, $0x1;
	_ =	swait.ge [sflag:s21], $0x2000  }
0x2d: {  	s23 =	ssub.s32 s23, s25;
	[sflag:s21] =	ssyncset.done $0x0  }
0x2e: {  	s23 =	smax.u32 s23, $0x1;
	[sflag:s21] =	ssyncadd.s32 $0xFFFFE000  }
0x2f: {  	s24 =	sshll.u32 s24, $0xD;
	p0 =	sne.s32 s23, $0x1;
	_ =	swait.ge [sflag:s21], $0x2000  }
.Ltmp0:
0x30: {  	s22 =	sadd.s32 s24, s22;
	[sflag:s21] =	ssyncset.done $0x0;
	(pc) =	sbr.rel @!p0 .LBB2_2-.Ltmp0, $4  }
0x31: {  	s22 =	sadd.s32 $0x85400, s22;
	[sflag:s21] =	ssyncadd.s32 $0xFFFFE000  }
0x32: {  	[hbm4b:s22+s3] =	stream.linear.scatter [tilespmem:s7], [sflag:$0x2], $0x10000, $0x38;
	[tilespmem:$0x10400] =	vst v63  }
0x33: {  	_ =	swait.ge [sflag:s4], $0x10000  }
0x34: {  	s23 =	sadd.s32 $0xFFFFFFFF, s23;
	[sflag:s4] =	ssyncset.done $0x0  }
.LBB2_1:
0x35: {  	p0 =	sne.s32 s23, $0x1;
	s23 =	sadd.s32 $0xFFFFFFFF, s23;
	[sflag:s4] =	ssyncadd.s32 $0xFFFF0000  }
0x36: {  	[tilespmem:s3], [sflag:$0x2] =	stream.linear.gather [hbm4b:s5+s3], $0x400, $0x38;
	[tilespmem:$0x10400] =	vst v63  }
0x37: {  	_ =	swait.ge [sflag:s4], $0x400  }
0x38: {  	[sflag:s4] =	ssyncset.done $0x0  }
0x39: {  	[sflag:s4] =	ssyncadd.s32 $0xFFFFFC00  }
0x3a: {  	[tilespmem:s7], [sflag:$0x1] =	stream.indirect.gather [hbm4b:s2+s6], $0x40, s3, s6, $0xb8;
	[tilespmem:$0x10400] =	vst v63  }
0x3b: {  	_ = 	snop  }
0x3c: {  	[tilespmem:s8], [sflag:$0x1] =	stream.indirect.gather [hbm4b:s2+s6], $0x40, s6, s6, $0xb8;
	[tilespmem:$0x10400] =	vst v63  }
0x3d: {  	_ = 	snop  }
0x3e: {  	[tilespmem:s10], [sflag:$0x1] =	stream.indirect.gather [hbm4b:s2+s6], $0x40, s9, s6, $0xb8;
	[tilespmem:$0x10400] =	vst v63  }
0x3f: {  	_ = 	snop  }
0x40: {  	[tilespmem:s12], [sflag:$0x1] =	stream.indirect.gather [hbm4b:s2+s6], $0x40, s11, s6, $0xb8;
	[tilespmem:$0x10400] =	vst v63  }
0x41: {  	_ = 	snop  }
0x42: {  	[tilespmem:s14], [sflag:$0x1] =	stream.indirect.gather [hbm4b:s2+s6], $0x40, s13, s6, $0xb8;
	[tilespmem:$0x10400] =	vst v63  }
0x43: {  	_ = 	snop  }
0x44: {  	[tilespmem:s16], [sflag:$0x1] =	stream.indirect.gather [hbm4b:s2+s6], $0x40, s15, s6, $0xb8;
	[tilespmem:$0x10400] =	vst v63  }
0x45: {  	_ = 	snop  }
0x46: {  	[tilespmem:s18], [sflag:$0x1] =	stream.indirect.gather [hbm4b:s2+s6], $0x40, s17, s6, $0xb8;
	[tilespmem:$0x10400] =	vst v63  }
0x47: {  	_ = 	snop  }
0x48: {  	[tilespmem:s20], [sflag:$0x1] =	stream.indirect.gather [hbm4b:s2+s6], $0x40, s19, s6, $0xb8;
	[tilespmem:$0x10400] =	vst v63  }
0x49: {  	_ =	swait.ge [sflag:s21], $0x2000  }
0x4a: {  	[sflag:s21] =	ssyncset.done $0x0  }
0x4b: {  	[sflag:s21] =	ssyncadd.s32 $0xFFFFE000  }
0x4c: {  	_ =	swait.ge [sflag:s21], $0x2000  }
0x4d: {  	[sflag:s21] =	ssyncset.done $0x0  }
0x4e: {  	[sflag:s21] =	ssyncadd.s32 $0xFFFFE000  }
0x4f: {  	_ =	swait.ge [sflag:s21], $0x2000  }
0x50: {  	[sflag:s21] =	ssyncset.done $0x0  }
0x51: {  	[sflag:s21] =	ssyncadd.s32 $0xFFFFE000  }
0x52: {  	_ =	swait.ge [sflag:s21], $0x2000  }
0x53: {  	[sflag:s21] =	ssyncset.done $0x0  }
0x54: {  	[sflag:s21] =	ssyncadd.s32 $0xFFFFE000  }
0x55: {  	_ =	swait.ge [sflag:s21], $0x2000  }
0x56: {  	[sflag:s21] =	ssyncset.done $0x0  }
0x57: {  	[sflag:s21] =	ssyncadd.s32 $0xFFFFE000  }
0x58: {  	_ =	swait.ge [sflag:s21], $0x2000  }
0x59: {  	[sflag:s21] =	ssyncset.done $0x0  }
0x5a: {  	[sflag:s21] =	ssyncadd.s32 $0xFFFFE000  }
0x5b: {  	_ =	swait.ge [sflag:s21], $0x2000  }
0x5c: {  	[sflag:s21] =	ssyncset.done $0x0  }
0x5d: {  	[sflag:s21] =	ssyncadd.s32 $0xFFFFE000  }
0x5e: {  	_ =	swait.ge [sflag:s21], $0x2000  }
.Ltmp1:
0x5f: {  	[sflag:s21] =	ssyncset.done $0x0;
	(pc) =	sbr.rel @p0 .LBB2_1-.Ltmp1, $4  }
0x60: {  	[sflag:s21] =	ssyncadd.s32 $0xFFFFE000  }
0x61: {  	[hbm4b:s22+s3] =	stream.linear.scatter [tilespmem:s7], [sflag:$0x2], $0x10000, $0x38;
	[tilespmem:$0x10400] =	vst v63  }
0x62: {  	_ =	swait.ge [sflag:s4], $0x10000  }
0x63: {  	[sflag:s4] =	ssyncset.done $0x0  }
.LBB2_2:
0x64: {  	[sflag:s4] =	ssyncadd.s32 $0xFFFF0000  }
0x65: {  	_ =	sfence.sel $0x180000  }
0x66: {  	[bflag:$0x0] =	sbarrier.arrive $0xFFFF  }
0x67: {  	p0 =	sne.s32 s0, $0x0;
	_ =	strace $0x9000004D  }
0x68: {  	s0 =	sadd.s32 @!p0 $0x100000, s1;
	[bflag:$0x2] =	sbarrier.arrive $0xFFFF  }
0x69: {  	[sflag:s0] =	ssyncadd.tile.s32 @!p0 $0x1;
	_ =	shalt  }
.Lfunc_end2:
_tile_overlayer_lowered:
.L_overlay_start_2:
0x6a: {  	(tag) =	ssettag $0x2  }
0x6b: {  	s0 =	rddreg [dreg:$0x0];
	s2 =	stileid.u32  }
0x6c: {  	s1 =	rddreg [dreg:$0x1];
	p0 =	sne.s32 s2, $0x0  }
0x6d: {  	s3 =	rddreg [dreg:$0x2];
	[bflag:$0x3] =	sbarrier.arrive $0xFFFF;
	s2 =	simm.s32 @!p0 $0x1C02  }
0x6e: {  	[timem:s3], [sflag:s2] =	dma.local @!p0 [hbm:s0], s1  }
0x6f: {  	s0 =	simm.s32 @!p0 $0x2  }
0x70: {  	_ =	swait.ge @!p0 [sflag:s0], s1  }
0x71: {  	s1 =	ssub.s32 @!p0 $0x0, s1;
	[sflag:s0] =	ssyncset.done @!p0 $0x0  }
0x72: {  	[sflag:s0] =	ssyncadd.s32 @!p0 s1  }
0x73: {  	[bflag:$0x3] =	sbarrier.arrive $0xFFFF  }
0x74: {  	_ =	shalt  }

// kernel: kernel.20.cloned.1.call-start
scs
__scs_entry_jumppad:
0x0: {  	(pc) =	sbr.rel $0x88, $3  }
0x1: {  	(tag) =	ssettag $0x0;
	lr =	simm.s32 $0x1  }
0x2: {  	[smem:$0x3F9A] =	sst lr;
	_ =	strace $0xD0000000  }
0x3: {  	_ = 	snop  }
0x4: {  	_ = 	snop  }
0x5: {  	_ = 	snop  }
0x6: {  	_ = 	snop  }
0x7: {  	_ = 	snop  }
__scs_overlays_trampoline_lowered:
0x8: {  	[smem:$0x3FA9] =	sst s0  }
0x9: {  	[smem:$0x3FAA] =	sst s1  }
0xa: {  	[smem:$0x3FAB] =	sst s2  }
0xb: {  	[smem:$0x3FAC] =	sst s3  }
0xc: {  	[smem:$0x3FAD] =	sst s4  }
0xd: {  	[smem:$0x3FAE] =	sst s5  }
0xe: {  	[smem:$0x3FAF] =	sst s6  }
0xf: {  	[smem:$0x3FB0] =	sst s7  }
0x10: {  	[smem:$0x3FB1] =	sst s8  }
0x11: {  	[smem:$0x3FB2] =	sst s9;
	s0 =	simm.s32 @!p0 $0x0  }
0x12: {  	s1 =	sld [smem:$0x3F98];
	s0 =	simm.s32 @p0 $0x1  }
0x13: {  	[smem:$0x3FB3] =	sst s0;
	s0 =	simm.s32 @!p1 $0x0  }
0x14: {  	s2 =	sld [smem:$0x3F97];
	s0 =	simm.s32 @p1 $0x1  }
0x15: {  	[smem:$0x3FB4] =	sst s0;
	s0 =	simm.s32 @!p2 $0x0  }
0x16: {  	s3 =	sld [smem:$0x3FDB];
	s0 =	simm.s32 @p2 $0x1  }
0x17: {  	s4 =	simm.s32 $0x1BF5;
	[smem:$0x3FB6] =	sst s0  }
0x18: {  	s0 =	sld [smem:$0x3F99];
	_ =	swait.ge [sflag:s4], $0x0  }
0x19: {  	s7 =	sld [smem:$0x3F9A]  }
0x1a: {  	s8 =	sadd.s32 $0xFFFFE003, lr  }
0x1b: {  	s9 =	sadd.s32 $0xFFFFFEF7, lr;
	s5 =	simm.s32 $0xFFFFFFFF;
	p2 =	slt.u32 s8, $0xFFFFF086  }
0x1c: {  	p1 =	slt.u32 s9, $0xF7A;
	s5 =	simm.s32 @!p2 $0x0  }
0x1d: {  	s5 =	simm.s32 @p1 $0x1;
	p0 =	seq.s32 s7, s2  }
0x1e: {  	s7 =	smul.u32 @!p0 $0xF7A, s2;
	p2 =	seq.s32 @!p0 s5, $0x0  }
0x1f: {  	s9 =	smul.u32 $0xF7A, s1;
	s8 =	simm.s32 @!p0 $0x1BF5;
	p2 =	por !p2, p0  }
0x20: {  	[sflag:s8] =	ssyncset.s32 @!p0 $0xFFFFF086;
	s6 =	sadd.s32 @!p0 s3, s7;
	s7 =	simm.s32 @!p0 $0x108  }
0x21: {  	s3 =	sadd.s32 s3, s9;
	s6 =	sadd.s32 @!p0 $0x88, s6;
	s7 =	simm.s32 @p2 $0x1082  }
0x22: {  	[simem:s7], [sflag:s8] =	dma.local @!p0 [hbm:s6], $0xF7A  }
0x23: {  	s9 =	sor.u32 $0xD0000000, s2;
	s6 =	simm.s32 $0x108;
	_ =	swait.ge @!p0 [sflag:s8], $0x0  }
0x24: {  	s3 =	sadd.s32 $0x88, s3;
	s6 =	simm.s32 @!p1 $0x1082;
	[sflag:s4] =	ssyncset.s32 $0xFFFFF086  }
0x25: {  	[simem:s6], [sflag:s4] =	dma.local [hbm:s3], $0xF7A  }
0x26: {  	[smem:$0x3F9A] =	sst s1;
	(tag) =	ssettag s2;
	_ =	strace s9  }
0x27: {  	s1 =	sld [smem:$0x3FAA]  }
0x28: {  	s2 =	sld [smem:$0x3FAB]  }
0x29: {  	s4 =	sld [smem:$0x3FAD]  }
0x2a: {  	p0 =	seq.s32 s5, $0x0;
	s5 =	sld [smem:$0x3FAE]  }
0x2b: {  	s6 =	sld [smem:$0x3FAF]  }
0x2c: {  	s7 =	sld [smem:$0x3FB0]  }
0x2d: {  	s3 =	simm.s32 $0x108;
	s8 =	sld [smem:$0x3FB1]  }
0x2e: {  	s3 =	simm.s32 @!p0 $0x1082;
	s9 =	sld [smem:$0x3FB2]  }
0x2f: {  	lr =	sadd.s32 s0, s3;
	s0 =	sld [smem:$0x3FA9]  }
0x30: {  	s3 =	sld [smem:$0x3FAC]  }
0x31: {  	[smem:$0x3FB5] =	sst s10  }
0x32: {  	s10 =	sld [smem:$0x3FB3];
	_ =	sdelay $0x3  }
0x33: {  	p0 =	seq.s32 s10, $0x1;
	s10 =	sld [smem:$0x3FB5];
	_ =	sdelay $0x3  }
0x34: {  	[smem:$0x3FB5] =	sst s10  }
0x35: {  	s10 =	sld [smem:$0x3FB4];
	_ =	sdelay $0x3  }
0x36: {  	p1 =	seq.s32 s10, $0x1;
	s10 =	sld [smem:$0x3FB5];
	_ =	sdelay $0x3  }
0x37: {  	[smem:$0x3FB5] =	sst s10  }
0x38: {  	s10 =	sld [smem:$0x3FB6]  }
0x39: {  	_ = 	snop;
	(pc) =	sbr.ind lr, $3  }
0x3a: {  	_ = 	snop  }
0x3b: {  	_ = 	snop  }
0x3c: {  	p2 =	seq.s32 s10, $0x1;
	s10 =	sld [smem:$0x3FB5]  }
0x3d: {  	_ =	shalt  }
0x3e: {  	_ =	shalt  }
0x3f: {  	_ =	shalt  }
0x40: {  	_ =	shalt  }
0x41: {  	_ =	shalt  }
0x42: {  	_ =	shalt  }
0x43: {  	_ =	shalt  }
0x44: {  	_ =	shalt  }
0x45: {  	_ =	shalt  }
0x46: {  	_ =	shalt  }
0x47: {  	_ =	shalt  }
0x48: {  	_ =	shalt  }
0x49: {  	_ =	shalt  }
0x4a: {  	_ =	shalt  }
0x4b: {  	_ =	shalt  }
0x4c: {  	_ =	shalt  }
0x4d: {  	_ =	shalt  }
0x4e: {  	_ =	shalt  }
0x4f: {  	_ =	shalt  }
0x50: {  	_ =	shalt  }
0x51: {  	_ =	shalt  }
0x52: {  	_ =	shalt  }
0x53: {  	_ =	shalt  }
0x54: {  	_ =	shalt  }
0x55: {  	_ =	shalt  }
0x56: {  	_ =	shalt  }
0x57: {  	_ =	shalt  }
0x58: {  	_ =	shalt  }
0x59: {  	_ =	shalt  }
0x5a: {  	_ =	shalt  }
0x5b: {  	_ =	shalt  }
0x5c: {  	_ =	shalt  }
0x5d: {  	_ =	shalt  }
0x5e: {  	_ =	shalt  }
0x5f: {  	_ =	shalt  }
0x60: {  	_ =	shalt  }
0x61: {  	_ =	shalt  }
0x62: {  	_ =	shalt  }
0x63: {  	_ =	shalt  }
0x64: {  	_ =	shalt  }
0x65: {  	_ =	shalt  }
0x66: {  	_ =	shalt  }
0x67: {  	_ =	shalt  }
0x68: {  	_ =	shalt  }
0x69: {  	_ =	shalt  }
0x6a: {  	_ =	shalt  }
0x6b: {  	_ =	shalt  }
0x6c: {  	_ =	shalt  }
0x6d: {  	_ =	shalt  }
0x6e: {  	_ =	shalt  }
0x6f: {  	_ =	shalt  }
0x70: {  	_ =	shalt  }
0x71: {  	_ =	shalt  }
0x72: {  	_ =	shalt  }
0x73: {  	_ =	shalt  }
0x74: {  	_ =	shalt  }
0x75: {  	_ =	shalt  }
0x76: {  	_ =	shalt  }
0x77: {  	_ =	shalt  }
0x78: {  	_ =	shalt  }
0x79: {  	_ =	shalt  }
0x7a: {  	_ =	shalt  }
0x7b: {  	_ =	shalt  }
0x7c: {  	_ =	shalt  }
0x7d: {  	_ =	shalt  }
0x7e: {  	_ =	shalt  }
0x7f: {  	_ =	shalt  }
0x80: {  	_ =	shalt  }
0x81: {  	_ =	shalt  }
0x82: {  	_ =	shalt  }
0x83: {  	_ =	shalt  }
0x84: {  	_ =	shalt  }
0x85: {  	_ =	shalt  }
0x86: {  	_ =	shalt  }
0x87: {  	_ =	shalt  }
.Lfunc_end0:
.L_simem_size_0:
called_computation.2_lowered:
.L_overlay_start_0:
0x88: {  	s2 =	sld [smem:$0x3FD9]  }
0x89: {  	s3 =	sld [smem:$0x3FFE];
	_ =	sdelay $0x1  }
0x8a: {  	s1 =	srdreg.scid  }
0x8b: {  	s0 =	sand.u32 $0x1, s1  }
0x8c: {  	s17 =	sshll.u32 s0, $0xA;
	s2 =	sadd.s32 s3, s2  }
0x8d: {  	s2 =	sadd.s32 s2, s17  }
0x8e: {  	[smem:$0x3FC1] =	sst s2  }
0x8f: {  	_ = 	snop  }
0x90: {  	s2 =	sld [smem:$0x3FD0];
	(tm) =	ssettm $0x1  }
0x91: {  	s18 =	sld [smem:$0x3FFB];
	_ =	sdelay $0x3  }
0x92: {  	_ =	strace s18  }
0x93: {  	s3 =	sld [smem:$0x3FFC];
	_ =	sdelay $0x3  }
0x94: {  	_ =	strace s3  }
0x95: {  	s3 =	sld [smem:$0x3FFD];
	_ =	sdelay $0x3  }
0x96: {  	_ =	strace s3  }
0x97: {  	_ =	strace $0x8FFFFFFF  }
0x98: {  	s19 =	sld [smem:$0x3FDB];
	_ =	sdelay $0x1  }
0x99: {  	s4 =	simm.s32 $_scs_section_size  }
0x9a: {  	s5 =	simm.s32 $_size__tile_overlayer_lowered;
	s6 =	simm.s32 $_tile_overlayer_lowered  }
0x9b: {  	s22 =	simm.s32 $0x1BFF;
	s21 =	sshll.u32 s6, $0x1;
	s3 =	sadd.s32 s4, s19  }
0x9c: {  	s7 =	simm.s32 $0x0;
	s20 =	sshll.u32 s5, $0x1;
	s5 =	sadd.s32 s21, s3  }
0x9d: {  	[timem:s7], [sflag:s22] =	dma.local [hbm:s5], s20  }
0x9e: {  	_ =	swait.ge [sflag:s22], s20  }
0x9f: {  	s4 =	ssub.s32 $0x0, s20;
	[sflag:s22] =	ssyncset.done $0x0  }
0xa0: {  	[sflag:s22] =	ssyncadd.s32 s4;
	_ =	sdelay $0x1  }
0xa1: {  	s23 =	simm.s32 $0x1B8B  }
0xa2: {  	_ =	swait.ge [sflag:s23], $0x1  }
0xa3: {  	[sflag:s23] =	ssyncset.done $0x0  }
0xa4: {  	s25 =	simm.s32 $0x1B8E;
	s24 =	sld [smem:$0x3FFE];
	[sflag:s23] =	ssyncadd.s32 $0xFFFFFFFF  }
0xa5: {  	s26 =	simm.s32 $execute0_lowered;
	[smem:$0x3FD2] =	sst s25  }
0xa6: {  	s5 =	sshll.u32 s26, $0x1;
	_ =	strace $0x80000046;
	[dreg:$0x1] =	wrdreg $0xFFFFFFFF  }
0xa7: {  	s28 =	simm.s32 $_size_execute0_lowered;
	s3 =	sadd.s32 s3, s5;
	[dreg:$0x0] =	wrdreg $0x0  }
0xa8: {  	s5 =	sshll.u32 s28, $0x1;
	[dreg:$0x2] =	wrdreg s3  }
0xa9: {  	[dreg:$0x3] =	wrdreg s5  }
0xaa: {  	[dreg:$0x4] =	wrdreg $0xC0  }
0xab: {  	_ =	task [dreg:s7], $0x5FFFF  }
0xac: {  	[dreg:$0x1] =	wrdreg $0xFFFFFFFF  }
0xad: {  	[dreg:$0x0] =	wrdreg $0x60  }
0xae: {  	[dreg:$0x2] =	wrdreg s2  }
0xaf: {  	[dreg:$0x3] =	wrdreg s24  }
0xb0: {  	[dreg:$0x4] =	wrdreg $0xB  }
0xb1: {  	_ =	task.clear_ibuf [dreg:s7], $0x5FFFF;
	_ =	strace $0x90000046  }
0xb2: {  	s29 =	simm.s32 $0xB;
	_ =	strace $0x80000048  }
0xb3: {  	_ =	swait.ge [sflag:s29], $0x1  }
0xb4: {  	[sflag:s29] =	ssyncadd.s32 $0xFFFFFFFF  }
0xb5: {  	_ =	strace $0x90000048  }
0xb6: {  	_ =	sfence  }
0xb7: {  	s30 =	sld [smem:$0x0];
	_ =	sdelay $0x2  }
0xb8: {  	s31 =	sshll.u32 s1, $0xD;
	s1 =	sshrl.u32 s1, $0x2  }
0xb9: {  	s3 =	sand.u32 $0x4000, s31;
	s1 =	sadd.s32 s1, s30  }
0xba: {  	s0 =	sor.u32 s3, s0;
	s1 =	sshll.u32 s1, $0x11  }
0xbb: {  	s0 =	sor.u32 s1, s0  }
0xbc: {  	s0 =	sadd.s32 $0x8F2B, s0  }
0xbd: {  	[sflag:s0] =	ssyncadd.remote.s32 $0x1  }
0xbe: {  	_ =	sfence.sel $0xFFFF  }
0xbf: {  	[dreg:$0x0] =	wrdreg $0xFFFFFFFF;
	(pc) =	sbr.abs _section_cstart, $3  }
0xc0: {  	[dreg:$0x1] =	wrdreg $0xFFFFFFFF  }
0xc1: {  	_ =	task.clear_ibuf [dreg:s7], $0x2FFFF;
	_ =	strace $0x9FFFFFFF  }
0xc2: {  	(tm) =	ssettm $0x7FFFFFFF  }
0xc3: {  	_ =	shalt  }
tec
execute0_lowered:
.L_overlay_start_1:
0x0: {  	(tag) =	ssettag $0x1  }
0x1: {  	s1 =	srdreg.scid;
	s0 =	stileid.u32  }
0x2: {  	s2 =	rddreg [dreg:$0x0];
	s23 =	sand.u32 $0x1, s1;
	s31 =	sshll.u32 s0, $0x1  }
0x3: {  	s22 =	rddreg [dreg:$0x1];
	s24 =	sor.u32 s23, s31  }
0x4: {  	s3 =	simm.s32 $0x0;
	s1 =	rddreg [dreg:$0x2];
	s4 =	sshll.u32 s24, $0x7  }
0x5: {  	[smem:$0x7FF] =	sst s3;
	s4 =	sadd.s32 s4, s22  }
0x6: {  	_ =	strace $0x80000047;
	s5 =	sadd.s32 $0x2400, s4;
	s4 =	simm.s32 $0x2  }
0x7: {  	[tilespmem:s3], [sflag:$0x2] =	stream.linear.gather [hbm4b:s5+s3], $0x400, $0x38;
	[tilespmem:$0x10400] =	vst v63  }
0x8: {  	_ =	swait.ge [sflag:s4], $0x400  }
0x9: {  	[sflag:s4] =	ssyncset.done $0x0  }
0xa: {  	s6 =	simm.s32 $0x80;
	s7 =	simm.s32 $0x400;
	[sflag:s4] =	ssyncadd.s32 $0xFFFFFC00  }
0xb: {  	[tilespmem:s7], [sflag:$0x1] =	stream.indirect.gather [hbm4b:s2+s6], $0x40, s3, s6, $0xb8;
	[tilespmem:$0x10400] =	vst v63  }
0xc: {  	s8 =	simm.s32 $0x2400  }
0xd: {  	[tilespmem:s8], [sflag:$0x1] =	stream.indirect.gather [hbm4b:s2+s6], $0x40, s6, s6, $0xb8;
	[tilespmem:$0x10400] =	vst v63  }
0xe: {  	s9 =	simm.s32 $0x100;
	s10 =	simm.s32 $0x4400  }
0xf: {  	[tilespmem:s10], [sflag:$0x1] =	stream.indirect.gather [hbm4b:s2+s6], $0x40, s9, s6, $0xb8;
	[tilespmem:$0x10400] =	vst v63  }
0x10: {  	s11 =	simm.s32 $0x180;
	s12 =	simm.s32 $0x6400  }
0x11: {  	[tilespmem:s12], [sflag:$0x1] =	stream.indirect.gather [hbm4b:s2+s6], $0x40, s11, s6, $0xb8;
	[tilespmem:$0x10400] =	vst v63  }
0x12: {  	s13 =	simm.s32 $0x200;
	s14 =	simm.s32 $0x8400  }
0x13: {  	[tilespmem:s14], [sflag:$0x1] =	stream.indirect.gather [hbm4b:s2+s6], $0x40, s13, s6, $0xb8;
	[tilespmem:$0x10400] =	vst v63  }
0x14: {  	s15 =	simm.s32 $0x280;
	s16 =	simm.s32 $0xA400  }
0x15: {  	[tilespmem:s16], [sflag:$0x1] =	stream.indirect.gather [hbm4b:s2+s6], $0x40, s15, s6, $0xb8;
	[tilespmem:$0x10400] =	vst v63  }
0x16: {  	s17 =	simm.s32 $0x300;
	s18 =	simm.s32 $0xC400  }
0x17: {  	[tilespmem:s18], [sflag:$0x1] =	stream.indirect.gather [hbm4b:s2+s6], $0x40, s17, s6, $0xb8;
	[tilespmem:$0x10400] =	vst v63  }
0x18: {  	s19 =	simm.s32 $0x380;
	s20 =	simm.s32 $0xE400;
	s21 =	simm.s32 $0x1  }
0x19: {  	[tilespmem:s20], [sflag:$0x1] =	stream.indirect.gather [hbm4b:s2+s6], $0x40, s19, s6, $0xb8;
	[tilespmem:$0x10400] =	vst v63  }
0x1a: {  	_ =	swait.ge [sflag:s21], $0x2000  }
0x1b: {  	[sflag:s21] =	ssyncset.done $0x0  }
0x1c: {  	[sflag:s21] =	ssyncadd.s32 $0xFFFFE000  }
0x1d: {  	_ =	swait.ge [sflag:s21], $0x2000  }
0x1e: {  	[sflag:s21] =	ssyncset.done $0x0  }
0x1f: {  	[sflag:s21] =	ssyncadd.s32 $0xFFFFE000  }
0x20: {  	_ =	swait.ge [sflag:s21], $0x2000  }
0x21: {  	[sflag:s21] =	ssyncset.done $0x0  }
0x22: {  	[sflag:s21] =	ssyncadd.s32 $0xFFFFE000  }
0x23: {  	_ =	swait.ge [sflag:s21], $0x2000  }
0x24: {  	[sflag:s21] =	ssyncset.done $0x0  }
0x25: {  	[sflag:s21] =	ssyncadd.s32 $0xFFFFE000  }
0x26: {  	_ =	swait.ge [sflag:s21], $0x2000  }
0x27: {  	[sflag:s21] =	ssyncset.done $0x0  }
0x28: {  	[sflag:s21] =	ssyncadd.s32 $0xFFFFE000  }
0x29: {  	_ =	swait.ge [sflag:s21], $0x2000  }
0x2a: {  	[sflag:s21] =	ssyncset.done $0x0  }
0x2b: {  	s23 =	ssub.s32 $0x2, s23;
	[sflag:s21] =	ssyncadd.s32 $0xFFFFE000  }
0x2c: {  	s25 =	sshrl.u32 s23, $0x1;
	_ =	swait.ge [sflag:s21], $0x2000  }
0x2d: {  	s23 =	ssub.s32 s23, s25;
	[sflag:s21] =	ssyncset.done $0x0  }
0x2e: {  	s23 =	smax.u32 s23, $0x1;
	[sflag:s21] =	ssyncadd.s32 $0xFFFFE000  }
0x2f: {  	s24 =	sshll.u32 s24, $0xD;
	p0 =	sne.s32 s23, $0x1;
	_ =	swait.ge [sflag:s21], $0x2000  }
.Ltmp0:
0x30: {  	s22 =	sadd.s32 s24, s22;
	[sflag:s21] =	ssyncset.done $0x0;
	(pc) =	sbr.rel @!p0 .LBB2_2-.Ltmp0, $4  }
0x31: {  	s22 =	sadd.s32 $0x3400, s22;
	[sflag:s21] =	ssyncadd.s32 $0xFFFFE000  }
0x32: {  	[hbm4b:s22+s3] =	stream.linear.scatter [tilespmem:s7], [sflag:$0x2], $0x10000, $0x38;
	[tilespmem:$0x10400] =	vst v63  }
0x33: {  	_ =	swait.ge [sflag:s4], $0x10000  }
0x34: {  	s23 =	sadd.s32 $0xFFFFFFFF, s23;
	[sflag:s4] =	ssyncset.done $0x0  }
.LBB2_1:
0x35: {  	p0 =	sne.s32 s23, $0x1;
	s23 =	sadd.s32 $0xFFFFFFFF, s23;
	[sflag:s4] =	ssyncadd.s32 $0xFFFF0000  }
0x36: {  	[tilespmem:s3], [sflag:$0x2] =	stream.linear.gather [hbm4b:s5+s3], $0x400, $0x38;
	[tilespmem:$0x10400] =	vst v63  }
0x37: {  	_ =	swait.ge [sflag:s4], $0x400  }
0x38: {  	[sflag:s4] =	ssyncset.done $0x0  }
0x39: {  	[sflag:s4] =	ssyncadd.s32 $0xFFFFFC00  }
0x3a: {  	[tilespmem:s7], [sflag:$0x1] =	stream.indirect.gather [hbm4b:s2+s6], $0x40, s3, s6, $0xb8;
	[tilespmem:$0x10400] =	vst v63  }
0x3b: {  	_ = 	snop  }
0x3c: {  	[tilespmem:s8], [sflag:$0x1] =	stream.indirect.gather [hbm4b:s2+s6], $0x40, s6, s6, $0xb8;
	[tilespmem:$0x10400] =	vst v63  }
0x3d: {  	_ = 	snop  }
0x3e: {  	[tilespmem:s10], [sflag:$0x1] =	stream.indirect.gather [hbm4b:s2+s6], $0x40, s9, s6, $0xb8;
	[tilespmem:$0x10400] =	vst v63  }
0x3f: {  	_ = 	snop  }
0x40: {  	[tilespmem:s12], [sflag:$0x1] =	stream.indirect.gather [hbm4b:s2+s6], $0x40, s11, s6, $0xb8;
	[tilespmem:$0x10400] =	vst v63  }
0x41: {  	_ = 	snop  }
0x42: {  	[tilespmem:s14], [sflag:$0x1] =	stream.indirect.gather [hbm4b:s2+s6], $0x40, s13, s6, $0xb8;
	[tilespmem:$0x10400] =	vst v63  }
0x43: {  	_ = 	snop  }
0x44: {  	[tilespmem:s16], [sflag:$0x1] =	stream.indirect.gather [hbm4b:s2+s6], $0x40, s15, s6, $0xb8;
	[tilespmem:$0x10400] =	vst v63  }
0x45: {  	_ = 	snop  }
0x46: {  	[tilespmem:s18], [sflag:$0x1] =	stream.indirect.gather [hbm4b:s2+s6], $0x40, s17, s6, $0xb8;
	[tilespmem:$0x10400] =	vst v63  }
0x47: {  	_ = 	snop  }
0x48: {  	[tilespmem:s20], [sflag:$0x1] =	stream.indirect.gather [hbm4b:s2+s6], $0x40, s19, s6, $0xb8;
	[tilespmem:$0x10400] =	vst v63  }
0x49: {  	_ =	swait.ge [sflag:s21], $0x2000  }
0x4a: {  	[sflag:s21] =	ssyncset.done $0x0  }
0x4b: {  	[sflag:s21] =	ssyncadd.s32 $0xFFFFE000  }
0x4c: {  	_ =	swait.ge [sflag:s21], $0x2000  }
0x4d: {  	[sflag:s21] =	ssyncset.done $0x0  }
0x4e: {  	[sflag:s21] =	ssyncadd.s32 $0xFFFFE000  }
0x4f: {  	_ =	swait.ge [sflag:s21], $0x2000  }
0x50: {  	[sflag:s21] =	ssyncset.done $0x0  }
0x51: {  	[sflag:s21] =	ssyncadd.s32 $0xFFFFE000  }
0x52: {  	_ =	swait.ge [sflag:s21], $0x2000  }
0x53: {  	[sflag:s21] =	ssyncset.done $0x0  }
0x54: {  	[sflag:s21] =	ssyncadd.s32 $0xFFFFE000  }
0x55: {  	_ =	swait.ge [sflag:s21], $0x2000  }
0x56: {  	[sflag:s21] =	ssyncset.done $0x0  }
0x57: {  	[sflag:s21] =	ssyncadd.s32 $0xFFFFE000  }
0x58: {  	_ =	swait.ge [sflag:s21], $0x2000  }
0x59: {  	[sflag:s21] =	ssyncset.done $0x0  }
0x5a: {  	[sflag:s21] =	ssyncadd.s32 $0xFFFFE000  }
0x5b: {  	_ =	swait.ge [sflag:s21], $0x2000  }
0x5c: {  	[sflag:s21] =	ssyncset.done $0x0  }
0x5d: {  	[sflag:s21] =	ssyncadd.s32 $0xFFFFE000  }
0x5e: {  	_ =	swait.ge [sflag:s21], $0x2000  }
.Ltmp1:
0x5f: {  	[sflag:s21] =	ssyncset.done $0x0;
	(pc) =	sbr.rel @p0 .LBB2_1-.Ltmp1, $4  }
0x60: {  	[sflag:s21] =	ssyncadd.s32 $0xFFFFE000  }
0x61: {  	[hbm4b:s22+s3] =	stream.linear.scatter [tilespmem:s7], [sflag:$0x2], $0x10000, $0x38;
	[tilespmem:$0x10400] =	vst v63  }
0x62: {  	_ =	swait.ge [sflag:s4], $0x10000  }
0x63: {  	[sflag:s4] =	ssyncset.done $0x0  }
.LBB2_2:
0x64: {  	[sflag:s4] =	ssyncadd.s32 $0xFFFF0000  }
0x65: {  	_ =	sfence.sel $0x180000  }
0x66: {  	[bflag:$0x0] =	sbarrier.arrive $0xFFFF  }
0x67: {  	p0 =	sne.s32 s0, $0x0;
	_ =	strace $0x90000047  }
0x68: {  	s0 =	sadd.s32 @!p0 $0x100000, s1;
	[bflag:$0x2] =	sbarrier.arrive $0xFFFF  }
0x69: {  	[sflag:s0] =	ssyncadd.tile.s32 @!p0 $0x1;
	_ =	shalt  }
.Lfunc_end2:
_tile_overlayer_lowered:
.L_overlay_start_2:
0x6a: {  	(tag) =	ssettag $0x2  }
0x6b: {  	s0 =	rddreg [dreg:$0x0];
	s2 =	stileid.u32  }
0x6c: {  	s1 =	rddreg [dreg:$0x1];
	p0 =	sne.s32 s2, $0x0  }
0x6d: {  	s3 =	rddreg [dreg:$0x2];
	[bflag:$0x3] =	sbarrier.arrive $0xFFFF;
	s2 =	simm.s32 @!p0 $0x1C02  }
0x6e: {  	[timem:s3], [sflag:s2] =	dma.local @!p0 [hbm:s0], s1  }
0x6f: {  	s0 =	simm.s32 @!p0 $0x2  }
0x70: {  	_ =	swait.ge @!p0 [sflag:s0], s1  }
0x71: {  	s1 =	ssub.s32 @!p0 $0x0, s1;
	[sflag:s0] =	ssyncset.done @!p0 $0x0  }
0x72: {  	[sflag:s0] =	ssyncadd.s32 @!p0 s1  }
0x73: {  	[bflag:$0x3] =	sbarrier.arrive $0xFFFF  }
0x74: {  	_ =	shalt  }

// kernel: kernel.23.cloned.1.call-start
scs
__scs_entry_jumppad:
0x0: {  	(pc) =	sbr.rel $0x88, $3  }
0x1: {  	(tag) =	ssettag $0x0;
	lr =	simm.s32 $0x1  }
0x2: {  	[smem:$0x3F9A] =	sst lr;
	_ =	strace $0xD0000000  }
0x3: {  	_ = 	snop  }
0x4: {  	_ = 	snop  }
0x5: {  	_ = 	snop  }
0x6: {  	_ = 	snop  }
0x7: {  	_ = 	snop  }
__scs_overlays_trampoline_lowered:
0x8: {  	[smem:$0x3FA9] =	sst s0  }
0x9: {  	[smem:$0x3FAA] =	sst s1  }
0xa: {  	[smem:$0x3FAB] =	sst s2  }
0xb: {  	[smem:$0x3FAC] =	sst s3  }
0xc: {  	[smem:$0x3FAD] =	sst s4  }
0xd: {  	[smem:$0x3FAE] =	sst s5  }
0xe: {  	[smem:$0x3FAF] =	sst s6  }
0xf: {  	[smem:$0x3FB0] =	sst s7  }
0x10: {  	[smem:$0x3FB1] =	sst s8  }
0x11: {  	[smem:$0x3FB2] =	sst s9;
	s0 =	simm.s32 @!p0 $0x0  }
0x12: {  	s1 =	sld [smem:$0x3F98];
	s0 =	simm.s32 @p0 $0x1  }
0x13: {  	[smem:$0x3FB3] =	sst s0;
	s0 =	simm.s32 @!p1 $0x0  }
0x14: {  	s2 =	sld [smem:$0x3F97];
	s0 =	simm.s32 @p1 $0x1  }
0x15: {  	[smem:$0x3FB4] =	sst s0;
	s0 =	simm.s32 @!p2 $0x0  }
0x16: {  	s3 =	sld [smem:$0x3FDB];
	s0 =	simm.s32 @p2 $0x1  }
0x17: {  	s4 =	simm.s32 $0x1BF5;
	[smem:$0x3FB6] =	sst s0  }
0x18: {  	s0 =	sld [smem:$0x3F99];
	_ =	swait.ge [sflag:s4], $0x0  }
0x19: {  	s7 =	sld [smem:$0x3F9A]  }
0x1a: {  	s8 =	sadd.s32 $0xFFFFE003, lr  }
0x1b: {  	s9 =	sadd.s32 $0xFFFFFEF7, lr;
	s5 =	simm.s32 $0xFFFFFFFF;
	p2 =	slt.u32 s8, $0xFFFFF086  }
0x1c: {  	p1 =	slt.u32 s9, $0xF7A;
	s5 =	simm.s32 @!p2 $0x0  }
0x1d: {  	s5 =	simm.s32 @p1 $0x1;
	p0 =	seq.s32 s7, s2  }
0x1e: {  	s7 =	smul.u32 @!p0 $0xF7A, s2;
	p2 =	seq.s32 @!p0 s5, $0x0  }
0x1f: {  	s9 =	smul.u32 $0xF7A, s1;
	s8 =	simm.s32 @!p0 $0x1BF5;
	p2 =	por !p2, p0  }
0x20: {  	[sflag:s8] =	ssyncset.s32 @!p0 $0xFFFFF086;
	s6 =	sadd.s32 @!p0 s3, s7;
	s7 =	simm.s32 @!p0 $0x108  }
0x21: {  	s3 =	sadd.s32 s3, s9;
	s6 =	sadd.s32 @!p0 $0x88, s6;
	s7 =	simm.s32 @p2 $0x1082  }
0x22: {  	[simem:s7], [sflag:s8] =	dma.local @!p0 [hbm:s6], $0xF7A  }
0x23: {  	s9 =	sor.u32 $0xD0000000, s2;
	s6 =	simm.s32 $0x108;
	_ =	swait.ge @!p0 [sflag:s8], $0x0  }
0x24: {  	s3 =	sadd.s32 $0x88, s3;
	s6 =	simm.s32 @!p1 $0x1082;
	[sflag:s4] =	ssyncset.s32 $0xFFFFF086  }
0x25: {  	[simem:s6], [sflag:s4] =	dma.local [hbm:s3], $0xF7A  }
0x26: {  	[smem:$0x3F9A] =	sst s1;
	(tag) =	ssettag s2;
	_ =	strace s9  }
0x27: {  	s1 =	sld [smem:$0x3FAA]  }
0x28: {  	s2 =	sld [smem:$0x3FAB]  }
0x29: {  	s4 =	sld [smem:$0x3FAD]  }
0x2a: {  	p0 =	seq.s32 s5, $0x0;
	s5 =	sld [smem:$0x3FAE]  }
0x2b: {  	s6 =	sld [smem:$0x3FAF]  }
0x2c: {  	s7 =	sld [smem:$0x3FB0]  }
0x2d: {  	s3 =	simm.s32 $0x108;
	s8 =	sld [smem:$0x3FB1]  }
0x2e: {  	s3 =	simm.s32 @!p0 $0x1082;
	s9 =	sld [smem:$0x3FB2]  }
0x2f: {  	lr =	sadd.s32 s0, s3;
	s0 =	sld [smem:$0x3FA9]  }
0x30: {  	s3 =	sld [smem:$0x3FAC]  }
0x31: {  	[smem:$0x3FB5] =	sst s10  }
0x32: {  	s10 =	sld [smem:$0x3FB3];
	_ =	sdelay $0x3  }
0x33: {  	p0 =	seq.s32 s10, $0x1;
	s10 =	sld [smem:$0x3FB5];
	_ =	sdelay $0x3  }
0x34: {  	[smem:$0x3FB5] =	sst s10  }
0x35: {  	s10 =	sld [smem:$0x3FB4];
	_ =	sdelay $0x3  }
0x36: {  	p1 =	seq.s32 s10, $0x1;
	s10 =	sld [smem:$0x3FB5];
	_ =	sdelay $0x3  }
0x37: {  	[smem:$0x3FB5] =	sst s10  }
0x38: {  	s10 =	sld [smem:$0x3FB6]  }
0x39: {  	_ = 	snop;
	(pc) =	sbr.ind lr, $3  }
0x3a: {  	_ = 	snop  }
0x3b: {  	_ = 	snop  }
0x3c: {  	p2 =	seq.s32 s10, $0x1;
	s10 =	sld [smem:$0x3FB5]  }
0x3d: {  	_ =	shalt  }
0x3e: {  	_ =	shalt  }
0x3f: {  	_ =	shalt  }
0x40: {  	_ =	shalt  }
0x41: {  	_ =	shalt  }
0x42: {  	_ =	shalt  }
0x43: {  	_ =	shalt  }
0x44: {  	_ =	shalt  }
0x45: {  	_ =	shalt  }
0x46: {  	_ =	shalt  }
0x47: {  	_ =	shalt  }
0x48: {  	_ =	shalt  }
0x49: {  	_ =	shalt  }
0x4a: {  	_ =	shalt  }
0x4b: {  	_ =	shalt  }
0x4c: {  	_ =	shalt  }
0x4d: {  	_ =	shalt  }
0x4e: {  	_ =	shalt  }
0x4f: {  	_ =	shalt  }
0x50: {  	_ =	shalt  }
0x51: {  	_ =	shalt  }
0x52: {  	_ =	shalt  }
0x53: {  	_ =	shalt  }
0x54: {  	_ =	shalt  }
0x55: {  	_ =	shalt  }
0x56: {  	_ =	shalt  }
0x57: {  	_ =	shalt  }
0x58: {  	_ =	shalt  }
0x59: {  	_ =	shalt  }
0x5a: {  	_ =	shalt  }
0x5b: {  	_ =	shalt  }
0x5c: {  	_ =	shalt  }
0x5d: {  	_ =	shalt  }
0x5e: {  	_ =	shalt  }
0x5f: {  	_ =	shalt  }
0x60: {  	_ =	shalt  }
0x61: {  	_ =	shalt  }
0x62: {  	_ =	shalt  }
0x63: {  	_ =	shalt  }
0x64: {  	_ =	shalt  }
0x65: {  	_ =	shalt  }
0x66: {  	_ =	shalt  }
0x67: {  	_ =	shalt  }
0x68: {  	_ =	shalt  }
0x69: {  	_ =	shalt  }
0x6a: {  	_ =	shalt  }
0x6b: {  	_ =	shalt  }
0x6c: {  	_ =	shalt  }
0x6d: {  	_ =	shalt  }
0x6e: {  	_ =	shalt  }
0x6f: {  	_ =	shalt  }
0x70: {  	_ =	shalt  }
0x71: {  	_ =	shalt  }
0x72: {  	_ =	shalt  }
0x73: {  	_ =	shalt  }
0x74: {  	_ =	shalt  }
0x75: {  	_ =	shalt  }
0x76: {  	_ =	shalt  }
0x77: {  	_ =	shalt  }
0x78: {  	_ =	shalt  }
0x79: {  	_ =	shalt  }
0x7a: {  	_ =	shalt  }
0x7b: {  	_ =	shalt  }
0x7c: {  	_ =	shalt  }
0x7d: {  	_ =	shalt  }
0x7e: {  	_ =	shalt  }
0x7f: {  	_ =	shalt  }
0x80: {  	_ =	shalt  }
0x81: {  	_ =	shalt  }
0x82: {  	_ =	shalt  }
0x83: {  	_ =	shalt  }
0x84: {  	_ =	shalt  }
0x85: {  	_ =	shalt  }
0x86: {  	_ =	shalt  }
0x87: {  	_ =	shalt  }
.Lfunc_end0:
.L_simem_size_0:
called_computation.3_lowered:
.L_overlay_start_0:
0x88: {  	s2 =	sld [smem:$0x3FD9]  }
0x89: {  	s3 =	sld [smem:$0x3FFE];
	_ =	sdelay $0x1  }
0x8a: {  	s1 =	srdreg.scid  }
0x8b: {  	s0 =	sand.u32 $0x1, s1  }
0x8c: {  	s17 =	sshll.u32 s0, $0xA;
	s2 =	sadd.s32 s3, s2  }
0x8d: {  	s2 =	sadd.s32 s2, s17  }
0x8e: {  	[smem:$0x3FC1] =	sst s2  }
0x8f: {  	_ = 	snop  }
0x90: {  	s18 =	sld [smem:$0x3FD0];
	(tm) =	ssettm $0x1  }
0x91: {  	s19 =	sld [smem:$0x3FFB];
	_ =	sdelay $0x3  }
0x92: {  	_ =	strace s19  }
0x93: {  	s2 =	sld [smem:$0x3FFC];
	_ =	sdelay $0x3  }
0x94: {  	_ =	strace s2  }
0x95: {  	s2 =	sld [smem:$0x3FFD];
	_ =	sdelay $0x3  }
0x96: {  	_ =	strace s2  }
0x97: {  	_ =	strace $0x8FFFFFFF  }
0x98: {  	s20 =	sld [smem:$0x3FDB];
	_ =	sdelay $0x1  }
0x99: {  	s4 =	simm.s32 $_scs_section_size  }
0x9a: {  	s5 =	simm.s32 $_size__tile_overlayer_lowered;
	s6 =	simm.s32 $_tile_overlayer_lowered  }
0x9b: {  	s7 =	simm.s32 $0x1BFF;
	s21 =	sshll.u32 s6, $0x1;
	s4 =	sadd.s32 s4, s20  }
0x9c: {  	s22 =	simm.s32 $0x0;
	s5 =	sshll.u32 s5, $0x1;
	s6 =	sadd.s32 s21, s4  }
0x9d: {  	[timem:s22], [sflag:s7] =	dma.local [hbm:s6], s5  }
0x9e: {  	_ =	swait.ge [sflag:s7], s5  }
0x9f: {  	s5 =	ssub.s32 $0x0, s5;
	[sflag:s7] =	ssyncset.done $0x0  }
0xa0: {  	[sflag:s7] =	ssyncadd.s32 s5;
	_ =	sdelay $0x1  }
0xa1: {  	s23 =	simm.s32 $0x1B8B  }
0xa2: {  	_ =	swait.ge [sflag:s23], $0x1  }
0xa3: {  	[sflag:s23] =	ssyncset.done $0x0  }
0xa4: {  	[sflag:s23] =	ssyncadd.s32 $0xFFFFFFFF  }
0xa5: {  	s5 =	sld [smem:$0x0]  }
0xa6: {  	s6 =	sand.u32 $0xFFFFFFFE, s1  }
0xa7: {  	p0 =	sne.s32 s1, s6  }
0xa8: {  	s6 =	sshll.u32 @p0 s6, $0xE  }
0xa9: {  	s6 =	sadd.s32 @p0 $0x11B8D, s6;
	s7 =	sshll.u32 @p0 s5, $0x11  }
0xaa: {  	s6 =	sor.u32 @p0 s7, s6  }
0xab: {  	[sflag:s6] =	ssyncadd.remote.s32 @p0 $0x1;
	_ =	sdelay $0x1  }
0xac: {  	s6 =	simm.s32 @p0 $0x1B8D  }
0xad: {  	_ =	swait.eq @p0 [sflag:s6], $0x1  }
0xae: {  	[sflag:s6] =	ssyncadd.s32 @p0 $0xFFFFFFFF  }
0xaf: {  	s7 =	sshll.u32 @!p0 s1, $0xE  }
0xb0: {  	s7 =	sor.u32 @!p0 $0x4000, s7;
	s6 =	simm.s32 @!p0 $0x1B8D  }
0xb1: {  	s5 =	sshll.u32 @!p0 s5, $0x11;
	s7 =	sadd.s32 @!p0 $0x11B8D, s7;
	_ =	swait.eq @!p0 [sflag:s6], $0x1  }
0xb2: {  	s5 =	sor.u32 @!p0 s5, s7;
	[sflag:s6] =	ssyncadd.s32 @!p0 $0xFFFFFFFF  }
0xb3: {  	s25 =	simm.s32 $0x1B8E;
	s24 =	sld [smem:$0x3FFE];
	[sflag:s5] =	ssyncadd.remote.s32 @!p0 $0x1  }
0xb4: {  	s26 =	simm.s32 $execute0_lowered;
	[smem:$0x3FD2] =	sst s25  }
0xb5: {  	s6 =	sshll.u32 s26, $0x1;
	_ =	strace $0x8000004F;
	[dreg:$0x1] =	wrdreg $0xFFFFFFFF  }
0xb6: {  	s28 =	simm.s32 $_size_execute0_lowered;
	s4 =	sadd.s32 s4, s6;
	[dreg:$0x0] =	wrdreg $0x0  }
0xb7: {  	s6 =	sshll.u32 s28, $0x1;
	[dreg:$0x2] =	wrdreg s4  }
0xb8: {  	[dreg:$0x3] =	wrdreg s6  }
0xb9: {  	[dreg:$0x4] =	wrdreg $0xC0  }
0xba: {  	_ =	task [dreg:s22], $0x5FFFF  }
0xbb: {  	[dreg:$0x1] =	wrdreg $0xFFFFFFFF  }
0xbc: {  	[dreg:$0x0] =	wrdreg $0x60  }
0xbd: {  	[dreg:$0x2] =	wrdreg s18  }
0xbe: {  	[dreg:$0x3] =	wrdreg s24  }
0xbf: {  	[dreg:$0x4] =	wrdreg $0xC  }
0xc0: {  	_ =	task.clear_ibuf [dreg:s22], $0x5FFFF;
	_ =	strace $0x9000004F  }
0xc1: {  	s29 =	simm.s32 $0xC;
	_ =	strace $0x80000051  }
0xc2: {  	_ =	swait.ge [sflag:s29], $0x1  }
0xc3: {  	[sflag:s29] =	ssyncadd.s32 $0xFFFFFFFF  }
0xc4: {  	_ =	strace $0x90000051  }
0xc5: {  	_ =	sfence  }
0xc6: {  	s30 =	sld [smem:$0x0];
	_ =	sdelay $0x2  }
0xc7: {  	s31 =	sshll.u32 s1, $0xD;
	s1 =	sshrl.u32 s1, $0x2  }
0xc8: {  	s4 =	sand.u32 $0x4000, s31;
	s1 =	sadd.s32 s1, s30  }
0xc9: {  	s0 =	sor.u32 s4, s0;
	s1 =	sshll.u32 s1, $0x11  }
0xca: {  	s0 =	sor.u32 s1, s0  }
0xcb: {  	s0 =	sadd.s32 $0x8F2B, s0  }
0xcc: {  	[sflag:s0] =	ssyncadd.remote.s32 $0x1  }
0xcd: {  	_ =	sfence.sel $0xFFFF  }
0xce: {  	[dreg:$0x0] =	wrdreg $0xFFFFFFFF;
	(pc) =	sbr.abs _section_cstart, $3  }
0xcf: {  	[dreg:$0x1] =	wrdreg $0xFFFFFFFF  }
0xd0: {  	_ =	task.clear_ibuf [dreg:s22], $0x2FFFF;
	_ =	strace $0x9FFFFFFF  }
0xd1: {  	(tm) =	ssettm $0x7FFFFFFF  }
tec
execute0_lowered:
.L_overlay_start_1:
0x0: {  	(tag) =	ssettag $0x1  }
0x1: {  	s1 =	srdreg.scid;
	s0 =	stileid.u32  }
0x2: {  	s2 =	rddreg [dreg:$0x0];
	s23 =	sand.u32 $0x1, s1;
	s31 =	sshll.u32 s0, $0x1  }
0x3: {  	s22 =	rddreg [dreg:$0x1];
	s24 =	sor.u32 s23, s31  }
0x4: {  	s3 =	simm.s32 $0x0;
	s1 =	rddreg [dreg:$0x2];
	s4 =	sshll.u32 s24, $0x7  }
0x5: {  	[smem:$0x7FF] =	sst s3;
	s4 =	sadd.s32 s4, s22  }
0x6: {  	_ =	strace $0x80000050;
	s5 =	sadd.s32 $0xC5400, s4;
	s4 =	simm.s32 $0x2  }
0x7: {  	[tilespmem:s3], [sflag:$0x2] =	stream.linear.gather [hbm4b:s5+s3], $0x400, $0x38;
	[tilespmem:$0x10400] =	vst v63  }
0x8: {  	_ =	swait.ge [sflag:s4], $0x400  }
0x9: {  	[sflag:s4] =	ssyncset.done $0x0  }
0xa: {  	s6 =	simm.s32 $0x80;
	s7 =	simm.s32 $0x400;
	[sflag:s4] =	ssyncadd.s32 $0xFFFFFC00  }
0xb: {  	[tilespmem:s7], [sflag:$0x1] =	stream.indirect.gather [hbm4b:s2+s6], $0x40, s3, s6, $0xb8;
	[tilespmem:$0x10400] =	vst v63  }
0xc: {  	s8 =	simm.s32 $0x2400  }
0xd: {  	[tilespmem:s8], [sflag:$0x1] =	stream.indirect.gather [hbm4b:s2+s6], $0x40, s6, s6, $0xb8;
	[tilespmem:$0x10400] =	vst v63  }
0xe: {  	s9 =	simm.s32 $0x100;
	s10 =	simm.s32 $0x4400  }
0xf: {  	[tilespmem:s10], [sflag:$0x1] =	stream.indirect.gather [hbm4b:s2+s6], $0x40, s9, s6, $0xb8;
	[tilespmem:$0x10400] =	vst v63  }
0x10: {  	s11 =	simm.s32 $0x180;
	s12 =	simm.s32 $0x6400  }
0x11: {  	[tilespmem:s12], [sflag:$0x1] =	stream.indirect.gather [hbm4b:s2+s6], $0x40, s11, s6, $0xb8;
	[tilespmem:$0x10400] =	vst v63  }
0x12: {  	s13 =	simm.s32 $0x200;
	s14 =	simm.s32 $0x8400  }
0x13: {  	[tilespmem:s14], [sflag:$0x1] =	stream.indirect.gather [hbm4b:s2+s6], $0x40, s13, s6, $0xb8;
	[tilespmem:$0x10400] =	vst v63  }
0x14: {  	s15 =	simm.s32 $0x280;
	s16 =	simm.s32 $0xA400  }
0x15: {  	[tilespmem:s16], [sflag:$0x1] =	stream.indirect.gather [hbm4b:s2+s6], $0x40, s15, s6, $0xb8;
	[tilespmem:$0x10400] =	vst v63  }
0x16: {  	s17 =	simm.s32 $0x300;
	s18 =	simm.s32 $0xC400  }
0x17: {  	[tilespmem:s18], [sflag:$0x1] =	stream.indirect.gather [hbm4b:s2+s6], $0x40, s17, s6, $0xb8;
	[tilespmem:$0x10400] =	vst v63  }
0x18: {  	s19 =	simm.s32 $0x380;
	s20 =	simm.s32 $0xE400;
	s21 =	simm.s32 $0x1  }
0x19: {  	[tilespmem:s20], [sflag:$0x1] =	stream.indirect.gather [hbm4b:s2+s6], $0x40, s19, s6, $0xb8;
	[tilespmem:$0x10400] =	vst v63  }
0x1a: {  	_ =	swait.ge [sflag:s21], $0x2000  }
0x1b: {  	[sflag:s21] =	ssyncset.done $0x0  }
0x1c: {  	[sflag:s21] =	ssyncadd.s32 $0xFFFFE000  }
0x1d: {  	_ =	swait.ge [sflag:s21], $0x2000  }
0x1e: {  	[sflag:s21] =	ssyncset.done $0x0  }
0x1f: {  	[sflag:s21] =	ssyncadd.s32 $0xFFFFE000  }
0x20: {  	_ =	swait.ge [sflag:s21], $0x2000  }
0x21: {  	[sflag:s21] =	ssyncset.done $0x0  }
0x22: {  	[sflag:s21] =	ssyncadd.s32 $0xFFFFE000  }
0x23: {  	_ =	swait.ge [sflag:s21], $0x2000  }
0x24: {  	[sflag:s21] =	ssyncset.done $0x0  }
0x25: {  	[sflag:s21] =	ssyncadd.s32 $0xFFFFE000  }
0x26: {  	_ =	swait.ge [sflag:s21], $0x2000  }
0x27: {  	[sflag:s21] =	ssyncset.done $0x0  }
0x28: {  	[sflag:s21] =	ssyncadd.s32 $0xFFFFE000  }
0x29: {  	_ =	swait.ge [sflag:s21], $0x2000  }
0x2a: {  	[sflag:s21] =	ssyncset.done $0x0  }
0x2b: {  	s23 =	ssub.s32 $0x2, s23;
	[sflag:s21] =	ssyncadd.s32 $0xFFFFE000  }
0x2c: {  	s25 =	sshrl.u32 s23, $0x1;
	_ =	swait.ge [sflag:s21], $0x2000  }
0x2d: {  	s23 =	ssub.s32 s23, s25;
	[sflag:s21] =	ssyncset.done $0x0  }
0x2e: {  	s23 =	smax.u32 s23, $0x1;
	[sflag:s21] =	ssyncadd.s32 $0xFFFFE000  }
0x2f: {  	s24 =	sshll.u32 s24, $0xD;
	p0 =	sne.s32 s23, $0x1;
	_ =	swait.ge [sflag:s21], $0x2000  }
.Ltmp0:
0x30: {  	s22 =	sadd.s32 s24, s22;
	[sflag:s21] =	ssyncset.done $0x0;
	(pc) =	sbr.rel @!p0 .LBB2_2-.Ltmp0, $4  }
0x31: {  	s22 =	sadd.s32 $0xC6400, s22;
	[sflag:s21] =	ssyncadd.s32 $0xFFFFE000  }
0x32: {  	[hbm4b:s22+s3] =	stream.linear.scatter [tilespmem:s7], [sflag:$0x2], $0x10000, $0x38;
	[tilespmem:$0x10400] =	vst v63  }
0x33: {  	_ =	swait.ge [sflag:s4], $0x10000  }
0x34: {  	s23 =	sadd.s32 $0xFFFFFFFF, s23;
	[sflag:s4] =	ssyncset.done $0x0  }
.LBB2_1:
0x35: {  	p0 =	sne.s32 s23, $0x1;
	s23 =	sadd.s32 $0xFFFFFFFF, s23;
	[sflag:s4] =	ssyncadd.s32 $0xFFFF0000  }
0x36: {  	[tilespmem:s3], [sflag:$0x2] =	stream.linear.gather [hbm4b:s5+s3], $0x400, $0x38;
	[tilespmem:$0x10400] =	vst v63  }
0x37: {  	_ =	swait.ge [sflag:s4], $0x400  }
0x38: {  	[sflag:s4] =	ssyncset.done $0x0  }
0x39: {  	[sflag:s4] =	ssyncadd.s32 $0xFFFFFC00  }
0x3a: {  	[tilespmem:s7], [sflag:$0x1] =	stream.indirect.gather [hbm4b:s2+s6], $0x40, s3, s6, $0xb8;
	[tilespmem:$0x10400] =	vst v63  }
0x3b: {  	_ = 	snop  }
0x3c: {  	[tilespmem:s8], [sflag:$0x1] =	stream.indirect.gather [hbm4b:s2+s6], $0x40, s6, s6, $0xb8;
	[tilespmem:$0x10400] =	vst v63  }
0x3d: {  	_ = 	snop  }
0x3e: {  	[tilespmem:s10], [sflag:$0x1] =	stream.indirect.gather [hbm4b:s2+s6], $0x40, s9, s6, $0xb8;
	[tilespmem:$0x10400] =	vst v63  }
0x3f: {  	_ = 	snop  }
0x40: {  	[tilespmem:s12], [sflag:$0x1] =	stream.indirect.gather [hbm4b:s2+s6], $0x40, s11, s6, $0xb8;
	[tilespmem:$0x10400] =	vst v63  }
0x41: {  	_ = 	snop  }
0x42: {  	[tilespmem:s14], [sflag:$0x1] =	stream.indirect.gather [hbm4b:s2+s6], $0x40, s13, s6, $0xb8;
	[tilespmem:$0x10400] =	vst v63  }
0x43: {  	_ = 	snop  }
0x44: {  	[tilespmem:s16], [sflag:$0x1] =	stream.indirect.gather [hbm4b:s2+s6], $0x40, s15, s6, $0xb8;
	[tilespmem:$0x10400] =	vst v63  }
0x45: {  	_ = 	snop  }
0x46: {  	[tilespmem:s18], [sflag:$0x1] =	stream.indirect.gather [hbm4b:s2+s6], $0x40, s17, s6, $0xb8;
	[tilespmem:$0x10400] =	vst v63  }
0x47: {  	_ = 	snop  }
0x48: {  	[tilespmem:s20], [sflag:$0x1] =	stream.indirect.gather [hbm4b:s2+s6], $0x40, s19, s6, $0xb8;
	[tilespmem:$0x10400] =	vst v63  }
0x49: {  	_ =	swait.ge [sflag:s21], $0x2000  }
0x4a: {  	[sflag:s21] =	ssyncset.done $0x0  }
0x4b: {  	[sflag:s21] =	ssyncadd.s32 $0xFFFFE000  }
0x4c: {  	_ =	swait.ge [sflag:s21], $0x2000  }
0x4d: {  	[sflag:s21] =	ssyncset.done $0x0  }
0x4e: {  	[sflag:s21] =	ssyncadd.s32 $0xFFFFE000  }
0x4f: {  	_ =	swait.ge [sflag:s21], $0x2000  }
0x50: {  	[sflag:s21] =	ssyncset.done $0x0  }
0x51: {  	[sflag:s21] =	ssyncadd.s32 $0xFFFFE000  }
0x52: {  	_ =	swait.ge [sflag:s21], $0x2000  }
0x53: {  	[sflag:s21] =	ssyncset.done $0x0  }
0x54: {  	[sflag:s21] =	ssyncadd.s32 $0xFFFFE000  }
0x55: {  	_ =	swait.ge [sflag:s21], $0x2000  }
0x56: {  	[sflag:s21] =	ssyncset.done $0x0  }
0x57: {  	[sflag:s21] =	ssyncadd.s32 $0xFFFFE000  }
0x58: {  	_ =	swait.ge [sflag:s21], $0x2000  }
0x59: {  	[sflag:s21] =	ssyncset.done $0x0  }
0x5a: {  	[sflag:s21] =	ssyncadd.s32 $0xFFFFE000  }
0x5b: {  	_ =	swait.ge [sflag:s21], $0x2000  }
0x5c: {  	[sflag:s21] =	ssyncset.done $0x0  }
0x5d: {  	[sflag:s21] =	ssyncadd.s32 $0xFFFFE000  }
0x5e: {  	_ =	swait.ge [sflag:s21], $0x2000  }
.Ltmp1:
0x5f: {  	[sflag:s21] =	ssyncset.done $0x0;
	(pc) =	sbr.rel @p0 .LBB2_1-.Ltmp1, $4  }
0x60: {  	[sflag:s21] =	ssyncadd.s32 $0xFFFFE000  }
0x61: {  	[hbm4b:s22+s3] =	stream.linear.scatter [tilespmem:s7], [sflag:$0x2], $0x10000, $0x38;
	[tilespmem:$0x10400] =	vst v63  }
0x62: {  	_ =	swait.ge [sflag:s4], $0x10000  }
0x63: {  	[sflag:s4] =	ssyncset.done $0x0  }
.LBB2_2:
0x64: {  	[sflag:s4] =	ssyncadd.s32 $0xFFFF0000  }
0x65: {  	_ =	sfence.sel $0x180000  }
0x66: {  	[bflag:$0x0] =	sbarrier.arrive $0xFFFF  }
0x67: {  	p0 =	sne.s32 s0, $0x0;
	_ =	strace $0x90000050  }
0x68: {  	s0 =	sadd.s32 @!p0 $0x100000, s1;
	[bflag:$0x2] =	sbarrier.arrive $0xFFFF  }
0x69: {  	[sflag:s0] =	ssyncadd.tile.s32 @!p0 $0x1;
	_ =	shalt  }
.Lfunc_end2:
_tile_overlayer_lowered:
.L_overlay_start_2:
0x6a: {  	(tag) =	ssettag $0x2  }
0x6b: {  	s0 =	rddreg [dreg:$0x0];
	s2 =	stileid.u32  }
0x6c: {  	s1 =	rddreg [dreg:$0x1];
	p0 =	sne.s32 s2, $0x0  }
0x6d: {  	s3 =	rddreg [dreg:$0x2];
	[bflag:$0x3] =	sbarrier.arrive $0xFFFF;
	s2 =	simm.s32 @!p0 $0x1C02  }
0x6e: {  	[timem:s3], [sflag:s2] =	dma.local @!p0 [hbm:s0], s1  }
0x6f: {  	s0 =	simm.s32 @!p0 $0x2  }
0x70: {  	_ =	swait.ge @!p0 [sflag:s0], s1  }
0x71: {  	s1 =	ssub.s32 @!p0 $0x0, s1;
	[sflag:s0] =	ssyncset.done @!p0 $0x0  }
0x72: {  	[sflag:s0] =	ssyncadd.s32 @!p0 s1  }
0x73: {  	[bflag:$0x3] =	sbarrier.arrive $0xFFFF  }
0x74: {  	_ =	shalt  }

</sc_bundles>
